<compile_context>
chip_gen: v7x
topology: tpu7x:2x2x1
jax: 0.10.2.dev20260603
libtpu: 0.0.44.dev20260713+nightly
codegen_flags: <defaults>
</compile_context>

<pallas_src>
import functools

import jax
import jax.numpy as jnp
from jax import lax
from jax.experimental import pallas as pl
from jax.experimental.pallas import tpu as pltpu
from jax.experimental.pallas import tpu_sc as plsc

E = 8
B = 4096
K = 2048
CM = 2048
N = 1024

R = 256
B_PAD = B + E * R
T = B_PAD // R

NC = 2
NS = 16
NW = NC * NS


def _route(idxs_b):
    counts = jnp.bincount(idxs_b, length=E).astype(jnp.int32)
    tiles_per = (counts + R - 1) // R
    padded_start = (jnp.cumsum(tiles_per) - tiles_per) * R
    start_sorted = jnp.cumsum(counts) - counts
    order = jnp.argsort(idxs_b).astype(jnp.int32)
    sorted_ids = idxs_b[order]
    p = jnp.arange(B, dtype=jnp.int32)
    rank = p - start_sorted[sorted_ids]
    dst_pos = (padded_start[sorted_ids] + rank).astype(jnp.int32)
    src = (jnp.arange(B_PAD, dtype=jnp.int32) % B).at[dst_pos].set(order)
    dest = jnp.zeros((B,), jnp.int32).at[order].set(dst_pos)
    tile_start = jnp.arange(T, dtype=jnp.int32) * R
    gid = jnp.sum(tile_start[:, None] >= padded_start[None, :], axis=1) - 1
    gid = jnp.clip(gid, 0, E - 1).astype(jnp.int32)

    t_arr = jnp.arange(T, dtype=jnp.int32)
    real = (tile_start - padded_start[gid] < counts[gid]).astype(jnp.int32)
    run_first = jnp.concatenate(
        [jnp.ones((1,), jnp.int32), (gid[1:] != gid[:-1]).astype(jnp.int32)])
    ri = jnp.cumsum(run_first) - 1
    nr = ri[-1] + 1
    slot = (ri % 2).astype(jnp.int32)
    rsg = jnp.zeros((T,), jnp.int32).at[ri].set(gid)
    f_g = rsg[jnp.clip(ri + 1, 0, T - 1)]
    f_flag = (run_first == 1) & (ri + 1 < nr)
    f_slot = ((ri + 1) % 2).astype(jnp.int32)
    xtile = jax.lax.cummax(jnp.where(real == 1, t_arr, -1), axis=0)
    meta = jnp.stack([
        gid,
        slot,
        run_first,
        f_flag.astype(jnp.int32),
        f_g,
        f_slot,
        real,
        xtile,
        rsg,
    ])
    return src, dest, meta


def _sc_gather(table, idx, chunk):
    M = idx.shape[0]
    D = table.shape[1]
    m_per_w = M // NW
    n = m_per_w // chunk
    NBUF = 3
    assert n >= NBUF and m_per_w % chunk == 0 and chunk % 8 == 0
    mesh = plsc.VectorSubcoreMesh(core_axis_name="c", subcore_axis_name="s")

    @functools.partial(
        pl.kernel,
        mesh=mesh,
        out_type=jax.ShapeDtypeStruct((M, D), table.dtype),
        scratch_types=[
            pltpu.VMEM((m_per_w,), jnp.int32),
            [pltpu.VMEM((chunk, D), table.dtype)] * NBUF,
            [pltpu.SemaphoreType.DMA] * NBUF,
            [pltpu.SemaphoreType.DMA] * NBUF,
        ],
    )
    def k(table_hbm, idx_hbm, out_hbm, idx_v, bufs, sg, sw):
        wid = lax.axis_index("s") * NC + lax.axis_index("c")
        base = wid * m_per_w
        pltpu.sync_copy(idx_hbm.at[pl.ds(base, m_per_w)], idx_v)

        def gcopy(j):
            b = j % NBUF
            return pltpu.make_async_copy(
                table_hbm.at[idx_v.at[pl.ds(j * chunk, chunk)]], bufs[b], sg[b])

        def wcopy(j):
            b = j % NBUF
            return pltpu.make_async_copy(
                bufs[b], out_hbm.at[pl.ds(base + j * chunk, chunk)], sw[b])

        for j in range(NBUF - 1):
            gcopy(j).start()
        for j in range(n):
            nj = j + NBUF - 1
            if nj < n:
                if nj >= NBUF:
                    wcopy(nj - NBUF).wait()
                gcopy(nj).start()
            gcopy(j).wait()
            wcopy(j).start()
        for j in range(n - NBUF, n):
            wcopy(j).wait()

    return k(table, idx)


def _mlp_body(m_ref, x_ref, w1_hbm, b1_ref, w2_hbm, b2_ref, o_ref,
              w1b, w2b, s1, s2):
    t = pl.program_id(0)

    def start_fetch(g, sl):
        pltpu.make_async_copy(w1_hbm.at[g], w1b.at[sl], s1.at[sl]).start()
        pltpu.make_async_copy(w2_hbm.at[g], w2b.at[sl], s2.at[sl]).start()

    @pl.when(t == 0)
    def _():
        start_fetch(m_ref[8, 0], 0)

    @pl.when((m_ref[2, t] == 1) & (m_ref[3, t] == 1))
    def _():
        start_fetch(m_ref[4, t], m_ref[5, t])

    @pl.when(m_ref[2, t] == 1)
    def _():
        g = m_ref[0, t]
        sl = m_ref[1, t]
        pltpu.make_async_copy(w1_hbm.at[g], w1b.at[sl], s1.at[sl]).wait()
        pltpu.make_async_copy(w2_hbm.at[g], w2b.at[sl], s2.at[sl]).wait()

    @pl.when(m_ref[6, t] == 1)
    def _():
        sl = m_ref[1, t]
        x = x_ref[...]
        h = jnp.maximum(
            jnp.dot(x, w1b[sl].astype(jnp.bfloat16),
                    preferred_element_type=jnp.float32)
            + b1_ref[0],
            0.0,
        ).astype(jnp.bfloat16)
        o_ref[...] = (
            jnp.dot(h, w2b[sl].astype(jnp.bfloat16),
                    preferred_element_type=jnp.float32)
            + b2_ref[0]
        )


def _mlp(xs, W1, b1, W2, b2, meta):
    grid_spec = pltpu.PrefetchScalarGridSpec(
        num_scalar_prefetch=1,
        grid=(T,),
        in_specs=[
            pl.BlockSpec((R, K), lambda t, m: (m[7, t], 0)),
            pl.BlockSpec(memory_space=pl.ANY),
            pl.BlockSpec((1, 1, CM), lambda t, m: (m[0, t], 0, 0)),
            pl.BlockSpec(memory_space=pl.ANY),
            pl.BlockSpec((1, 1, N), lambda t, m: (m[0, t], 0, 0)),
        ],
        out_specs=pl.BlockSpec((R, N), lambda t, m: (t, 0)),
        scratch_shapes=[
            pltpu.VMEM((2, K, CM), jnp.float32),
            pltpu.VMEM((2, CM, N), jnp.float32),
            pltpu.SemaphoreType.DMA((2,)),
            pltpu.SemaphoreType.DMA((2,)),
        ],
    )
    return pl.pallas_call(
        _mlp_body,
        grid_spec=grid_spec,
        out_shape=jax.ShapeDtypeStruct((B_PAD, N), jnp.float32),
        compiler_params=pltpu.CompilerParams(
            dimension_semantics=("arbitrary",),
            vmem_limit_bytes=110 * 1024 * 1024,
        ),
    )(meta, xs, W1, b1.reshape(E, 1, CM), W2, b2.reshape(E, 1, N))


def kernel(xis, idxs_b, W1, b1, W2, b2):
    src, dest, meta = _route(idxs_b)
    xp = jax.lax.bitcast_convert_type(
        xis.astype(jnp.bfloat16).reshape(B, K // 2, 2), jnp.float32)
    xsp = _sc_gather(xp, src, 32)
    xs = jax.lax.bitcast_convert_type(xsp, jnp.bfloat16).reshape(B_PAD, K)
    ys = _mlp(xs, W1, b1, W2, b2, meta)
    return _sc_gather(ys, dest, 32)

# --- scband reference (transcript-rebuilt; emitter-appended) ---
"""Pipeline reference for scband-rule-set-88785563943771 (READ-ONLY COPY).

The authoritative reference and input builder live on the scoring server;
editing this copy changes nothing except your own understanding.
"""

import jax, jax.numpy as jnp
import numpy as np

N_EXPERTS = 8
CV = 1024
CM = 2048
B = 4096

def setup_inputs(seed: int = 0):
    key = jax.random.key(seed)
    ks = jax.random.split(key, 6)
    xis = jax.random.normal(ks[0], (B, CV * 2), dtype=jnp.float32)
    idxs_b = jax.random.randint(ks[1], (B,), 0, N_EXPERTS, dtype=jnp.int32)
    W1 = jax.random.normal(ks[2], (N_EXPERTS, CV * 2, CM), dtype=jnp.float32) * (1.0 / np.sqrt(CV * 2))
    b1 = jnp.zeros((N_EXPERTS, CM), dtype=jnp.float32)
    W2 = jax.random.normal(ks[3], (N_EXPERTS, CM, CV), dtype=jnp.float32) * (1.0 / np.sqrt(CM))
    b2 = jnp.zeros((N_EXPERTS, CV), dtype=jnp.float32)
    return {"xis": xis, "idxs_b": idxs_b, "W1": W1, "b1": b1, "W2": W2, "b2": b2}

def reference(xis, idxs_b, W1, b1, W2, b2):
    # Faithful translation of RuleSet.forward: per-rule (expert) token gather,
    # 2-layer MLP head per expert, scatter outputs back into token order.
    n = W1.shape[0]
    out = jnp.zeros((xis.shape[0], W2.shape[2]), dtype=xis.dtype)
    for i in range(n):
        mask = idxs_b == i
        h = jnp.maximum(xis @ W1[i] + b1[i], 0.0)
        o = h @ W2[i] + b2[i]
        out = jnp.where(mask[:, None], o, out)
    return out

if __name__ == "__main__":
    import jax
    _d = setup_inputs()
    print(jax.jit(kernel)(*tuple(_d.values())))

</pallas_src>

<mosaic_0001>
#map = affine_map<(d0, d1) -> (0, 0)>
#map1 = affine_map<(d0, d1) -> (0)>
module attributes {stable_mosaic.version = 14 : i64} {
  func.func @k(%arg0: i32, %arg1: i32, %arg2: memref<4096x1024xf32, #tpu.memory_space<hbm>>, %arg3: memref<6144xi32, #tpu.memory_space<hbm>>, %arg4: memref<6144x1024xf32, #tpu.memory_space<hbm>>, %arg5: memref<192xi32, #tpu.memory_space<vmem>>, %arg6: memref<32x1024xf32, #tpu.memory_space<vmem>>, %arg7: memref<32x1024xf32, #tpu.memory_space<vmem>>, %arg8: memref<32x1024xf32, #tpu.memory_space<vmem>>, %arg9: memref<!tpu.dma_semaphore, #tpu.memory_space<semaphore_mem>>, %arg10: memref<!tpu.dma_semaphore, #tpu.memory_space<semaphore_mem>>, %arg11: memref<!tpu.dma_semaphore, #tpu.memory_space<semaphore_mem>>, %arg12: memref<!tpu.dma_semaphore, #tpu.memory_space<semaphore_mem>>, %arg13: memref<!tpu.dma_semaphore, #tpu.memory_space<semaphore_mem>>, %arg14: memref<!tpu.dma_semaphore, #tpu.memory_space<semaphore_mem>>) attributes {dimension_semantics = [#tpu.dimension_semantics<core_parallel>, #tpu.dimension_semantics<subcore_parallel>], iteration_bounds = array<i64: 2, 16>, scalar_prefetch = 0 : i64, scratch_operands = 10 : i64, tpu.core_type = #tpu.core_type<sc_vector_subcore>, window_params = [{transform_indices = #map}, {transform_indices = #map1}, {transform_indices = #map}]} {
    %mul3A = arith.constant 2 : i32
    %mul3A_0 = arith.muli %arg1, %mul3A : i32
    %add3A = arith.addi %mul3A_0, %arg0 : i32
    %mul3A_1 = arith.constant 192 : i32
    %mul3A_2 = arith.muli %add3A, %mul3A_1 : i32
    "tpu.region"() ({
      %run_scoped3A = tpu.sem_alloc : memref<!tpu.dma_semaphore, #tpu.memory_space<semaphore_mem>>
      %dma_start3A_133 = tpu.memref_slice %arg3[%mul3A_2] : memref<6144xi32, #tpu.memory_space<hbm>> -> memref<192xi32, #tpu.memory_space<hbm>>
      %dma_start3A_134 = tpu.memref_slice %arg3[%mul3A_2] : memref<6144xi32, #tpu.memory_space<hbm>> -> memref<192xi32, #tpu.memory_space<hbm>>
      tpu.enqueue_dma source(%dma_start3A_134 : memref<192xi32, #tpu.memory_space<hbm>>) target(%arg5 : memref<192xi32, #tpu.memory_space<vmem>>) target_semaphore(%run_scoped3A : memref<!tpu.dma_semaphore, #tpu.memory_space<semaphore_mem>>)
      %dma_wait3A_135 = tpu.memref_slice %arg3[%mul3A_2] : memref<6144xi32, #tpu.memory_space<hbm>> -> memref<192xi32, #tpu.memory_space<hbm>>
      %dma_wait3A_136 = tpu.memref_slice %arg3[%mul3A_2] : memref<6144xi32, #tpu.memory_space<hbm>> -> memref<192xi32, #tpu.memory_space<hbm>>
      tpu.wait_dma2 semaphore(%run_scoped3A : memref<!tpu.dma_semaphore, #tpu.memory_space<semaphore_mem>>) src(%dma_wait3A_136 : memref<192xi32, #tpu.memory_space<hbm>>) dst(%arg5 : memref<192xi32, #tpu.memory_space<vmem>>)
      tpu.yield
    }) : () -> ()
    %dma_start3A = arith.constant 0 : i32
    %dma_start3A_3 = tpu.memref_slice %arg5[%dma_start3A] : memref<192xi32, #tpu.memory_space<vmem>> -> memref<32xi32, #tpu.memory_space<vmem>>
    %dma_start3A_4 = arith.constant 0 : i32
    %dma_start3A_5 = arith.constant 0 : i32
    %dma_start3A_6 = tpu.memref_slice %arg2[%dma_start3A_4, %dma_start3A_5] : memref<4096x1024xf32, #tpu.memory_space<hbm>> -> memref<4096x1024xf32, #tpu.memory_space<hbm>>
    tpu.enqueue_indirect_dma source(%dma_start3A_6 : memref<4096x1024xf32, #tpu.memory_space<hbm>>) target(%arg6 : memref<32x1024xf32, #tpu.memory_space<vmem>>) offsets(%dma_start3A_3 : memref<32xi32, #tpu.memory_space<vmem>>) semaphore(%arg9 : memref<!tpu.dma_semaphore, #tpu.memory_space<semaphore_mem>>)
    %dma_start3A_7 = arith.constant 32 : i32
    %dma_start3A_8 = tpu.memref_slice %arg5[%dma_start3A_7] : memref<192xi32, #tpu.memory_space<vmem>> -> memref<32xi32, #tpu.memory_space<vmem>>
    %dma_start3A_9 = arith.constant 0 : i32
    %dma_start3A_10 = arith.constant 0 : i32
    %dma_start3A_11 = tpu.memref_slice %arg2[%dma_start3A_9, %dma_start3A_10] : memref<4096x1024xf32, #tpu.memory_space<hbm>> -> memref<4096x1024xf32, #tpu.memory_space<hbm>>
    tpu.enqueue_indirect_dma source(%dma_start3A_11 : memref<4096x1024xf32, #tpu.memory_space<hbm>>) target(%arg7 : memref<32x1024xf32, #tpu.memory_space<vmem>>) offsets(%dma_start3A_8 : memref<32xi32, #tpu.memory_space<vmem>>) semaphore(%arg10 : memref<!tpu.dma_semaphore, #tpu.memory_space<semaphore_mem>>)
    %dma_start3A_12 = arith.constant 64 : i32
    %dma_start3A_13 = tpu.memref_slice %arg5[%dma_start3A_12] : memref<192xi32, #tpu.memory_space<vmem>> -> memref<32xi32, #tpu.memory_space<vmem>>
    %dma_start3A_14 = arith.constant 0 : i32
    %dma_start3A_15 = arith.constant 0 : i32
    %dma_start3A_16 = tpu.memref_slice %arg2[%dma_start3A_14, %dma_start3A_15] : memref<4096x1024xf32, #tpu.memory_space<hbm>> -> memref<4096x1024xf32, #tpu.memory_space<hbm>>
    tpu.enqueue_indirect_dma source(%dma_start3A_16 : memref<4096x1024xf32, #tpu.memory_space<hbm>>) target(%arg8 : memref<32x1024xf32, #tpu.memory_space<vmem>>) offsets(%dma_start3A_13 : memref<32xi32, #tpu.memory_space<vmem>>) semaphore(%arg11 : memref<!tpu.dma_semaphore, #tpu.memory_space<semaphore_mem>>)
    %dma_wait3A = arith.constant 0 : i32
    %dma_wait3A_17 = tpu.memref_slice %arg5[%dma_wait3A] : memref<192xi32, #tpu.memory_space<vmem>> -> memref<32xi32, #tpu.memory_space<vmem>>
    %dma_wait3A_18 = arith.constant 0 : i32
    %dma_wait3A_19 = arith.constant 0 : i32
    %dma_wait3A_20 = tpu.memref_slice %arg2[%dma_wait3A_18, %dma_wait3A_19] : memref<4096x1024xf32, #tpu.memory_space<hbm>> -> memref<4096x1024xf32, #tpu.memory_space<hbm>>
    tpu.wait_indirect_dma semaphore(%arg9 : memref<!tpu.dma_semaphore, #tpu.memory_space<semaphore_mem>>) src(%dma_wait3A_20 : memref<4096x1024xf32, #tpu.memory_space<hbm>>) dst(%arg6 : memref<32x1024xf32, #tpu.memory_space<vmem>>)
    %add3A_21 = arith.constant 0 : i32
    %add3A_22 = arith.addi %mul3A_2, %add3A_21 : i32
    %dma_start3A_23 = arith.constant 0 : i32
    %dma_start3A_24 = tpu.memref_slice %arg4[%add3A_22, %dma_start3A_23] : memref<6144x1024xf32, #tpu.memory_space<hbm>> -> memref<32x1024xf32, #tpu.memory_space<hbm>>
    %dma_start3A_25 = arith.constant 0 : i32
    %dma_start3A_26 = tpu.memref_slice %arg4[%add3A_22, %dma_start3A_25] : memref<6144x1024xf32, #tpu.memory_space<hbm>> -> memref<32x1024xf32, #tpu.memory_space<hbm>>
    tpu.enqueue_dma source(%arg6 : memref<32x1024xf32, #tpu.memory_space<vmem>>) target(%dma_start3A_26 : memref<32x1024xf32, #tpu.memory_space<hbm>>) target_semaphore(%arg12 : memref<!tpu.dma_semaphore, #tpu.memory_space<semaphore_mem>>)
    %add3A_27 = arith.constant 0 : i32
    %add3A_28 = arith.addi %mul3A_2, %add3A_27 : i32
    %dma_wait3A_29 = arith.constant 0 : i32
    %dma_wait3A_30 = tpu.memref_slice %arg4[%add3A_28, %dma_wait3A_29] : memref<6144x1024xf32, #tpu.memory_space<hbm>> -> memref<32x1024xf32, #tpu.memory_space<hbm>>
    %dma_wait3A_31 = arith.constant 0 : i32
    %dma_wait3A_32 = tpu.memref_slice %arg4[%add3A_28, %dma_wait3A_31] : memref<6144x1024xf32, #tpu.memory_space<hbm>> -> memref<32x1024xf32, #tpu.memory_space<hbm>>
    tpu.wait_dma2 semaphore(%arg12 : memref<!tpu.dma_semaphore, #tpu.memory_space<semaphore_mem>>) src(%arg6 : memref<32x1024xf32, #tpu.memory_space<vmem>>) dst(%dma_wait3A_32 : memref<32x1024xf32, #tpu.memory_space<hbm>>)
    %dma_start3A_33 = arith.constant 96 : i32
    %dma_start3A_34 = tpu.memref_slice %arg5[%dma_start3A_33] : memref<192xi32, #tpu.memory_space<vmem>> -> memref<32xi32, #tpu.memory_space<vmem>>
    %dma_start3A_35 = arith.constant 0 : i32
    %dma_start3A_36 = arith.constant 0 : i32
    %dma_start3A_37 = tpu.memref_slice %arg2[%dma_start3A_35, %dma_start3A_36] : memref<4096x1024xf32, #tpu.memory_space<hbm>> -> memref<4096x1024xf32, #tpu.memory_space<hbm>>
    tpu.enqueue_indirect_dma source(%dma_start3A_37 : memref<4096x1024xf32, #tpu.memory_space<hbm>>) target(%arg6 : memref<32x1024xf32, #tpu.memory_space<vmem>>) offsets(%dma_start3A_34 : memref<32xi32, #tpu.memory_space<vmem>>) semaphore(%arg9 : memref<!tpu.dma_semaphore, #tpu.memory_space<semaphore_mem>>)
    %dma_wait3A_38 = arith.constant 32 : i32
    %dma_wait3A_39 = tpu.memref_slice %arg5[%dma_wait3A_38] : memref<192xi32, #tpu.memory_space<vmem>> -> memref<32xi32, #tpu.memory_space<vmem>>
    %dma_wait3A_40 = arith.constant 0 : i32
    %dma_wait3A_41 = arith.constant 0 : i32
    %dma_wait3A_42 = tpu.memref_slice %arg2[%dma_wait3A_40, %dma_wait3A_41] : memref<4096x1024xf32, #tpu.memory_space<hbm>> -> memref<4096x1024xf32, #tpu.memory_space<hbm>>
    tpu.wait_indirect_dma semaphore(%arg10 : memref<!tpu.dma_semaphore, #tpu.memory_space<semaphore_mem>>) src(%dma_wait3A_42 : memref<4096x1024xf32, #tpu.memory_space<hbm>>) dst(%arg7 : memref<32x1024xf32, #tpu.memory_space<vmem>>)
    %add3A_43 = arith.constant 32 : i32
    %add3A_44 = arith.addi %mul3A_2, %add3A_43 : i32
    %dma_start3A_45 = arith.constant 0 : i32
    %dma_start3A_46 = tpu.memref_slice %arg4[%add3A_44, %dma_start3A_45] : memref<6144x1024xf32, #tpu.memory_space<hbm>> -> memref<32x1024xf32, #tpu.memory_space<hbm>>
    %dma_start3A_47 = arith.constant 0 : i32
    %dma_start3A_48 = tpu.memref_slice %arg4[%add3A_44, %dma_start3A_47] : memref<6144x1024xf32, #tpu.memory_space<hbm>> -> memref<32x1024xf32, #tpu.memory_space<hbm>>
    tpu.enqueue_dma source(%arg7 : memref<32x1024xf32, #tpu.memory_space<vmem>>) target(%dma_start3A_48 : memref<32x1024xf32, #tpu.memory_space<hbm>>) target_semaphore(%arg13 : memref<!tpu.dma_semaphore, #tpu.memory_space<semaphore_mem>>)
    %add3A_49 = arith.constant 32 : i32
    %add3A_50 = arith.addi %mul3A_2, %add3A_49 : i32
    %dma_wait3A_51 = arith.constant 0 : i32
    %dma_wait3A_52 = tpu.memref_slice %arg4[%add3A_50, %dma_wait3A_51] : memref<6144x1024xf32, #tpu.memory_space<hbm>> -> memref<32x1024xf32, #tpu.memory_space<hbm>>
    %dma_wait3A_53 = arith.constant 0 : i32
    %dma_wait3A_54 = tpu.memref_slice %arg4[%add3A_50, %dma_wait3A_53] : memref<6144x1024xf32, #tpu.memory_space<hbm>> -> memref<32x1024xf32, #tpu.memory_space<hbm>>
    tpu.wait_dma2 semaphore(%arg13 : memref<!tpu.dma_semaphore, #tpu.memory_space<semaphore_mem>>) src(%arg7 : memref<32x1024xf32, #tpu.memory_space<vmem>>) dst(%dma_wait3A_54 : memref<32x1024xf32, #tpu.memory_space<hbm>>)
    %dma_start3A_55 = arith.constant 128 : i32
    %dma_start3A_56 = tpu.memref_slice %arg5[%dma_start3A_55] : memref<192xi32, #tpu.memory_space<vmem>> -> memref<32xi32, #tpu.memory_space<vmem>>
    %dma_start3A_57 = arith.constant 0 : i32
    %dma_start3A_58 = arith.constant 0 : i32
    %dma_start3A_59 = tpu.memref_slice %arg2[%dma_start3A_57, %dma_start3A_58] : memref<4096x1024xf32, #tpu.memory_space<hbm>> -> memref<4096x1024xf32, #tpu.memory_space<hbm>>
    tpu.enqueue_indirect_dma source(%dma_start3A_59 : memref<4096x1024xf32, #tpu.memory_space<hbm>>) target(%arg7 : memref<32x1024xf32, #tpu.memory_space<vmem>>) offsets(%dma_start3A_56 : memref<32xi32, #tpu.memory_space<vmem>>) semaphore(%arg10 : memref<!tpu.dma_semaphore, #tpu.memory_space<semaphore_mem>>)
    %dma_wait3A_60 = arith.constant 64 : i32
    %dma_wait3A_61 = tpu.memref_slice %arg5[%dma_wait3A_60] : memref<192xi32, #tpu.memory_space<vmem>> -> memref<32xi32, #tpu.memory_space<vmem>>
    %dma_wait3A_62 = arith.constant 0 : i32
    %dma_wait3A_63 = arith.constant 0 : i32
    %dma_wait3A_64 = tpu.memref_slice %arg2[%dma_wait3A_62, %dma_wait3A_63] : memref<4096x1024xf32, #tpu.memory_space<hbm>> -> memref<4096x1024xf32, #tpu.memory_space<hbm>>
    tpu.wait_indirect_dma semaphore(%arg11 : memref<!tpu.dma_semaphore, #tpu.memory_space<semaphore_mem>>) src(%dma_wait3A_64 : memref<4096x1024xf32, #tpu.memory_space<hbm>>) dst(%arg8 : memref<32x1024xf32, #tpu.memory_space<vmem>>)
    %add3A_65 = arith.constant 64 : i32
    %add3A_66 = arith.addi %mul3A_2, %add3A_65 : i32
    %dma_start3A_67 = arith.constant 0 : i32
    %dma_start3A_68 = tpu.memref_slice %arg4[%add3A_66, %dma_start3A_67] : memref<6144x1024xf32, #tpu.memory_space<hbm>> -> memref<32x1024xf32, #tpu.memory_space<hbm>>
    %dma_start3A_69 = arith.constant 0 : i32
    %dma_start3A_70 = tpu.memref_slice %arg4[%add3A_66, %dma_start3A_69] : memref<6144x1024xf32, #tpu.memory_space<hbm>> -> memref<32x1024xf32, #tpu.memory_space<hbm>>
    tpu.enqueue_dma source(%arg8 : memref<32x1024xf32, #tpu.memory_space<vmem>>) target(%dma_start3A_70 : memref<32x1024xf32, #tpu.memory_space<hbm>>) target_semaphore(%arg14 : memref<!tpu.dma_semaphore, #tpu.memory_space<semaphore_mem>>)
    %add3A_71 = arith.constant 64 : i32
    %add3A_72 = arith.addi %mul3A_2, %add3A_71 : i32
    %dma_wait3A_73 = arith.constant 0 : i32
    %dma_wait3A_74 = tpu.memref_slice %arg4[%add3A_72, %dma_wait3A_73] : memref<6144x1024xf32, #tpu.memory_space<hbm>> -> memref<32x1024xf32, #tpu.memory_space<hbm>>
    %dma_wait3A_75 = arith.constant 0 : i32
    %dma_wait3A_76 = tpu.memref_slice %arg4[%add3A_72, %dma_wait3A_75] : memref<6144x1024xf32, #tpu.memory_space<hbm>> -> memref<32x1024xf32, #tpu.memory_space<hbm>>
    tpu.wait_dma2 semaphore(%arg14 : memref<!tpu.dma_semaphore, #tpu.memory_space<semaphore_mem>>) src(%arg8 : memref<32x1024xf32, #tpu.memory_space<vmem>>) dst(%dma_wait3A_76 : memref<32x1024xf32, #tpu.memory_space<hbm>>)
    %dma_start3A_77 = arith.constant 160 : i32
    %dma_start3A_78 = tpu.memref_slice %arg5[%dma_start3A_77] : memref<192xi32, #tpu.memory_space<vmem>> -> memref<32xi32, #tpu.memory_space<vmem>>
    %dma_start3A_79 = arith.constant 0 : i32
    %dma_start3A_80 = arith.constant 0 : i32
    %dma_start3A_81 = tpu.memref_slice %arg2[%dma_start3A_79, %dma_start3A_80] : memref<4096x1024xf32, #tpu.memory_space<hbm>> -> memref<4096x1024xf32, #tpu.memory_space<hbm>>
    tpu.enqueue_indirect_dma source(%dma_start3A_81 : memref<4096x1024xf32, #tpu.memory_space<hbm>>) target(%arg8 : memref<32x1024xf32, #tpu.memory_space<vmem>>) offsets(%dma_start3A_78 : memref<32xi32, #tpu.memory_space<vmem>>) semaphore(%arg11 : memref<!tpu.dma_semaphore, #tpu.memory_space<semaphore_mem>>)
    %dma_wait3A_82 = arith.constant 96 : i32
    %dma_wait3A_83 = tpu.memref_slice %arg5[%dma_wait3A_82] : memref<192xi32, #tpu.memory_space<vmem>> -> memref<32xi32, #tpu.memory_space<vmem>>
    %dma_wait3A_84 = arith.constant 0 : i32
    %dma_wait3A_85 = arith.constant 0 : i32
    %dma_wait3A_86 = tpu.memref_slice %arg2[%dma_wait3A_84, %dma_wait3A_85] : memref<4096x1024xf32, #tpu.memory_space<hbm>> -> memref<4096x1024xf32, #tpu.memory_space<hbm>>
    tpu.wait_indirect_dma semaphore(%arg9 : memref<!tpu.dma_semaphore, #tpu.memory_space<semaphore_mem>>) src(%dma_wait3A_86 : memref<4096x1024xf32, #tpu.memory_space<hbm>>) dst(%arg6 : memref<32x1024xf32, #tpu.memory_space<vmem>>)
    %add3A_87 = arith.constant 96 : i32
    %add3A_88 = arith.addi %mul3A_2, %add3A_87 : i32
    %dma_start3A_89 = arith.constant 0 : i32
    %dma_start3A_90 = tpu.memref_slice %arg4[%add3A_88, %dma_start3A_89] : memref<6144x1024xf32, #tpu.memory_space<hbm>> -> memref<32x1024xf32, #tpu.memory_space<hbm>>
    %dma_start3A_91 = arith.constant 0 : i32
    %dma_start3A_92 = tpu.memref_slice %arg4[%add3A_88, %dma_start3A_91] : memref<6144x1024xf32, #tpu.memory_space<hbm>> -> memref<32x1024xf32, #tpu.memory_space<hbm>>
    tpu.enqueue_dma source(%arg6 : memref<32x1024xf32, #tpu.memory_space<vmem>>) target(%dma_start3A_92 : memref<32x1024xf32, #tpu.memory_space<hbm>>) target_semaphore(%arg12 : memref<!tpu.dma_semaphore, #tpu.memory_space<semaphore_mem>>)
    %dma_wait3A_93 = arith.constant 128 : i32
    %dma_wait3A_94 = tpu.memref_slice %arg5[%dma_wait3A_93] : memref<192xi32, #tpu.memory_space<vmem>> -> memref<32xi32, #tpu.memory_space<vmem>>
    %dma_wait3A_95 = arith.constant 0 : i32
    %dma_wait3A_96 = arith.constant 0 : i32
    %dma_wait3A_97 = tpu.memref_slice %arg2[%dma_wait3A_95, %dma_wait3A_96] : memref<4096x1024xf32, #tpu.memory_space<hbm>> -> memref<4096x1024xf32, #tpu.memory_space<hbm>>
    tpu.wait_indirect_dma semaphore(%arg10 : memref<!tpu.dma_semaphore, #tpu.memory_space<semaphore_mem>>) src(%dma_wait3A_97 : memref<4096x1024xf32, #tpu.memory_space<hbm>>) dst(%arg7 : memref<32x1024xf32, #tpu.memory_space<vmem>>)
    %add3A_98 = arith.constant 128 : i32
    %add3A_99 = arith.addi %mul3A_2, %add3A_98 : i32
    %dma_start3A_100 = arith.constant 0 : i32
    %dma_start3A_101 = tpu.memref_slice %arg4[%add3A_99, %dma_start3A_100] : memref<6144x1024xf32, #tpu.memory_space<hbm>> -> memref<32x1024xf32, #tpu.memory_space<hbm>>
    %dma_start3A_102 = arith.constant 0 : i32
    %dma_start3A_103 = tpu.memref_slice %arg4[%add3A_99, %dma_start3A_102] : memref<6144x1024xf32, #tpu.memory_space<hbm>> -> memref<32x1024xf32, #tpu.memory_space<hbm>>
    tpu.enqueue_dma source(%arg7 : memref<32x1024xf32, #tpu.memory_space<vmem>>) target(%dma_start3A_103 : memref<32x1024xf32, #tpu.memory_space<hbm>>) target_semaphore(%arg13 : memref<!tpu.dma_semaphore, #tpu.memory_space<semaphore_mem>>)
    %dma_wait3A_104 = arith.constant 160 : i32
    %dma_wait3A_105 = tpu.memref_slice %arg5[%dma_wait3A_104] : memref<192xi32, #tpu.memory_space<vmem>> -> memref<32xi32, #tpu.memory_space<vmem>>
    %dma_wait3A_106 = arith.constant 0 : i32
    %dma_wait3A_107 = arith.constant 0 : i32
    %dma_wait3A_108 = tpu.memref_slice %arg2[%dma_wait3A_106, %dma_wait3A_107] : memref<4096x1024xf32, #tpu.memory_space<hbm>> -> memref<4096x1024xf32, #tpu.memory_space<hbm>>
    tpu.wait_indirect_dma semaphore(%arg11 : memref<!tpu.dma_semaphore, #tpu.memory_space<semaphore_mem>>) src(%dma_wait3A_108 : memref<4096x1024xf32, #tpu.memory_space<hbm>>) dst(%arg8 : memref<32x1024xf32, #tpu.memory_space<vmem>>)
    %add3A_109 = arith.constant 160 : i32
    %add3A_110 = arith.addi %mul3A_2, %add3A_109 : i32
    %dma_start3A_111 = arith.constant 0 : i32
    %dma_start3A_112 = tpu.memref_slice %arg4[%add3A_110, %dma_start3A_111] : memref<6144x1024xf32, #tpu.memory_space<hbm>> -> memref<32x1024xf32, #tpu.memory_space<hbm>>
    %dma_start3A_113 = arith.constant 0 : i32
    %dma_start3A_114 = tpu.memref_slice %arg4[%add3A_110, %dma_start3A_113] : memref<6144x1024xf32, #tpu.memory_space<hbm>> -> memref<32x1024xf32, #tpu.memory_space<hbm>>
    tpu.enqueue_dma source(%arg8 : memref<32x1024xf32, #tpu.memory_space<vmem>>) target(%dma_start3A_114 : memref<32x1024xf32, #tpu.memory_space<hbm>>) target_semaphore(%arg14 : memref<!tpu.dma_semaphore, #tpu.memory_space<semaphore_mem>>)
    %add3A_115 = arith.constant 96 : i32
    %add3A_116 = arith.addi %mul3A_2, %add3A_115 : i32
    %dma_wait3A_117 = arith.constant 0 : i32
    %dma_wait3A_118 = tpu.memref_slice %arg4[%add3A_116, %dma_wait3A_117] : memref<6144x1024xf32, #tpu.memory_space<hbm>> -> memref<32x1024xf32, #tpu.memory_space<hbm>>
    %dma_wait3A_119 = arith.constant 0 : i32
    %dma_wait3A_120 = tpu.memref_slice %arg4[%add3A_116, %dma_wait3A_119] : memref<6144x1024xf32, #tpu.memory_space<hbm>> -> memref<32x1024xf32, #tpu.memory_space<hbm>>
    tpu.wait_dma2 semaphore(%arg12 : memref<!tpu.dma_semaphore, #tpu.memory_space<semaphore_mem>>) src(%arg6 : memref<32x1024xf32, #tpu.memory_space<vmem>>) dst(%dma_wait3A_120 : memref<32x1024xf32, #tpu.memory_space<hbm>>)
    %add3A_121 = arith.constant 128 : i32
    %add3A_122 = arith.addi %mul3A_2, %add3A_121 : i32
    %dma_wait3A_123 = arith.constant 0 : i32
    %dma_wait3A_124 = tpu.memref_slice %arg4[%add3A_122, %dma_wait3A_123] : memref<6144x1024xf32, #tpu.memory_space<hbm>> -> memref<32x1024xf32, #tpu.memory_space<hbm>>
    %dma_wait3A_125 = arith.constant 0 : i32
    %dma_wait3A_126 = tpu.memref_slice %arg4[%add3A_122, %dma_wait3A_125] : memref<6144x1024xf32, #tpu.memory_space<hbm>> -> memref<32x1024xf32, #tpu.memory_space<hbm>>
    tpu.wait_dma2 semaphore(%arg13 : memref<!tpu.dma_semaphore, #tpu.memory_space<semaphore_mem>>) src(%arg7 : memref<32x1024xf32, #tpu.memory_space<vmem>>) dst(%dma_wait3A_126 : memref<32x1024xf32, #tpu.memory_space<hbm>>)
    %add3A_127 = arith.constant 160 : i32
    %add3A_128 = arith.addi %mul3A_2, %add3A_127 : i32
    %dma_wait3A_129 = arith.constant 0 : i32
    %dma_wait3A_130 = tpu.memref_slice %arg4[%add3A_128, %dma_wait3A_129] : memref<6144x1024xf32, #tpu.memory_space<hbm>> -> memref<32x1024xf32, #tpu.memory_space<hbm>>
    %dma_wait3A_131 = arith.constant 0 : i32
    %dma_wait3A_132 = tpu.memref_slice %arg4[%add3A_128, %dma_wait3A_131] : memref<6144x1024xf32, #tpu.memory_space<hbm>> -> memref<32x1024xf32, #tpu.memory_space<hbm>>
    tpu.wait_dma2 semaphore(%arg14 : memref<!tpu.dma_semaphore, #tpu.memory_space<semaphore_mem>>) src(%arg8 : memref<32x1024xf32, #tpu.memory_space<vmem>>) dst(%dma_wait3A_132 : memref<32x1024xf32, #tpu.memory_space<hbm>>)
    return
  }
}

#map = affine_map<(d0, d1) -> (0, 0)>
#map1 = affine_map<(d0, d1) -> (0)>
module attributes {stable_mosaic.version = 14 : i64} {
  func.func @k(%arg0: i32, %arg1: i32, %arg2: memref<6144x1024xf32, #tpu.memory_space<hbm>>, %arg3: memref<4096xi32, #tpu.memory_space<hbm>>, %arg4: memref<4096x1024xf32, #tpu.memory_space<hbm>>, %arg5: memref<128xi32, #tpu.memory_space<vmem>>, %arg6: memref<32x1024xf32, #tpu.memory_space<vmem>>, %arg7: memref<32x1024xf32, #tpu.memory_space<vmem>>, %arg8: memref<32x1024xf32, #tpu.memory_space<vmem>>, %arg9: memref<!tpu.dma_semaphore, #tpu.memory_space<semaphore_mem>>, %arg10: memref<!tpu.dma_semaphore, #tpu.memory_space<semaphore_mem>>, %arg11: memref<!tpu.dma_semaphore, #tpu.memory_space<semaphore_mem>>, %arg12: memref<!tpu.dma_semaphore, #tpu.memory_space<semaphore_mem>>, %arg13: memref<!tpu.dma_semaphore, #tpu.memory_space<semaphore_mem>>, %arg14: memref<!tpu.dma_semaphore, #tpu.memory_space<semaphore_mem>>) attributes {dimension_semantics = [#tpu.dimension_semantics<core_parallel>, #tpu.dimension_semantics<subcore_parallel>], iteration_bounds = array<i64: 2, 16>, scalar_prefetch = 0 : i64, scratch_operands = 10 : i64, tpu.core_type = #tpu.core_type<sc_vector_subcore>, window_params = [{transform_indices = #map}, {transform_indices = #map1}, {transform_indices = #map}]} {
    %mul3A = arith.constant 2 : i32
    %mul3A_0 = arith.muli %arg1, %mul3A : i32
    %add3A = arith.addi %mul3A_0, %arg0 : i32
    %mul3A_1 = arith.constant 128 : i32
    %mul3A_2 = arith.muli %add3A, %mul3A_1 : i32
    "tpu.region"() ({
      %run_scoped3A = tpu.sem_alloc : memref<!tpu.dma_semaphore, #tpu.memory_space<semaphore_mem>>
      %dma_start3A_89 = tpu.memref_slice %arg3[%mul3A_2] : memref<4096xi32, #tpu.memory_space<hbm>> -> memref<128xi32, #tpu.memory_space<hbm>>
      %dma_start3A_90 = tpu.memref_slice %arg3[%mul3A_2] : memref<4096xi32, #tpu.memory_space<hbm>> -> memref<128xi32, #tpu.memory_space<hbm>>
      tpu.enqueue_dma source(%dma_start3A_90 : memref<128xi32, #tpu.memory_space<hbm>>) target(%arg5 : memref<128xi32, #tpu.memory_space<vmem>>) target_semaphore(%run_scoped3A : memref<!tpu.dma_semaphore, #tpu.memory_space<semaphore_mem>>)
      %dma_wait3A_91 = tpu.memref_slice %arg3[%mul3A_2] : memref<4096xi32, #tpu.memory_space<hbm>> -> memref<128xi32, #tpu.memory_space<hbm>>
      %dma_wait3A_92 = tpu.memref_slice %arg3[%mul3A_2] : memref<4096xi32, #tpu.memory_space<hbm>> -> memref<128xi32, #tpu.memory_space<hbm>>
      tpu.wait_dma2 semaphore(%run_scoped3A : memref<!tpu.dma_semaphore, #tpu.memory_space<semaphore_mem>>) src(%dma_wait3A_92 : memref<128xi32, #tpu.memory_space<hbm>>) dst(%arg5 : memref<128xi32, #tpu.memory_space<vmem>>)
      tpu.yield
    }) : () -> ()
    %dma_start3A = arith.constant 0 : i32
    %dma_start3A_3 = tpu.memref_slice %arg5[%dma_start3A] : memref<128xi32, #tpu.memory_space<vmem>> -> memref<32xi32, #tpu.memory_space<vmem>>
    %dma_start3A_4 = arith.constant 0 : i32
    %dma_start3A_5 = arith.constant 0 : i32
    %dma_start3A_6 = tpu.memref_slice %arg2[%dma_start3A_4, %dma_start3A_5] : memref<6144x1024xf32, #tpu.memory_space<hbm>> -> memref<6144x1024xf32, #tpu.memory_space<hbm>>
    tpu.enqueue_indirect_dma source(%dma_start3A_6 : memref<6144x1024xf32, #tpu.memory_space<hbm>>) target(%arg6 : memref<32x1024xf32, #tpu.memory_space<vmem>>) offsets(%dma_start3A_3 : memref<32xi32, #tpu.memory_space<vmem>>) semaphore(%arg9 : memref<!tpu.dma_semaphore, #tpu.memory_space<semaphore_mem>>)
    %dma_start3A_7 = arith.constant 32 : i32
    %dma_start3A_8 = tpu.memref_slice %arg5[%dma_start3A_7] : memref<128xi32, #tpu.memory_space<vmem>> -> memref<32xi32, #tpu.memory_space<vmem>>
    %dma_start3A_9 = arith.constant 0 : i32
    %dma_start3A_10 = arith.constant 0 : i32
    %dma_start3A_11 = tpu.memref_slice %arg2[%dma_start3A_9, %dma_start3A_10] : memref<6144x1024xf32, #tpu.memory_space<hbm>> -> memref<6144x1024xf32, #tpu.memory_space<hbm>>
    tpu.enqueue_indirect_dma source(%dma_start3A_11 : memref<6144x1024xf32, #tpu.memory_space<hbm>>) target(%arg7 : memref<32x1024xf32, #tpu.memory_space<vmem>>) offsets(%dma_start3A_8 : memref<32xi32, #tpu.memory_space<vmem>>) semaphore(%arg10 : memref<!tpu.dma_semaphore, #tpu.memory_space<semaphore_mem>>)
    %dma_start3A_12 = arith.constant 64 : i32
    %dma_start3A_13 = tpu.memref_slice %arg5[%dma_start3A_12] : memref<128xi32, #tpu.memory_space<vmem>> -> memref<32xi32, #tpu.memory_space<vmem>>
    %dma_start3A_14 = arith.constant 0 : i32
    %dma_start3A_15 = arith.constant 0 : i32
    %dma_start3A_16 = tpu.memref_slice %arg2[%dma_start3A_14, %dma_start3A_15] : memref<6144x1024xf32, #tpu.memory_space<hbm>> -> memref<6144x1024xf32, #tpu.memory_space<hbm>>
    tpu.enqueue_indirect_dma source(%dma_start3A_16 : memref<6144x1024xf32, #tpu.memory_space<hbm>>) target(%arg8 : memref<32x1024xf32, #tpu.memory_space<vmem>>) offsets(%dma_start3A_13 : memref<32xi32, #tpu.memory_space<vmem>>) semaphore(%arg11 : memref<!tpu.dma_semaphore, #tpu.memory_space<semaphore_mem>>)
    %dma_wait3A = arith.constant 0 : i32
    %dma_wait3A_17 = tpu.memref_slice %arg5[%dma_wait3A] : memref<128xi32, #tpu.memory_space<vmem>> -> memref<32xi32, #tpu.memory_space<vmem>>
    %dma_wait3A_18 = arith.constant 0 : i32
    %dma_wait3A_19 = arith.constant 0 : i32
    %dma_wait3A_20 = tpu.memref_slice %arg2[%dma_wait3A_18, %dma_wait3A_19] : memref<6144x1024xf32, #tpu.memory_space<hbm>> -> memref<6144x1024xf32, #tpu.memory_space<hbm>>
    tpu.wait_indirect_dma semaphore(%arg9 : memref<!tpu.dma_semaphore, #tpu.memory_space<semaphore_mem>>) src(%dma_wait3A_20 : memref<6144x1024xf32, #tpu.memory_space<hbm>>) dst(%arg6 : memref<32x1024xf32, #tpu.memory_space<vmem>>)
    %add3A_21 = arith.constant 0 : i32
    %add3A_22 = arith.addi %mul3A_2, %add3A_21 : i32
    %dma_start3A_23 = arith.constant 0 : i32
    %dma_start3A_24 = tpu.memref_slice %arg4[%add3A_22, %dma_start3A_23] : memref<4096x1024xf32, #tpu.memory_space<hbm>> -> memref<32x1024xf32, #tpu.memory_space<hbm>>
    %dma_start3A_25 = arith.constant 0 : i32
    %dma_start3A_26 = tpu.memref_slice %arg4[%add3A_22, %dma_start3A_25] : memref<4096x1024xf32, #tpu.memory_space<hbm>> -> memref<32x1024xf32, #tpu.memory_space<hbm>>
    tpu.enqueue_dma source(%arg6 : memref<32x1024xf32, #tpu.memory_space<vmem>>) target(%dma_start3A_26 : memref<32x1024xf32, #tpu.memory_space<hbm>>) target_semaphore(%arg12 : memref<!tpu.dma_semaphore, #tpu.memory_space<semaphore_mem>>)
    %add3A_27 = arith.constant 0 : i32
    %add3A_28 = arith.addi %mul3A_2, %add3A_27 : i32
    %dma_wait3A_29 = arith.constant 0 : i32
    %dma_wait3A_30 = tpu.memref_slice %arg4[%add3A_28, %dma_wait3A_29] : memref<4096x1024xf32, #tpu.memory_space<hbm>> -> memref<32x1024xf32, #tpu.memory_space<hbm>>
    %dma_wait3A_31 = arith.constant 0 : i32
    %dma_wait3A_32 = tpu.memref_slice %arg4[%add3A_28, %dma_wait3A_31] : memref<4096x1024xf32, #tpu.memory_space<hbm>> -> memref<32x1024xf32, #tpu.memory_space<hbm>>
    tpu.wait_dma2 semaphore(%arg12 : memref<!tpu.dma_semaphore, #tpu.memory_space<semaphore_mem>>) src(%arg6 : memref<32x1024xf32, #tpu.memory_space<vmem>>) dst(%dma_wait3A_32 : memref<32x1024xf32, #tpu.memory_space<hbm>>)
    %dma_start3A_33 = arith.constant 96 : i32
    %dma_start3A_34 = tpu.memref_slice %arg5[%dma_start3A_33] : memref<128xi32, #tpu.memory_space<vmem>> -> memref<32xi32, #tpu.memory_space<vmem>>
    %dma_start3A_35 = arith.constant 0 : i32
    %dma_start3A_36 = arith.constant 0 : i32
    %dma_start3A_37 = tpu.memref_slice %arg2[%dma_start3A_35, %dma_start3A_36] : memref<6144x1024xf32, #tpu.memory_space<hbm>> -> memref<6144x1024xf32, #tpu.memory_space<hbm>>
    tpu.enqueue_indirect_dma source(%dma_start3A_37 : memref<6144x1024xf32, #tpu.memory_space<hbm>>) target(%arg6 : memref<32x1024xf32, #tpu.memory_space<vmem>>) offsets(%dma_start3A_34 : memref<32xi32, #tpu.memory_space<vmem>>) semaphore(%arg9 : memref<!tpu.dma_semaphore, #tpu.memory_space<semaphore_mem>>)
    %dma_wait3A_38 = arith.constant 32 : i32
    %dma_wait3A_39 = tpu.memref_slice %arg5[%dma_wait3A_38] : memref<128xi32, #tpu.memory_space<vmem>> -> memref<32xi32, #tpu.memory_space<vmem>>
    %dma_wait3A_40 = arith.constant 0 : i32
    %dma_wait3A_41 = arith.constant 0 : i32
    %dma_wait3A_42 = tpu.memref_slice %arg2[%dma_wait3A_40, %dma_wait3A_41] : memref<6144x1024xf32, #tpu.memory_space<hbm>> -> memref<6144x1024xf32, #tpu.memory_space<hbm>>
    tpu.wait_indirect_dma semaphore(%arg10 : memref<!tpu.dma_semaphore, #tpu.memory_space<semaphore_mem>>) src(%dma_wait3A_42 : memref<6144x1024xf32, #tpu.memory_space<hbm>>) dst(%arg7 : memref<32x1024xf32, #tpu.memory_space<vmem>>)
    %add3A_43 = arith.constant 32 : i32
    %add3A_44 = arith.addi %mul3A_2, %add3A_43 : i32
    %dma_start3A_45 = arith.constant 0 : i32
    %dma_start3A_46 = tpu.memref_slice %arg4[%add3A_44, %dma_start3A_45] : memref<4096x1024xf32, #tpu.memory_space<hbm>> -> memref<32x1024xf32, #tpu.memory_space<hbm>>
    %dma_start3A_47 = arith.constant 0 : i32
    %dma_start3A_48 = tpu.memref_slice %arg4[%add3A_44, %dma_start3A_47] : memref<4096x1024xf32, #tpu.memory_space<hbm>> -> memref<32x1024xf32, #tpu.memory_space<hbm>>
    tpu.enqueue_dma source(%arg7 : memref<32x1024xf32, #tpu.memory_space<vmem>>) target(%dma_start3A_48 : memref<32x1024xf32, #tpu.memory_space<hbm>>) target_semaphore(%arg13 : memref<!tpu.dma_semaphore, #tpu.memory_space<semaphore_mem>>)
    %dma_wait3A_49 = arith.constant 64 : i32
    %dma_wait3A_50 = tpu.memref_slice %arg5[%dma_wait3A_49] : memref<128xi32, #tpu.memory_space<vmem>> -> memref<32xi32, #tpu.memory_space<vmem>>
    %dma_wait3A_51 = arith.constant 0 : i32
    %dma_wait3A_52 = arith.constant 0 : i32
    %dma_wait3A_53 = tpu.memref_slice %arg2[%dma_wait3A_51, %dma_wait3A_52] : memref<6144x1024xf32, #tpu.memory_space<hbm>> -> memref<6144x1024xf32, #tpu.memory_space<hbm>>
    tpu.wait_indirect_dma semaphore(%arg11 : memref<!tpu.dma_semaphore, #tpu.memory_space<semaphore_mem>>) src(%dma_wait3A_53 : memref<6144x1024xf32, #tpu.memory_space<hbm>>) dst(%arg8 : memref<32x1024xf32, #tpu.memory_space<vmem>>)
    %add3A_54 = arith.constant 64 : i32
    %add3A_55 = arith.addi %mul3A_2, %add3A_54 : i32
    %dma_start3A_56 = arith.constant 0 : i32
    %dma_start3A_57 = tpu.memref_slice %arg4[%add3A_55, %dma_start3A_56] : memref<4096x1024xf32, #tpu.memory_space<hbm>> -> memref<32x1024xf32, #tpu.memory_space<hbm>>
    %dma_start3A_58 = arith.constant 0 : i32
    %dma_start3A_59 = tpu.memref_slice %arg4[%add3A_55, %dma_start3A_58] : memref<4096x1024xf32, #tpu.memory_space<hbm>> -> memref<32x1024xf32, #tpu.memory_space<hbm>>
    tpu.enqueue_dma source(%arg8 : memref<32x1024xf32, #tpu.memory_space<vmem>>) target(%dma_start3A_59 : memref<32x1024xf32, #tpu.memory_space<hbm>>) target_semaphore(%arg14 : memref<!tpu.dma_semaphore, #tpu.memory_space<semaphore_mem>>)
    %dma_wait3A_60 = arith.constant 96 : i32
    %dma_wait3A_61 = tpu.memref_slice %arg5[%dma_wait3A_60] : memref<128xi32, #tpu.memory_space<vmem>> -> memref<32xi32, #tpu.memory_space<vmem>>
    %dma_wait3A_62 = arith.constant 0 : i32
    %dma_wait3A_63 = arith.constant 0 : i32
    %dma_wait3A_64 = tpu.memref_slice %arg2[%dma_wait3A_62, %dma_wait3A_63] : memref<6144x1024xf32, #tpu.memory_space<hbm>> -> memref<6144x1024xf32, #tpu.memory_space<hbm>>
    tpu.wait_indirect_dma semaphore(%arg9 : memref<!tpu.dma_semaphore, #tpu.memory_space<semaphore_mem>>) src(%dma_wait3A_64 : memref<6144x1024xf32, #tpu.memory_space<hbm>>) dst(%arg6 : memref<32x1024xf32, #tpu.memory_space<vmem>>)
    %add3A_65 = arith.constant 96 : i32
    %add3A_66 = arith.addi %mul3A_2, %add3A_65 : i32
    %dma_start3A_67 = arith.constant 0 : i32
    %dma_start3A_68 = tpu.memref_slice %arg4[%add3A_66, %dma_start3A_67] : memref<4096x1024xf32, #tpu.memory_space<hbm>> -> memref<32x1024xf32, #tpu.memory_space<hbm>>
    %dma_start3A_69 = arith.constant 0 : i32
    %dma_start3A_70 = tpu.memref_slice %arg4[%add3A_66, %dma_start3A_69] : memref<4096x1024xf32, #tpu.memory_space<hbm>> -> memref<32x1024xf32, #tpu.memory_space<hbm>>
    tpu.enqueue_dma source(%arg6 : memref<32x1024xf32, #tpu.memory_space<vmem>>) target(%dma_start3A_70 : memref<32x1024xf32, #tpu.memory_space<hbm>>) target_semaphore(%arg12 : memref<!tpu.dma_semaphore, #tpu.memory_space<semaphore_mem>>)
    %add3A_71 = arith.constant 32 : i32
    %add3A_72 = arith.addi %mul3A_2, %add3A_71 : i32
    %dma_wait3A_73 = arith.constant 0 : i32
    %dma_wait3A_74 = tpu.memref_slice %arg4[%add3A_72, %dma_wait3A_73] : memref<4096x1024xf32, #tpu.memory_space<hbm>> -> memref<32x1024xf32, #tpu.memory_space<hbm>>
    %dma_wait3A_75 = arith.constant 0 : i32
    %dma_wait3A_76 = tpu.memref_slice %arg4[%add3A_72, %dma_wait3A_75] : memref<4096x1024xf32, #tpu.memory_space<hbm>> -> memref<32x1024xf32, #tpu.memory_space<hbm>>
    tpu.wait_dma2 semaphore(%arg13 : memref<!tpu.dma_semaphore, #tpu.memory_space<semaphore_mem>>) src(%arg7 : memref<32x1024xf32, #tpu.memory_space<vmem>>) dst(%dma_wait3A_76 : memref<32x1024xf32, #tpu.memory_space<hbm>>)
    %add3A_77 = arith.constant 64 : i32
    %add3A_78 = arith.addi %mul3A_2, %add3A_77 : i32
    %dma_wait3A_79 = arith.constant 0 : i32
    %dma_wait3A_80 = tpu.memref_slice %arg4[%add3A_78, %dma_wait3A_79] : memref<4096x1024xf32, #tpu.memory_space<hbm>> -> memref<32x1024xf32, #tpu.memory_space<hbm>>
    %dma_wait3A_81 = arith.constant 0 : i32
    %dma_wait3A_82 = tpu.memref_slice %arg4[%add3A_78, %dma_wait3A_81] : memref<4096x1024xf32, #tpu.memory_space<hbm>> -> memref<32x1024xf32, #tpu.memory_space<hbm>>
    tpu.wait_dma2 semaphore(%arg14 : memref<!tpu.dma_semaphore, #tpu.memory_space<semaphore_mem>>) src(%arg8 : memref<32x1024xf32, #tpu.memory_space<vmem>>) dst(%dma_wait3A_82 : memref<32x1024xf32, #tpu.memory_space<hbm>>)
    %add3A_83 = arith.constant 96 : i32
    %add3A_84 = arith.addi %mul3A_2, %add3A_83 : i32
    %dma_wait3A_85 = arith.constant 0 : i32
    %dma_wait3A_86 = tpu.memref_slice %arg4[%add3A_84, %dma_wait3A_85] : memref<4096x1024xf32, #tpu.memory_space<hbm>> -> memref<32x1024xf32, #tpu.memory_space<hbm>>
    %dma_wait3A_87 = arith.constant 0 : i32
    %dma_wait3A_88 = tpu.memref_slice %arg4[%add3A_84, %dma_wait3A_87] : memref<4096x1024xf32, #tpu.memory_space<hbm>> -> memref<32x1024xf32, #tpu.memory_space<hbm>>
    tpu.wait_dma2 semaphore(%arg12 : memref<!tpu.dma_semaphore, #tpu.memory_space<semaphore_mem>>) src(%arg6 : memref<32x1024xf32, #tpu.memory_space<vmem>>) dst(%dma_wait3A_88 : memref<32x1024xf32, #tpu.memory_space<hbm>>)
    return
  }
}

module attributes {stable_mosaic.version = 14 : i64} {
  func.func @_mlp_body(%arg0: i32, %arg1: memref<9x24xi32, #tpu.memory_space<smem>>, %arg2: memref<256x2048xbf16, #tpu.memory_space<vmem>>, %arg3: memref<8x2048x2048xf32, #tpu.memory_space<any>>, %arg4: memref<1x1x2048xf32, #tpu.memory_space<vmem>>, %arg5: memref<8x2048x1024xf32, #tpu.memory_space<any>>, %arg6: memref<1x1x1024xf32, #tpu.memory_space<vmem>>, %arg7: memref<256x1024xf32, #tpu.memory_space<vmem>>, %arg8: memref<2x2048x2048xf32, #tpu.memory_space<vmem>>, %arg9: memref<2x2048x1024xf32, #tpu.memory_space<vmem>>, %arg10: memref<2x!tpu.dma_semaphore, #tpu.memory_space<semaphore_mem>>, %arg11: memref<2x!tpu.dma_semaphore, #tpu.memory_space<semaphore_mem>>) attributes {dimension_semantics = [#tpu.dimension_semantics<arbitrary>], iteration_bounds = array<i64: 24>, scalar_prefetch = 1 : i64, scratch_operands = 4 : i64, tpu.core_type = #tpu.core_type<tc>, window_params = [{transform_indices = @transform_0, window_bounds = array<i64: 256, 2048>}, {}, {transform_indices = @transform_2, window_bounds = array<i64: 1, 1, 2048>}, {}, {transform_indices = @transform_4, window_bounds = array<i64: 1, 1, 1024>}, {transform_indices = @transform_5, window_bounds = array<i64: 256, 1024>}]} {
    %eq3A = arith.constant 0 : i32
    %eq3A_0 = arith.cmpi eq, %arg0, %eq3A : i32
    %convert_element_type3A = arith.extui %eq3A_0 : i1 to i32
    %cond3A = arith.constant 0 : i32
    %cond3A_1 = arith.cmpi ne, %convert_element_type3A, %cond3A : i32
    scf.if %cond3A_1 {
      %get3A_30 = arith.constant 8 : index
      %get3A_31 = arith.constant 0 : index
      %get3A_32 = memref.load %arg1[%get3A_30, %get3A_31] : memref<9x24xi32, #tpu.memory_space<smem>>
      %dma_start3A = arith.constant 0 : i32
      %dma_start3A_33 = arith.constant 0 : i32
      %dma_start3A_34 = tpu.memref_slice %arg10[%dma_start3A_33] : memref<2x!tpu.dma_semaphore, #tpu.memory_space<semaphore_mem>> -> memref<1x!tpu.dma_semaphore, #tpu.memory_space<semaphore_mem>>
      %dma_start3A_35 = tpu.memref_squeeze %dma_start3A_34 : memref<1x!tpu.dma_semaphore, #tpu.memory_space<semaphore_mem>> -> memref<!tpu.dma_semaphore, #tpu.memory_space<semaphore_mem>>
      %dma_start3A_36 = arith.constant 0 : i32
      %dma_start3A_37 = arith.constant 0 : i32
      %dma_start3A_38 = tpu.memref_slice %arg8[%dma_start3A, %dma_start3A_36, %dma_start3A_37] : memref<2x2048x2048xf32, #tpu.memory_space<vmem>> -> memref<1x2048x2048xf32, #tpu.memory_space<vmem>>
      %dma_start3A_39 = tpu.memref_squeeze %dma_start3A_38 : memref<1x2048x2048xf32, #tpu.memory_space<vmem>> -> memref<2048x2048xf32, #tpu.memory_space<vmem>>
      %dma_start3A_40 = arith.constant 0 : i32
      %dma_start3A_41 = arith.constant 0 : i32
      %dma_start3A_42 = tpu.memref_slice %arg3[%get3A_32, %dma_start3A_40, %dma_start3A_41] : memref<8x2048x2048xf32, #tpu.memory_space<any>> -> memref<1x2048x2048xf32, #tpu.memory_space<any>>
      %dma_start3A_43 = tpu.memref_squeeze %dma_start3A_42 : memref<1x2048x2048xf32, #tpu.memory_space<any>> -> memref<2048x2048xf32, #tpu.memory_space<any>>
      tpu.enqueue_dma source(%dma_start3A_43 : memref<2048x2048xf32, #tpu.memory_space<any>>) target(%dma_start3A_39 : memref<2048x2048xf32, #tpu.memory_space<vmem>>) target_semaphore(%dma_start3A_35 : memref<!tpu.dma_semaphore, #tpu.memory_space<semaphore_mem>>)
      %dma_start3A_44 = arith.constant 0 : i32
      %dma_start3A_45 = arith.constant 0 : i32
      %dma_start3A_46 = tpu.memref_slice %arg11[%dma_start3A_45] : memref<2x!tpu.dma_semaphore, #tpu.memory_space<semaphore_mem>> -> memref<1x!tpu.dma_semaphore, #tpu.memory_space<semaphore_mem>>
      %dma_start3A_47 = tpu.memref_squeeze %dma_start3A_46 : memref<1x!tpu.dma_semaphore, #tpu.memory_space<semaphore_mem>> -> memref<!tpu.dma_semaphore, #tpu.memory_space<semaphore_mem>>
      %dma_start3A_48 = arith.constant 0 : i32
      %dma_start3A_49 = arith.constant 0 : i32
      %dma_start3A_50 = tpu.memref_slice %arg9[%dma_start3A_44, %dma_start3A_48, %dma_start3A_49] : memref<2x2048x1024xf32, #tpu.memory_space<vmem>> -> memref<1x2048x1024xf32, #tpu.memory_space<vmem>>
      %dma_start3A_51 = tpu.memref_squeeze %dma_start3A_50 : memref<1x2048x1024xf32, #tpu.memory_space<vmem>> -> memref<2048x1024xf32, #tpu.memory_space<vmem>>
      %dma_start3A_52 = arith.constant 0 : i32
      %dma_start3A_53 = arith.constant 0 : i32
      %dma_start3A_54 = tpu.memref_slice %arg5[%get3A_32, %dma_start3A_52, %dma_start3A_53] : memref<8x2048x1024xf32, #tpu.memory_space<any>> -> memref<1x2048x1024xf32, #tpu.memory_space<any>>
      %dma_start3A_55 = tpu.memref_squeeze %dma_start3A_54 : memref<1x2048x1024xf32, #tpu.memory_space<any>> -> memref<2048x1024xf32, #tpu.memory_space<any>>
      tpu.enqueue_dma source(%dma_start3A_55 : memref<2048x1024xf32, #tpu.memory_space<any>>) target(%dma_start3A_51 : memref<2048x1024xf32, #tpu.memory_space<vmem>>) target_semaphore(%dma_start3A_47 : memref<!tpu.dma_semaphore, #tpu.memory_space<semaphore_mem>>)
    } else {
    }
    %get3A = arith.constant 2 : index
    %get3A_2 = arith.index_cast %arg0 : i32 to index
    %get3A_3 = memref.load %arg1[%get3A, %get3A_2] : memref<9x24xi32, #tpu.memory_space<smem>>
    %eq3A_4 = arith.constant 1 : i32
    %eq3A_5 = arith.cmpi eq, %get3A_3, %eq3A_4 : i32
    %get3A_6 = arith.constant 3 : index
    %get3A_7 = arith.index_cast %arg0 : i32 to index
    %get3A_8 = memref.load %arg1[%get3A_6, %get3A_7] : memref<9x24xi32, #tpu.memory_space<smem>>
    %eq3A_9 = arith.constant 1 : i32
    %eq3A_10 = arith.cmpi eq, %get3A_8, %eq3A_9 : i32
    %and3A = arith.andi %eq3A_5, %eq3A_10 : i1
    %convert_element_type3A_11 = arith.extui %and3A : i1 to i32
    %cond3A_12 = arith.constant 0 : i32
    %cond3A_13 = arith.cmpi ne, %convert_element_type3A_11, %cond3A_12 : i32
    scf.if %cond3A_13 {
      %get3A_30 = arith.constant 4 : index
      %get3A_31 = arith.index_cast %arg0 : i32 to index
      %get3A_32 = memref.load %arg1[%get3A_30, %get3A_31] : memref<9x24xi32, #tpu.memory_space<smem>>
      %get3A_33 = arith.constant 5 : index
      %get3A_34 = arith.index_cast %arg0 : i32 to index
      %get3A_35 = memref.load %arg1[%get3A_33, %get3A_34] : memref<9x24xi32, #tpu.memory_space<smem>>
      %dma_start3A = tpu.memref_slice %arg10[%get3A_35] : memref<2x!tpu.dma_semaphore, #tpu.memory_space<semaphore_mem>> -> memref<1x!tpu.dma_semaphore, #tpu.memory_space<semaphore_mem>>
      %dma_start3A_36 = tpu.memref_squeeze %dma_start3A : memref<1x!tpu.dma_semaphore, #tpu.memory_space<semaphore_mem>> -> memref<!tpu.dma_semaphore, #tpu.memory_space<semaphore_mem>>
      %dma_start3A_37 = arith.constant 0 : i32
      %dma_start3A_38 = arith.constant 0 : i32
      %dma_start3A_39 = tpu.memref_slice %arg8[%get3A_35, %dma_start3A_37, %dma_start3A_38] : memref<2x2048x2048xf32, #tpu.memory_space<vmem>> -> memref<1x2048x2048xf32, #tpu.memory_space<vmem>>
      %dma_start3A_40 = tpu.memref_squeeze %dma_start3A_39 : memref<1x2048x2048xf32, #tpu.memory_space<vmem>> -> memref<2048x2048xf32, #tpu.memory_space<vmem>>
      %dma_start3A_41 = arith.constant 0 : i32
      %dma_start3A_42 = arith.constant 0 : i32
      %dma_start3A_43 = tpu.memref_slice %arg3[%get3A_32, %dma_start3A_41, %dma_start3A_42] : memref<8x2048x2048xf32, #tpu.memory_space<any>> -> memref<1x2048x2048xf32, #tpu.memory_space<any>>
      %dma_start3A_44 = tpu.memref_squeeze %dma_start3A_43 : memref<1x2048x2048xf32, #tpu.memory_space<any>> -> memref<2048x2048xf32, #tpu.memory_space<any>>
      tpu.enqueue_dma source(%dma_start3A_44 : memref<2048x2048xf32, #tpu.memory_space<any>>) target(%dma_start3A_40 : memref<2048x2048xf32, #tpu.memory_space<vmem>>) target_semaphore(%dma_start3A_36 : memref<!tpu.dma_semaphore, #tpu.memory_space<semaphore_mem>>)
      %dma_start3A_45 = tpu.memref_slice %arg11[%get3A_35] : memref<2x!tpu.dma_semaphore, #tpu.memory_space<semaphore_mem>> -> memref<1x!tpu.dma_semaphore, #tpu.memory_space<semaphore_mem>>
      %dma_start3A_46 = tpu.memref_squeeze %dma_start3A_45 : memref<1x!tpu.dma_semaphore, #tpu.memory_space<semaphore_mem>> -> memref<!tpu.dma_semaphore, #tpu.memory_space<semaphore_mem>>
      %dma_start3A_47 = arith.constant 0 : i32
      %dma_start3A_48 = arith.constant 0 : i32
      %dma_start3A_49 = tpu.memref_slice %arg9[%get3A_35, %dma_start3A_47, %dma_start3A_48] : memref<2x2048x1024xf32, #tpu.memory_space<vmem>> -> memref<1x2048x1024xf32, #tpu.memory_space<vmem>>
      %dma_start3A_50 = tpu.memref_squeeze %dma_start3A_49 : memref<1x2048x1024xf32, #tpu.memory_space<vmem>> -> memref<2048x1024xf32, #tpu.memory_space<vmem>>
      %dma_start3A_51 = arith.constant 0 : i32
      %dma_start3A_52 = arith.constant 0 : i32
      %dma_start3A_53 = tpu.memref_slice %arg5[%get3A_32, %dma_start3A_51, %dma_start3A_52] : memref<8x2048x1024xf32, #tpu.memory_space<any>> -> memref<1x2048x1024xf32, #tpu.memory_space<any>>
      %dma_start3A_54 = tpu.memref_squeeze %dma_start3A_53 : memref<1x2048x1024xf32, #tpu.memory_space<any>> -> memref<2048x1024xf32, #tpu.memory_space<any>>
      tpu.enqueue_dma source(%dma_start3A_54 : memref<2048x1024xf32, #tpu.memory_space<any>>) target(%dma_start3A_50 : memref<2048x1024xf32, #tpu.memory_space<vmem>>) target_semaphore(%dma_start3A_46 : memref<!tpu.dma_semaphore, #tpu.memory_space<semaphore_mem>>)
    } else {
    }
    %get3A_14 = arith.constant 2 : index
    %get3A_15 = arith.index_cast %arg0 : i32 to index
    %get3A_16 = memref.load %arg1[%get3A_14, %get3A_15] : memref<9x24xi32, #tpu.memory_space<smem>>
    %eq3A_17 = arith.constant 1 : i32
    %eq3A_18 = arith.cmpi eq, %get3A_16, %eq3A_17 : i32
    %convert_element_type3A_19 = arith.extui %eq3A_18 : i1 to i32
    %cond3A_20 = arith.constant 0 : i32
    %cond3A_21 = arith.cmpi ne, %convert_element_type3A_19, %cond3A_20 : i32
    scf.if %cond3A_21 {
      %get3A_30 = arith.constant 0 : index
      %get3A_31 = arith.index_cast %arg0 : i32 to index
      %get3A_32 = memref.load %arg1[%get3A_30, %get3A_31] : memref<9x24xi32, #tpu.memory_space<smem>>
      %get3A_33 = arith.constant 1 : index
      %get3A_34 = arith.index_cast %arg0 : i32 to index
      %get3A_35 = memref.load %arg1[%get3A_33, %get3A_34] : memref<9x24xi32, #tpu.memory_space<smem>>
      %dma_wait3A = tpu.memref_slice %arg10[%get3A_35] : memref<2x!tpu.dma_semaphore, #tpu.memory_space<semaphore_mem>> -> memref<1x!tpu.dma_semaphore, #tpu.memory_space<semaphore_mem>>
      %dma_wait3A_36 = tpu.memref_squeeze %dma_wait3A : memref<1x!tpu.dma_semaphore, #tpu.memory_space<semaphore_mem>> -> memref<!tpu.dma_semaphore, #tpu.memory_space<semaphore_mem>>
      %dma_wait3A_37 = arith.constant 0 : i32
      %dma_wait3A_38 = arith.constant 0 : i32
      %dma_wait3A_39 = tpu.memref_slice %arg8[%get3A_35, %dma_wait3A_37, %dma_wait3A_38] : memref<2x2048x2048xf32, #tpu.memory_space<vmem>> -> memref<1x2048x2048xf32, #tpu.memory_space<vmem>>
      %dma_wait3A_40 = tpu.memref_squeeze %dma_wait3A_39 : memref<1x2048x2048xf32, #tpu.memory_space<vmem>> -> memref<2048x2048xf32, #tpu.memory_space<vmem>>
      %dma_wait3A_41 = arith.constant 0 : i32
      %dma_wait3A_42 = arith.constant 0 : i32
      %dma_wait3A_43 = tpu.memref_slice %arg3[%get3A_32, %dma_wait3A_41, %dma_wait3A_42] : memref<8x2048x2048xf32, #tpu.memory_space<any>> -> memref<1x2048x2048xf32, #tpu.memory_space<any>>
      %dma_wait3A_44 = tpu.memref_squeeze %dma_wait3A_43 : memref<1x2048x2048xf32, #tpu.memory_space<any>> -> memref<2048x2048xf32, #tpu.memory_space<any>>
      tpu.wait_dma2 semaphore(%dma_wait3A_36 : memref<!tpu.dma_semaphore, #tpu.memory_space<semaphore_mem>>) src(%dma_wait3A_44 : memref<2048x2048xf32, #tpu.memory_space<any>>) dst(%dma_wait3A_40 : memref<2048x2048xf32, #tpu.memory_space<vmem>>)
      %dma_wait3A_45 = tpu.memref_slice %arg11[%get3A_35] : memref<2x!tpu.dma_semaphore, #tpu.memory_space<semaphore_mem>> -> memref<1x!tpu.dma_semaphore, #tpu.memory_space<semaphore_mem>>
      %dma_wait3A_46 = tpu.memref_squeeze %dma_wait3A_45 : memref<1x!tpu.dma_semaphore, #tpu.memory_space<semaphore_mem>> -> memref<!tpu.dma_semaphore, #tpu.memory_space<semaphore_mem>>
      %dma_wait3A_47 = arith.constant 0 : i32
      %dma_wait3A_48 = arith.constant 0 : i32
      %dma_wait3A_49 = tpu.memref_slice %arg9[%get3A_35, %dma_wait3A_47, %dma_wait3A_48] : memref<2x2048x1024xf32, #tpu.memory_space<vmem>> -> memref<1x2048x1024xf32, #tpu.memory_space<vmem>>
      %dma_wait3A_50 = tpu.memref_squeeze %dma_wait3A_49 : memref<1x2048x1024xf32, #tpu.memory_space<vmem>> -> memref<2048x1024xf32, #tpu.memory_space<vmem>>
      %dma_wait3A_51 = arith.constant 0 : i32
      %dma_wait3A_52 = arith.constant 0 : i32
      %dma_wait3A_53 = tpu.memref_slice %arg5[%get3A_32, %dma_wait3A_51, %dma_wait3A_52] : memref<8x2048x1024xf32, #tpu.memory_space<any>> -> memref<1x2048x1024xf32, #tpu.memory_space<any>>
      %dma_wait3A_54 = tpu.memref_squeeze %dma_wait3A_53 : memref<1x2048x1024xf32, #tpu.memory_space<any>> -> memref<2048x1024xf32, #tpu.memory_space<any>>
      tpu.wait_dma2 semaphore(%dma_wait3A_46 : memref<!tpu.dma_semaphore, #tpu.memory_space<semaphore_mem>>) src(%dma_wait3A_54 : memref<2048x1024xf32, #tpu.memory_space<any>>) dst(%dma_wait3A_50 : memref<2048x1024xf32, #tpu.memory_space<vmem>>)
    } else {
    }
    %get3A_22 = arith.constant 6 : index
    %get3A_23 = arith.index_cast %arg0 : i32 to index
    %get3A_24 = memref.load %arg1[%get3A_22, %get3A_23] : memref<9x24xi32, #tpu.memory_space<smem>>
    %eq3A_25 = arith.constant 1 : i32
    %eq3A_26 = arith.cmpi eq, %get3A_24, %eq3A_25 : i32
    %convert_element_type3A_27 = arith.extui %eq3A_26 : i1 to i32
    %cond3A_28 = arith.constant 0 : i32
    %cond3A_29 = arith.cmpi ne, %convert_element_type3A_27, %cond3A_28 : i32
    scf.if %cond3A_29 {
      %get3A_30 = arith.constant 1 : index
      %get3A_31 = arith.index_cast %arg0 : i32 to index
      %get3A_32 = memref.load %arg1[%get3A_30, %get3A_31] : memref<9x24xi32, #tpu.memory_space<smem>>
      %get3A_33 = arith.constant 0 : index
      %get3A_34 = arith.constant 0 : index
      %get3A_35 = vector.load %arg2[%get3A_33, %get3A_34] : memref<256x2048xbf16, #tpu.memory_space<vmem>>, vector<256x2048xbf16>
      %get3A_36 = arith.index_cast %get3A_32 : i32 to index
      %get3A_37 = arith.constant 0 : index
      %get3A_38 = arith.constant 0 : index
      %get3A_39 = vector.load %arg8[%get3A_36, %get3A_37, %get3A_38] : memref<2x2048x2048xf32, #tpu.memory_space<vmem>>, vector<1x2048x2048xf32>
      %get3A_40 = vector.shape_cast %get3A_39 : vector<1x2048x2048xf32> to vector<2048x2048xf32>
      %convert_element_type3A_41 = arith.truncf %get3A_40 : vector<2048x2048xf32> to vector<2048x2048xbf16>
      %dot_general3A = arith.constant dense<0.000000e+00> : vector<256x2048xf32>
      %dot_general3A_42 = tpu.matmul %get3A_35, %convert_element_type3A_41, %dot_general3A {dimension_numbers = #tpu.dot_dimension_numbers<[1], [0], [0], [1], [0, 0, 1, 1], [], []>, transpose_lhs_hint = false} : vector<256x2048xbf16>, vector<2048x2048xbf16>, vector<256x2048xf32> -> vector<256x2048xf32>
      %get3A_43 = arith.constant 0 : index
      %get3A_44 = arith.constant 0 : index
      %get3A_45 = arith.constant 0 : index
      %get3A_46 = vector.load %arg4[%get3A_43, %get3A_44, %get3A_45] : memref<1x1x2048xf32, #tpu.memory_space<vmem>>, vector<1x1x2048xf32>
      %get3A_47 = vector.shape_cast %get3A_46 : vector<1x1x2048xf32> to vector<1x2048xf32>
      %add3A = vector.broadcast %get3A_47 : vector<1x2048xf32> to vector<256x2048xf32>
      %add3A_48 = arith.addf %dot_general3A_42, %add3A : vector<256x2048xf32>
      %max3A = arith.constant 0.000000e+00 : f32
      %max3A_49 = vector.broadcast %max3A : f32 to vector<256x2048xf32>
      %max3A_50 = arith.maximumf %add3A_48, %max3A_49 : vector<256x2048xf32>
      %convert_element_type3A_51 = arith.truncf %max3A_50 : vector<256x2048xf32> to vector<256x2048xbf16>
      %get3A_52 = arith.index_cast %get3A_32 : i32 to index
      %get3A_53 = arith.constant 0 : index
      %get3A_54 = arith.constant 0 : index
      %get3A_55 = vector.load %arg9[%get3A_52, %get3A_53, %get3A_54] : memref<2x2048x1024xf32, #tpu.memory_space<vmem>>, vector<1x2048x1024xf32>
      %get3A_56 = vector.shape_cast %get3A_55 : vector<1x2048x1024xf32> to vector<2048x1024xf32>
      %convert_element_type3A_57 = arith.truncf %get3A_56 : vector<2048x1024xf32> to vector<2048x1024xbf16>
      %dot_general3A_58 = arith.constant dense<0.000000e+00> : vector<256x1024xf32>
      %dot_general3A_59 = tpu.matmul %convert_element_type3A_51, %convert_element_type3A_57, %dot_general3A_58 {dimension_numbers = #tpu.dot_dimension_numbers<[1], [0], [0], [1], [0, 0, 1, 1], [], []>, transpose_lhs_hint = false} : vector<256x2048xbf16>, vector<2048x1024xbf16>, vector<256x1024xf32> -> vector<256x1024xf32>
      %get3A_60 = arith.constant 0 : index
      %get3A_61 = arith.constant 0 : index
      %get3A_62 = arith.constant 0 : index
      %get3A_63 = vector.load %arg6[%get3A_60, %get3A_61, %get3A_62] : memref<1x1x1024xf32, #tpu.memory_space<vmem>>, vector<1x1x1024xf32>
      %get3A_64 = vector.shape_cast %get3A_63 : vector<1x1x1024xf32> to vector<1x1024xf32>
      %add3A_65 = vector.broadcast %get3A_64 : vector<1x1024xf32> to vector<256x1024xf32>
      %add3A_66 = arith.addf %dot_general3A_59, %add3A_65 : vector<256x1024xf32>
      %swap3A = arith.constant 0 : index
      %swap3A_67 = arith.constant 0 : index
      %swap3A_68 = vector.load %arg7[%swap3A, %swap3A_67] : memref<256x1024xf32, #tpu.memory_space<vmem>>, vector<256x1024xf32>
      tpu.vector_store %arg7[%swap3A, %swap3A_67], %add3A_66 {strides = array<i32>} : memref<256x1024xf32, #tpu.memory_space<vmem>>, vector<256x1024xf32>,
    } else {
    }
    return
  }
  func.func @transform_0(%arg0: i32, %arg1: memref<9x24xi32, #tpu.memory_space<smem>>) -> (i32, i32) {
    %get3A = arith.constant 7 : index
    %get3A_0 = arith.index_cast %arg0 : i32 to index
    %get3A_1 = memref.load %arg1[%get3A, %get3A_0] : memref<9x24xi32, #tpu.memory_space<smem>>
    %c0_i32 = arith.constant 0 : i32
    %c0_i32_2 = arith.constant 0 : i32
    return %get3A_1, %c0_i32 : i32, i32
  }
  func.func @transform_2(%arg0: i32, %arg1: memref<9x24xi32, #tpu.memory_space<smem>>) -> (i32, i32, i32) {
    %get3A = arith.constant 0 : index
    %get3A_0 = arith.index_cast %arg0 : i32 to index
    %get3A_1 = memref.load %arg1[%get3A, %get3A_0] : memref<9x24xi32, #tpu.memory_space<smem>>
    %c0_i32 = arith.constant 0 : i32
    %c0_i32_2 = arith.constant 0 : i32
    %c0_i32_3 = arith.constant 0 : i32
    return %get3A_1, %c0_i32, %c0_i32_2 : i32, i32, i32
  }
  func.func @transform_4(%arg0: i32, %arg1: memref<9x24xi32, #tpu.memory_space<smem>>) -> (i32, i32, i32) {
    %get3A = arith.constant 0 : index
    %get3A_0 = arith.index_cast %arg0 : i32 to index
    %get3A_1 = memref.load %arg1[%get3A, %get3A_0] : memref<9x24xi32, #tpu.memory_space<smem>>
    %c0_i32 = arith.constant 0 : i32
    %c0_i32_2 = arith.constant 0 : i32
    %c0_i32_3 = arith.constant 0 : i32
    return %get3A_1, %c0_i32, %c0_i32_2 : i32, i32, i32
  }
  func.func @transform_5(%arg0: i32, %arg1: memref<9x24xi32, #tpu.memory_space<smem>>) -> (i32, i32) {
    %c0_i32 = arith.constant 0 : i32
    %c0_i32_0 = arith.constant 0 : i32
    return %arg0, %c0_i32 : i32, i32
  }
}

</mosaic_0001>

<sc_bundles>
// kernel: gather_offload_async_start
scs
__scs_entry_jumppad:
0x0: {  	(pc) =	sbr.rel $0x88, $3  }
0x1: {  	(tag) =	ssettag $0x0;
	lr =	simm.s32 $0x1  }
0x2: {  	[smem:$0x3F9B] =	sst lr;
	_ =	strace $0xD0000000  }
0x3: {  	_ = 	snop  }
0x4: {  	_ = 	snop  }
0x5: {  	_ = 	snop  }
0x6: {  	_ = 	snop  }
0x7: {  	_ = 	snop  }
__scs_overlays_trampoline_lowered:
0x8: {  	[smem:$0x3FAA] =	sst s0  }
0x9: {  	[smem:$0x3FAB] =	sst s1  }
0xa: {  	[smem:$0x3FAC] =	sst s2  }
0xb: {  	[smem:$0x3FAD] =	sst s3  }
0xc: {  	[smem:$0x3FAE] =	sst s4  }
0xd: {  	[smem:$0x3FAF] =	sst s5  }
0xe: {  	[smem:$0x3FB0] =	sst s6  }
0xf: {  	[smem:$0x3FB1] =	sst s7  }
0x10: {  	[smem:$0x3FB2] =	sst s8  }
0x11: {  	[smem:$0x3FB3] =	sst s9;
	s0 =	simm.s32 @!p0 $0x0  }
0x12: {  	s1 =	sld [smem:$0x3F99];
	s0 =	simm.s32 @p0 $0x1  }
0x13: {  	[smem:$0x3FB4] =	sst s0;
	s0 =	simm.s32 @!p1 $0x0  }
0x14: {  	s2 =	sld [smem:$0x3F98];
	s0 =	simm.s32 @p1 $0x1  }
0x15: {  	[smem:$0x3FB5] =	sst s0;
	s0 =	simm.s32 @!p2 $0x0  }
0x16: {  	s3 =	sld [smem:$0x3FDB];
	s0 =	simm.s32 @p2 $0x1  }
0x17: {  	s4 =	simm.s32 $0x1BF5;
	[smem:$0x3FB7] =	sst s0  }
0x18: {  	s0 =	sld [smem:$0x3F9A];
	_ =	swait.ge [sflag:s4], $0x0  }
0x19: {  	s7 =	sld [smem:$0x3F9B]  }
0x1a: {  	s8 =	sadd.s32 $0xFFFFE003, lr  }
0x1b: {  	s9 =	sadd.s32 $0xFFFFFEF7, lr;
	s5 =	simm.s32 $0xFFFFFFFF;
	p2 =	slt.u32 s8, $0xFFFFF086  }
0x1c: {  	p1 =	slt.u32 s9, $0xF7A;
	s5 =	simm.s32 @!p2 $0x0  }
0x1d: {  	s5 =	simm.s32 @p1 $0x1;
	p0 =	seq.s32 s7, s2  }
0x1e: {  	s7 =	smul.u32 @!p0 $0xF7A, s2;
	p2 =	seq.s32 @!p0 s5, $0x0  }
0x1f: {  	s9 =	smul.u32 $0xF7A, s1;
	s8 =	simm.s32 @!p0 $0x1BF5;
	p2 =	por !p2, p0  }
0x20: {  	[sflag:s8] =	ssyncset.s32 @!p0 $0xFFFFF086;
	s6 =	sadd.s32 @!p0 s3, s7;
	s7 =	simm.s32 @!p0 $0x108  }
0x21: {  	s3 =	sadd.s32 s3, s9;
	s6 =	sadd.s32 @!p0 $0x88, s6;
	s7 =	simm.s32 @p2 $0x1082  }
0x22: {  	[simem:s7], [sflag:s8] =	dma.local @!p0 [hbm:s6], $0xF7A  }
0x23: {  	s9 =	sor.u32 $0xD0000000, s2;
	s6 =	simm.s32 $0x108;
	_ =	swait.ge @!p0 [sflag:s8], $0x0  }
0x24: {  	s3 =	sadd.s32 $0x88, s3;
	s6 =	simm.s32 @!p1 $0x1082;
	[sflag:s4] =	ssyncset.s32 $0xFFFFF086  }
0x25: {  	[simem:s6], [sflag:s4] =	dma.local [hbm:s3], $0xF7A  }
0x26: {  	[smem:$0x3F9B] =	sst s1;
	(tag) =	ssettag s2;
	_ =	strace s9  }
0x27: {  	s1 =	sld [smem:$0x3FAB]  }
0x28: {  	s2 =	sld [smem:$0x3FAC]  }
0x29: {  	s4 =	sld [smem:$0x3FAE]  }
0x2a: {  	p0 =	seq.s32 s5, $0x0;
	s5 =	sld [smem:$0x3FAF]  }
0x2b: {  	s6 =	sld [smem:$0x3FB0]  }
0x2c: {  	s7 =	sld [smem:$0x3FB1]  }
0x2d: {  	s3 =	simm.s32 $0x108;
	s8 =	sld [smem:$0x3FB2]  }
0x2e: {  	s3 =	simm.s32 @!p0 $0x1082;
	s9 =	sld [smem:$0x3FB3]  }
0x2f: {  	lr =	sadd.s32 s0, s3;
	s0 =	sld [smem:$0x3FAA]  }
0x30: {  	s3 =	sld [smem:$0x3FAD]  }
0x31: {  	[smem:$0x3FB6] =	sst s10  }
0x32: {  	s10 =	sld [smem:$0x3FB4];
	_ =	sdelay $0x3  }
0x33: {  	p0 =	seq.s32 s10, $0x1;
	s10 =	sld [smem:$0x3FB6];
	_ =	sdelay $0x3  }
0x34: {  	[smem:$0x3FB6] =	sst s10  }
0x35: {  	s10 =	sld [smem:$0x3FB5];
	_ =	sdelay $0x3  }
0x36: {  	p1 =	seq.s32 s10, $0x1;
	s10 =	sld [smem:$0x3FB6];
	_ =	sdelay $0x3  }
0x37: {  	[smem:$0x3FB6] =	sst s10  }
0x38: {  	s10 =	sld [smem:$0x3FB7]  }
0x39: {  	_ = 	snop;
	(pc) =	sbr.ind lr, $3  }
0x3a: {  	_ = 	snop  }
0x3b: {  	_ = 	snop  }
0x3c: {  	p2 =	seq.s32 s10, $0x1;
	s10 =	sld [smem:$0x3FB6]  }
0x3d: {  	_ =	shalt  }
0x3e: {  	_ =	shalt  }
0x3f: {  	_ =	shalt  }
0x40: {  	_ =	shalt  }
0x41: {  	_ =	shalt  }
0x42: {  	_ =	shalt  }
0x43: {  	_ =	shalt  }
0x44: {  	_ =	shalt  }
0x45: {  	_ =	shalt  }
0x46: {  	_ =	shalt  }
0x47: {  	_ =	shalt  }
0x48: {  	_ =	shalt  }
0x49: {  	_ =	shalt  }
0x4a: {  	_ =	shalt  }
0x4b: {  	_ =	shalt  }
0x4c: {  	_ =	shalt  }
0x4d: {  	_ =	shalt  }
0x4e: {  	_ =	shalt  }
0x4f: {  	_ =	shalt  }
0x50: {  	_ =	shalt  }
0x51: {  	_ =	shalt  }
0x52: {  	_ =	shalt  }
0x53: {  	_ =	shalt  }
0x54: {  	_ =	shalt  }
0x55: {  	_ =	shalt  }
0x56: {  	_ =	shalt  }
0x57: {  	_ =	shalt  }
0x58: {  	_ =	shalt  }
0x59: {  	_ =	shalt  }
0x5a: {  	_ =	shalt  }
0x5b: {  	_ =	shalt  }
0x5c: {  	_ =	shalt  }
0x5d: {  	_ =	shalt  }
0x5e: {  	_ =	shalt  }
0x5f: {  	_ =	shalt  }
0x60: {  	_ =	shalt  }
0x61: {  	_ =	shalt  }
0x62: {  	_ =	shalt  }
0x63: {  	_ =	shalt  }
0x64: {  	_ =	shalt  }
0x65: {  	_ =	shalt  }
0x66: {  	_ =	shalt  }
0x67: {  	_ =	shalt  }
0x68: {  	_ =	shalt  }
0x69: {  	_ =	shalt  }
0x6a: {  	_ =	shalt  }
0x6b: {  	_ =	shalt  }
0x6c: {  	_ =	shalt  }
0x6d: {  	_ =	shalt  }
0x6e: {  	_ =	shalt  }
0x6f: {  	_ =	shalt  }
0x70: {  	_ =	shalt  }
0x71: {  	_ =	shalt  }
0x72: {  	_ =	shalt  }
0x73: {  	_ =	shalt  }
0x74: {  	_ =	shalt  }
0x75: {  	_ =	shalt  }
0x76: {  	_ =	shalt  }
0x77: {  	_ =	shalt  }
0x78: {  	_ =	shalt  }
0x79: {  	_ =	shalt  }
0x7a: {  	_ =	shalt  }
0x7b: {  	_ =	shalt  }
0x7c: {  	_ =	shalt  }
0x7d: {  	_ =	shalt  }
0x7e: {  	_ =	shalt  }
0x7f: {  	_ =	shalt  }
0x80: {  	_ =	shalt  }
0x81: {  	_ =	shalt  }
0x82: {  	_ =	shalt  }
0x83: {  	_ =	shalt  }
0x84: {  	_ =	shalt  }
0x85: {  	_ =	shalt  }
0x86: {  	_ =	shalt  }
0x87: {  	_ =	shalt  }
.Lfunc_end0:
.L_simem_size_0:
called_computation.3_lowered:
.L_overlay_start_0:
0x88: {  	s2 =	sld [smem:$0x3FD9]  }
0x89: {  	s3 =	sld [smem:$0x3FFE];
	_ =	sdelay $0x1  }
0x8a: {  	s1 =	srdreg.scid  }
0x8b: {  	s0 =	sand.u32 $0x1, s1  }
0x8c: {  	s17 =	sshll.u32 s0, $0xA;
	s2 =	sadd.s32 s3, s2  }
0x8d: {  	s2 =	sadd.s32 s2, s17  }
0x8e: {  	[smem:$0x3FC2] =	sst s2  }
0x8f: {  	_ = 	snop  }
0x90: {  	s18 =	sld [smem:$0x3FC8];
	(tm) =	ssettm $0x1  }
0x91: {  	s19 =	sld [smem:$0x3FFB];
	_ =	sdelay $0x3  }
0x92: {  	_ =	strace s19  }
0x93: {  	s2 =	sld [smem:$0x3FFC];
	_ =	sdelay $0x3  }
0x94: {  	_ =	strace s2  }
0x95: {  	s2 =	sld [smem:$0x3FFD];
	_ =	sdelay $0x3  }
0x96: {  	_ =	strace s2  }
0x97: {  	_ =	strace $0x8FFFFFFF  }
0x98: {  	s20 =	sld [smem:$0x3FDB];
	_ =	sdelay $0x1  }
0x99: {  	s4 =	simm.s32 $_scs_section_size  }
0x9a: {  	s5 =	simm.s32 $_size__tile_overlayer_lowered;
	s6 =	simm.s32 $_tile_overlayer_lowered  }
0x9b: {  	s7 =	simm.s32 $0x1BFF;
	s21 =	sshll.u32 s6, $0x1;
	s4 =	sadd.s32 s4, s20  }
0x9c: {  	s22 =	simm.s32 $0x0;
	s5 =	sshll.u32 s5, $0x1;
	s6 =	sadd.s32 s21, s4  }
0x9d: {  	[timem:s22], [sflag:s7] =	dma.local [hbm:s6], s5  }
0x9e: {  	_ =	swait.ge [sflag:s7], s5  }
0x9f: {  	s5 =	ssub.s32 $0x0, s5;
	[sflag:s7] =	ssyncset.done $0x0  }
0xa0: {  	[sflag:s7] =	ssyncadd.s32 s5;
	_ =	sdelay $0x1  }
0xa1: {  	s23 =	simm.s32 $0x1B8B  }
0xa2: {  	_ =	swait.ge [sflag:s23], $0x1  }
0xa3: {  	[sflag:s23] =	ssyncset.done $0x0  }
0xa4: {  	[sflag:s23] =	ssyncadd.s32 $0xFFFFFFFF  }
0xa5: {  	s5 =	sld [smem:$0x0]  }
0xa6: {  	s6 =	sand.u32 $0xFFFFFFFE, s1  }
0xa7: {  	p0 =	sne.s32 s1, s6  }
0xa8: {  	s6 =	sshll.u32 @p0 s6, $0xE  }
0xa9: {  	s6 =	sadd.s32 @p0 $0x11B8D, s6;
	s7 =	sshll.u32 @p0 s5, $0x11  }
0xaa: {  	s6 =	sor.u32 @p0 s7, s6  }
0xab: {  	[sflag:s6] =	ssyncadd.remote.s32 @p0 $0x1;
	_ =	sdelay $0x1  }
0xac: {  	s6 =	simm.s32 @p0 $0x1B8D  }
0xad: {  	_ =	swait.eq @p0 [sflag:s6], $0x1  }
0xae: {  	[sflag:s6] =	ssyncadd.s32 @p0 $0xFFFFFFFF  }
0xaf: {  	s7 =	sshll.u32 @!p0 s1, $0xE  }
0xb0: {  	s7 =	sor.u32 @!p0 $0x4000, s7;
	s6 =	simm.s32 @!p0 $0x1B8D  }
0xb1: {  	s5 =	sshll.u32 @!p0 s5, $0x11;
	s7 =	sadd.s32 @!p0 $0x11B8D, s7;
	_ =	swait.eq @!p0 [sflag:s6], $0x1  }
0xb2: {  	s5 =	sor.u32 @!p0 s5, s7;
	[sflag:s6] =	ssyncadd.s32 @!p0 $0xFFFFFFFF  }
0xb3: {  	s25 =	simm.s32 $0x1B8E;
	s24 =	sld [smem:$0x3FFE];
	[sflag:s5] =	ssyncadd.remote.s32 @!p0 $0x1  }
0xb4: {  	s26 =	simm.s32 $execute0_lowered;
	[smem:$0x3FD2] =	sst s25  }
0xb5: {  	s6 =	sshll.u32 s26, $0x1;
	_ =	strace $0x80000049;
	[dreg:$0x1] =	wrdreg $0xFFFFFFFF  }
0xb6: {  	s28 =	simm.s32 $_size_execute0_lowered;
	s4 =	sadd.s32 s4, s6;
	[dreg:$0x0] =	wrdreg $0x0  }
0xb7: {  	s6 =	sshll.u32 s28, $0x1;
	[dreg:$0x2] =	wrdreg s4  }
0xb8: {  	[dreg:$0x3] =	wrdreg s6  }
0xb9: {  	[dreg:$0x4] =	wrdreg $0xC0  }
0xba: {  	_ =	task [dreg:s22], $0x5FFFF  }
0xbb: {  	[dreg:$0x1] =	wrdreg $0xFFFFFFFF  }
0xbc: {  	[dreg:$0x0] =	wrdreg $0x60  }
0xbd: {  	[dreg:$0x2] =	wrdreg s18  }
0xbe: {  	[dreg:$0x3] =	wrdreg s24  }
0xbf: {  	[dreg:$0x4] =	wrdreg $0xB  }
0xc0: {  	_ =	task.clear_ibuf [dreg:s22], $0x5FFFF;
	_ =	strace $0x90000049  }
0xc1: {  	s29 =	simm.s32 $0xB;
	_ =	strace $0x8000004B  }
0xc2: {  	_ =	swait.ge [sflag:s29], $0x1  }
0xc3: {  	[sflag:s29] =	ssyncadd.s32 $0xFFFFFFFF  }
0xc4: {  	_ =	strace $0x9000004B  }
0xc5: {  	_ =	sfence  }
0xc6: {  	s30 =	sld [smem:$0x0];
	_ =	sdelay $0x2  }
0xc7: {  	s31 =	sshll.u32 s1, $0xD;
	s1 =	sshrl.u32 s1, $0x2  }
0xc8: {  	s4 =	sand.u32 $0x4000, s31;
	s1 =	sadd.s32 s1, s30  }
0xc9: {  	s0 =	sor.u32 s4, s0;
	s1 =	sshll.u32 s1, $0x11  }
0xca: {  	s0 =	sor.u32 s1, s0  }
0xcb: {  	s0 =	sadd.s32 $0x8F2B, s0  }
0xcc: {  	[sflag:s0] =	ssyncadd.remote.s32 $0x1  }
0xcd: {  	_ =	sfence.sel $0xFFFF  }
0xce: {  	[dreg:$0x0] =	wrdreg $0xFFFFFFFF;
	(pc) =	sbr.abs _section_cstart, $3  }
0xcf: {  	[dreg:$0x1] =	wrdreg $0xFFFFFFFF  }
0xd0: {  	_ =	task.clear_ibuf [dreg:s22], $0x2FFFF;
	_ =	strace $0x9FFFFFFF  }
0xd1: {  	(tm) =	ssettm $0x7FFFFFFF  }
tec
execute0_lowered:
.L_overlay_start_1:
0x0: {  	(tag) =	ssettag $0x1  }
0x1: {  	s1 =	srdreg.scid;
	s2 =	rddreg [dreg:$0x0]  }
0x2: {  	s0 =	stileid.u32;
	s3 =	rddreg [dreg:$0x1]  }
0x3: {  	s6 =	simm.s32 $0x1;
	s9 =	simm.s32 $0x1;
	s1 =	sshll.u32 s1, $0x6  }
0x4: {  	s10 =	simm.s32 $0x3;
	s4 =	sshll.u32 s0, $0x7;
	s5 =	sand.u32 $0x40, s1  }
0x5: {  	s13 =	simm.s32 $0x0;
	s12 =	simm.s32 $0x0;
	s4 =	sor.u32 s4, s5  }
0x6: {  	s1 =	rddreg [dreg:$0x2];
	_ =	strace $0x8000004A;
	s8 =	ssub.s32 $0x1000, s4  }
.Ltmp0:
0x7: {  	s5 =	sadd.s32 $0x800, s3;
	s7 =	sand.u32 $0x7C0, s8;
	(pc) =	sbr.rel .LBB2_1-.Ltmp0, $4  }
0x8: {  	[sflag:s6] =	ssyncpa.u1 $0x0;
	s11 =	smov.u32 s4;
	p0 =	sne.s32 s7, $0x0  }
0x9: {  	s8 =	sshrl.u32 s8, $0xB;
	s7 =	simm.s32 $0x2;
	s9 =	simm.s32 @!p0 $0x0  }
0xa: {  	[sflag:s7] =	ssyncpa.u1 $0x0;
	p0 =	por $0x0, $0x0;
	s8 =	sadd.s32 s9, s8  }
0xb: {  	vm0 =	vmmov $0xffff;
	[sflag:s10] =	ssyncpa.u1 $0x0;
	s10 =	simm.s32 $0x0;
	s9 =	sadd.s32 $0x1, s8  }
.LBB2_4:
0xc: {  	v2 =	vnsel vm1, $0x0, v2  }
0xd: {  	vm1 =	vgt.s32 v0, $0x0;
	v2 =	vmin.u32 v2, $0xFFF  }
0xe: {  	v0 =	vnsel vm1, $0x0, v0  }
0xf: {  	v0 =	vmin.u32 v0, $0xFFF  }
0x10: {  	[tilespmem:s15], [sflag:$0x1] =	stream.indirect_vreg.gather [hbm4b:s2+s10], $0x1, v1, vm0, $0x4038;
	[tilespmem:$0x100] =	vst v63  }
0x11: {  	(ifvalue) =	ssetifvalue $0x7FFFFFFF  }
0x12: {  	[tilespmem:s16], [sflag:$0x1] =	stream.indirect_vreg.gather [hbm4b:s2+s10], $0x1, v2, vm0, $0x4038;
	[tilespmem:$0x100] =	vst v63  }
0x13: {  	s29 =	sadd.s32 $0x10, s16;
	(ifvalue) =	ssetifvalue $0x7FFFFFFF  }
0x14: {  	[tilespmem:s29], [sflag:$0x1] =	stream.indirect_vreg.gather [hbm4b:s2+s10], $0x1, v0, vm0, $0x4038;
	[tilespmem:$0x100] =	vst v63  }
0x15: {  	_ =	swait.ge [sflag:s6], $0x40  }
0x16: {  	s30 =	sshrl.u32 s13, $0x3;
	[sflag:s6] =	ssyncset.done $0x0  }
0x17: {  	s31 =	sand.u32 $0x7, s13;
	s15 =	sadd.s32 s5, s30;
	[sflag:s6] =	ssyncadd.s32 $0xFFFFFFC0  }
0x18: {  	[hbm4b:s15+s31] =	stream.linear.scatter [tilespmem:s14], [sflag:$0x3], $0x40, $0x38;
	[tilespmem:$0x100] =	vst v63  }
.LBB2_5:
0x19: {  	s15 =	sadd.s32 $0x800, s11  }
0x1a: {  	p2 =	sgt.s32 s15, $0xFFF  }
0x1b: {  	s15 =	smov.u32 @p2 s4;
	p2 =	sne.s32 s12, s9  }
.Ltmp1:
0x1c: {  	p1 =	slt.u32 s12, $0x2;
	(pc) =	sbr.rel @!p2 .LBB2_6-.Ltmp1, $4  }
0x1d: {  	s14 =	simm.s32 @!p1 $0x3  }
0x1e: {  	s16 =	sadd.s32 $0x1, s12;
	_ =	swait.ge @!p1 [sflag:s14], $0x40  }
0x1f: {  	s13 =	smov.u32 s11;
	p0 =	por !p0, !p0;
	[sflag:s14] =	ssyncset.done @!p1 $0x0  }
0x20: {  	s12 =	smov.u32 s16;
	s11 =	smov.u32 s15;
	[sflag:s14] =	ssyncadd.s32 @!p1 $0xFFFFFFC0  }
.LBB2_1:
0x21: {  	p1 =	sge.u32 s12, s8  }
0x22: {  	s14 =	sxor.u32 @!p1 $0xFFFFFFFF, s12  }
0x23: {  	s31 =	sadd.s32 $0xFFFFFFFF, s12;
	s15 =	sshrl.u32 @!p1 s11, $0x3;
	s14 =	sshll.u32 @!p1 s14, $0x6  }
0x24: {  	s16 =	sand.u32 @!p1 $0x7, s11;
	s15 =	sadd.s32 @!p1 s3, s15;
	s14 =	sand.u32 @!p1 $0x40, s14  }
0x25: {  	[tilespmem:s14], [sflag:$0x2] =	stream.linear.gather @!p1 [hbm4b:s15+s16], $0x40, $0x38;
	[tilespmem:$0x100] =	vst v63  }
0x26: {  	p1 =	sge.u32 s31, s8  }
.Ltmp2:
0x27: {  	_ = 	snop;
	(pc) =	sbr.rel @p1 .LBB2_5-.Ltmp2, $1  }
0x28: {  	_ =	sdelay $0x3  }
0x29: {  	s14 =	simm.s32 $0x1  }
0x2a: {  	_ =	swait.ge [sflag:s7], $0x40;
	s14 =	simm.s32 @!p0 $0x0  }
0x2b: {  	[sflag:s7] =	ssyncset.done $0x0;
	s14 =	sshll.u32 s14, $0x6  }
0x2c: {  	[sflag:s7] =	ssyncadd.s32 $0xFFFFFFC0;
	(ifvalue) =	ssetifvalue $0x7FFFFFFF;
	v0 =	vld.msk [tilespmem:s14+$0x0 ss:$0x1], $0xffff;
	_ =	sdelay $0x4  }
0x2d: {  	s15 =	sadd.s32 $0x10, s14;
	vm1 =	vgt.s32 v0, $0x0  }
0x2e: {  	v2 =	vld.msk [tilespmem:s15+$0x0 ss:$0x1], $0xffff;
	v1 =	vnsel vm1, $0x0, v0  }
0x2f: {  	v1 =	vmin.u32 v1, $0xFFF;
	_ =	sdelay $0x1  }
0x30: {  	s16 =	sshll.u32 s12, $0x6;
	s18 =	simm.s32 $0x20  }
0x31: {  	s16 =	sand.u32 $0x40, s16;
	s17 =	sadd.s32 $0x10, s15;
	s15 =	sor.u32 $0x80, s14  }
0x32: {  	s14 =	sor.u32 $0x80, s16;
	s16 =	sadd.s32 $0x10, s15;
	v0 =	vld.msk [tilespmem:s17+$0x0 ss:$0x1], $0xffff;
	vm1 =	vgt.s32 v2, $0x0;
	(ifvalue) =	ssetifvalue $0x7FFFFFFF  }
.LBB2_3:
0x33: {  	[tilespmem:s15], [sflag:$0x1] =	stream.indirect_vreg.gather [hbm4b:s2+s10], $0x1, v1, vm0, $0x4038;
	[tilespmem:$0x100] =	vst v63  }
0x34: {  	s18 =	sadd.s32 $0x10, s18  }
0x35: {  	v2 =	vnsel vm1, $0x0, v2;
	p1 =	slt.u32 s18, $0x30  }
.Ltmp3:
0x36: {  	s15 =	smov.u32 s16;
	v1 =	vmin.u32 v2, $0xFFF;
	(pc) =	sbr.rel @p1 .LBB2_3-.Ltmp3, $3  }
0x37: {  	_ =	sdelay $0x1  }
0x38: {  	s17 =	sadd.s32 $0x10, s17  }
0x39: {  	vm1 =	vgt.s32 v0, $0x0;
	s16 =	sadd.s32 $0x10, s16;
	v2 =	vmov v0;
	(ifvalue) =	ssetifvalue $0x7FFFFFFF;
	v0 =	vld.msk [tilespmem:s17+$0x0 ss:$0x1], $0xffff  }
.Ltmp4:
0x3a: {  	_ = 	snop;
	(pc) =	sbr.rel .LBB2_4-.Ltmp4, $1  }
0x3b: {  	_ =	sdelay $0x3  }
.LBB2_6:
0x3c: {  	_ =	sfence.sel $0x180000  }
0x3d: {  	s2 =	simm.s32 $0x2;
	[bflag:$0x0] =	sbarrier.arrive $0xFFFF  }
0x3e: {  	s30 =	simm.s32 $0x3;
	[sflag:s2] =	ssyncpa.u1 $0x1  }
0x3f: {  	s31 =	simm.s32 $0x1;
	[sflag:s30] =	ssyncpa.u1 $0x1  }
0x40: {  	[sflag:s31] =	ssyncpa.u1 $0x1  }
0x41: {  	p0 =	sne.s32 s0, $0x0;
	_ =	strace $0x9000004A  }
0x42: {  	s0 =	sadd.s32 @!p0 $0x100000, s1;
	[bflag:$0x2] =	sbarrier.arrive $0xFFFF  }
0x43: {  	[sflag:s0] =	ssyncadd.tile.s32 @!p0 $0x1;
	_ =	shalt  }
.Lfunc_end2:
_tile_overlayer_lowered:
.L_overlay_start_2:
0x44: {  	(tag) =	ssettag $0x2  }
0x45: {  	s0 =	rddreg [dreg:$0x0];
	s2 =	stileid.u32  }
0x46: {  	s1 =	rddreg [dreg:$0x1];
	p0 =	sne.s32 s2, $0x0  }
0x47: {  	s3 =	rddreg [dreg:$0x2];
	[bflag:$0x3] =	sbarrier.arrive $0xFFFF;
	s2 =	simm.s32 @!p0 $0x1C01  }
0x48: {  	[timem:s3], [sflag:s2] =	dma.local @!p0 [hbm:s0], s1  }
0x49: {  	s0 =	simm.s32 @!p0 $0x1  }
0x4a: {  	_ =	swait.ge @!p0 [sflag:s0], s1  }
0x4b: {  	s1 =	ssub.s32 @!p0 $0x0, s1;
	[sflag:s0] =	ssyncset.done @!p0 $0x0  }
0x4c: {  	[sflag:s0] =	ssyncadd.s32 @!p0 s1  }
0x4d: {  	[bflag:$0x3] =	sbarrier.arrive $0xFFFF  }
0x4e: {  	_ =	shalt  }

// kernel: kernel.5.cloned.1.call-start
scs
__scs_entry_jumppad:
0x0: {  	(pc) =	sbr.rel $0x88, $3  }
0x1: {  	(tag) =	ssettag $0x0;
	lr =	simm.s32 $0x1  }
0x2: {  	[smem:$0x3F9B] =	sst lr;
	_ =	strace $0xD0000000  }
0x3: {  	_ = 	snop  }
0x4: {  	_ = 	snop  }
0x5: {  	_ = 	snop  }
0x6: {  	_ = 	snop  }
0x7: {  	_ = 	snop  }
__scs_overlays_trampoline_lowered:
0x8: {  	[smem:$0x3FAA] =	sst s0  }
0x9: {  	[smem:$0x3FAB] =	sst s1  }
0xa: {  	[smem:$0x3FAC] =	sst s2  }
0xb: {  	[smem:$0x3FAD] =	sst s3  }
0xc: {  	[smem:$0x3FAE] =	sst s4  }
0xd: {  	[smem:$0x3FAF] =	sst s5  }
0xe: {  	[smem:$0x3FB0] =	sst s6  }
0xf: {  	[smem:$0x3FB1] =	sst s7  }
0x10: {  	[smem:$0x3FB2] =	sst s8  }
0x11: {  	[smem:$0x3FB3] =	sst s9;
	s0 =	simm.s32 @!p0 $0x0  }
0x12: {  	s1 =	sld [smem:$0x3F99];
	s0 =	simm.s32 @p0 $0x1  }
0x13: {  	[smem:$0x3FB4] =	sst s0;
	s0 =	simm.s32 @!p1 $0x0  }
0x14: {  	s2 =	sld [smem:$0x3F98];
	s0 =	simm.s32 @p1 $0x1  }
0x15: {  	[smem:$0x3FB5] =	sst s0;
	s0 =	simm.s32 @!p2 $0x0  }
0x16: {  	s3 =	sld [smem:$0x3FDB];
	s0 =	simm.s32 @p2 $0x1  }
0x17: {  	s4 =	simm.s32 $0x1BF5;
	[smem:$0x3FB7] =	sst s0  }
0x18: {  	s0 =	sld [smem:$0x3F9A];
	_ =	swait.ge [sflag:s4], $0x0  }
0x19: {  	s7 =	sld [smem:$0x3F9B]  }
0x1a: {  	s8 =	sadd.s32 $0xFFFFE003, lr  }
0x1b: {  	s9 =	sadd.s32 $0xFFFFFEF7, lr;
	s5 =	simm.s32 $0xFFFFFFFF;
	p2 =	slt.u32 s8, $0xFFFFF086  }
0x1c: {  	p1 =	slt.u32 s9, $0xF7A;
	s5 =	simm.s32 @!p2 $0x0  }
0x1d: {  	s5 =	simm.s32 @p1 $0x1;
	p0 =	seq.s32 s7, s2  }
0x1e: {  	s7 =	smul.u32 @!p0 $0xF7A, s2;
	p2 =	seq.s32 @!p0 s5, $0x0  }
0x1f: {  	s9 =	smul.u32 $0xF7A, s1;
	s8 =	simm.s32 @!p0 $0x1BF5;
	p2 =	por !p2, p0  }
0x20: {  	[sflag:s8] =	ssyncset.s32 @!p0 $0xFFFFF086;
	s6 =	sadd.s32 @!p0 s3, s7;
	s7 =	simm.s32 @!p0 $0x108  }
0x21: {  	s3 =	sadd.s32 s3, s9;
	s6 =	sadd.s32 @!p0 $0x88, s6;
	s7 =	simm.s32 @p2 $0x1082  }
0x22: {  	[simem:s7], [sflag:s8] =	dma.local @!p0 [hbm:s6], $0xF7A  }
0x23: {  	s9 =	sor.u32 $0xD0000000, s2;
	s6 =	simm.s32 $0x108;
	_ =	swait.ge @!p0 [sflag:s8], $0x0  }
0x24: {  	s3 =	sadd.s32 $0x88, s3;
	s6 =	simm.s32 @!p1 $0x1082;
	[sflag:s4] =	ssyncset.s32 $0xFFFFF086  }
0x25: {  	[simem:s6], [sflag:s4] =	dma.local [hbm:s3], $0xF7A  }
0x26: {  	[smem:$0x3F9B] =	sst s1;
	(tag) =	ssettag s2;
	_ =	strace s9  }
0x27: {  	s1 =	sld [smem:$0x3FAB]  }
0x28: {  	s2 =	sld [smem:$0x3FAC]  }
0x29: {  	s4 =	sld [smem:$0x3FAE]  }
0x2a: {  	p0 =	seq.s32 s5, $0x0;
	s5 =	sld [smem:$0x3FAF]  }
0x2b: {  	s6 =	sld [smem:$0x3FB0]  }
0x2c: {  	s7 =	sld [smem:$0x3FB1]  }
0x2d: {  	s3 =	simm.s32 $0x108;
	s8 =	sld [smem:$0x3FB2]  }
0x2e: {  	s3 =	simm.s32 @!p0 $0x1082;
	s9 =	sld [smem:$0x3FB3]  }
0x2f: {  	lr =	sadd.s32 s0, s3;
	s0 =	sld [smem:$0x3FAA]  }
0x30: {  	s3 =	sld [smem:$0x3FAD]  }
0x31: {  	[smem:$0x3FB6] =	sst s10  }
0x32: {  	s10 =	sld [smem:$0x3FB4];
	_ =	sdelay $0x3  }
0x33: {  	p0 =	seq.s32 s10, $0x1;
	s10 =	sld [smem:$0x3FB6];
	_ =	sdelay $0x3  }
0x34: {  	[smem:$0x3FB6] =	sst s10  }
0x35: {  	s10 =	sld [smem:$0x3FB5];
	_ =	sdelay $0x3  }
0x36: {  	p1 =	seq.s32 s10, $0x1;
	s10 =	sld [smem:$0x3FB6];
	_ =	sdelay $0x3  }
0x37: {  	[smem:$0x3FB6] =	sst s10  }
0x38: {  	s10 =	sld [smem:$0x3FB7]  }
0x39: {  	_ = 	snop;
	(pc) =	sbr.ind lr, $3  }
0x3a: {  	_ = 	snop  }
0x3b: {  	_ = 	snop  }
0x3c: {  	p2 =	seq.s32 s10, $0x1;
	s10 =	sld [smem:$0x3FB6]  }
0x3d: {  	_ =	shalt  }
0x3e: {  	_ =	shalt  }
0x3f: {  	_ =	shalt  }
0x40: {  	_ =	shalt  }
0x41: {  	_ =	shalt  }
0x42: {  	_ =	shalt  }
0x43: {  	_ =	shalt  }
0x44: {  	_ =	shalt  }
0x45: {  	_ =	shalt  }
0x46: {  	_ =	shalt  }
0x47: {  	_ =	shalt  }
0x48: {  	_ =	shalt  }
0x49: {  	_ =	shalt  }
0x4a: {  	_ =	shalt  }
0x4b: {  	_ =	shalt  }
0x4c: {  	_ =	shalt  }
0x4d: {  	_ =	shalt  }
0x4e: {  	_ =	shalt  }
0x4f: {  	_ =	shalt  }
0x50: {  	_ =	shalt  }
0x51: {  	_ =	shalt  }
0x52: {  	_ =	shalt  }
0x53: {  	_ =	shalt  }
0x54: {  	_ =	shalt  }
0x55: {  	_ =	shalt  }
0x56: {  	_ =	shalt  }
0x57: {  	_ =	shalt  }
0x58: {  	_ =	shalt  }
0x59: {  	_ =	shalt  }
0x5a: {  	_ =	shalt  }
0x5b: {  	_ =	shalt  }
0x5c: {  	_ =	shalt  }
0x5d: {  	_ =	shalt  }
0x5e: {  	_ =	shalt  }
0x5f: {  	_ =	shalt  }
0x60: {  	_ =	shalt  }
0x61: {  	_ =	shalt  }
0x62: {  	_ =	shalt  }
0x63: {  	_ =	shalt  }
0x64: {  	_ =	shalt  }
0x65: {  	_ =	shalt  }
0x66: {  	_ =	shalt  }
0x67: {  	_ =	shalt  }
0x68: {  	_ =	shalt  }
0x69: {  	_ =	shalt  }
0x6a: {  	_ =	shalt  }
0x6b: {  	_ =	shalt  }
0x6c: {  	_ =	shalt  }
0x6d: {  	_ =	shalt  }
0x6e: {  	_ =	shalt  }
0x6f: {  	_ =	shalt  }
0x70: {  	_ =	shalt  }
0x71: {  	_ =	shalt  }
0x72: {  	_ =	shalt  }
0x73: {  	_ =	shalt  }
0x74: {  	_ =	shalt  }
0x75: {  	_ =	shalt  }
0x76: {  	_ =	shalt  }
0x77: {  	_ =	shalt  }
0x78: {  	_ =	shalt  }
0x79: {  	_ =	shalt  }
0x7a: {  	_ =	shalt  }
0x7b: {  	_ =	shalt  }
0x7c: {  	_ =	shalt  }
0x7d: {  	_ =	shalt  }
0x7e: {  	_ =	shalt  }
0x7f: {  	_ =	shalt  }
0x80: {  	_ =	shalt  }
0x81: {  	_ =	shalt  }
0x82: {  	_ =	shalt  }
0x83: {  	_ =	shalt  }
0x84: {  	_ =	shalt  }
0x85: {  	_ =	shalt  }
0x86: {  	_ =	shalt  }
0x87: {  	_ =	shalt  }
.Lfunc_end0:
.L_simem_size_0:
called_computation.4_lowered:
.L_overlay_start_0:
0x88: {  	s2 =	sld [smem:$0x3FD9]  }
0x89: {  	s3 =	sld [smem:$0x3FFE];
	_ =	sdelay $0x1  }
0x8a: {  	s1 =	srdreg.scid  }
0x8b: {  	s0 =	sand.u32 $0x1, s1  }
0x8c: {  	s16 =	sshll.u32 s0, $0xA;
	s2 =	sadd.s32 s3, s2  }
0x8d: {  	s2 =	sadd.s32 s2, s16  }
0x8e: {  	[smem:$0x3FC2] =	sst s2  }
0x8f: {  	_ = 	snop  }
0x90: {  	(tm) =	ssettm $0x1  }
0x91: {  	s17 =	sld [smem:$0x3FFB];
	_ =	sdelay $0x3  }
0x92: {  	_ =	strace s17  }
0x93: {  	s2 =	sld [smem:$0x3FFC];
	_ =	sdelay $0x3  }
0x94: {  	_ =	strace s2  }
0x95: {  	s2 =	sld [smem:$0x3FFD];
	_ =	sdelay $0x3  }
0x96: {  	_ =	strace s2  }
0x97: {  	_ =	strace $0x8FFFFFFF  }
0x98: {  	s18 =	sld [smem:$0x3FDB];
	_ =	sdelay $0x1  }
0x99: {  	s19 =	simm.s32 $_scs_section_size  }
0x9a: {  	s4 =	simm.s32 $_size__tile_overlayer_lowered;
	s5 =	simm.s32 $_tile_overlayer_lowered  }
0x9b: {  	s22 =	simm.s32 $0x1BFF;
	s21 =	sshll.u32 s5, $0x1;
	s2 =	sadd.s32 s19, s18  }
0x9c: {  	s6 =	simm.s32 $0x0;
	s20 =	sshll.u32 s4, $0x1;
	s4 =	sadd.s32 s21, s2  }
0x9d: {  	[timem:s6], [sflag:s22] =	dma.local [hbm:s4], s20  }
0x9e: {  	_ =	swait.ge [sflag:s22], s20  }
0x9f: {  	s3 =	ssub.s32 $0x0, s20;
	[sflag:s22] =	ssyncset.done $0x0  }
0xa0: {  	[sflag:s22] =	ssyncadd.s32 s3;
	_ =	sdelay $0x1  }
0xa1: {  	s23 =	simm.s32 $0x1B8B  }
0xa2: {  	_ =	swait.ge [sflag:s23], $0x1  }
0xa3: {  	[sflag:s23] =	ssyncset.done $0x0  }
0xa4: {  	s25 =	simm.s32 $0x1B8E;
	s24 =	sld [smem:$0x3FFE];
	[sflag:s23] =	ssyncadd.s32 $0xFFFFFFFF  }
0xa5: {  	s26 =	simm.s32 $execute0_lowered;
	[smem:$0x3FD2] =	sst s25  }
0xa6: {  	s4 =	sshll.u32 s26, $0x1;
	_ =	strace $0x8000004F;
	[dreg:$0x1] =	wrdreg $0xFFFFFFFF  }
0xa7: {  	s28 =	simm.s32 $_size_execute0_lowered;
	s2 =	sadd.s32 s2, s4;
	[dreg:$0x0] =	wrdreg $0x0  }
0xa8: {  	s4 =	sshll.u32 s28, $0x1;
	[dreg:$0x2] =	wrdreg s2  }
0xa9: {  	[dreg:$0x3] =	wrdreg s4  }
0xaa: {  	[dreg:$0x4] =	wrdreg $0xC0  }
0xab: {  	_ =	task [dreg:s6], $0x5FFFF  }
0xac: {  	[dreg:$0x1] =	wrdreg $0xFFFFFFFF  }
0xad: {  	[dreg:$0x0] =	wrdreg $0x60  }
0xae: {  	[dreg:$0x2] =	wrdreg s24  }
0xaf: {  	[dreg:$0x3] =	wrdreg $0x9  }
0xb0: {  	_ =	task.clear_ibuf [dreg:s6], $0x4FFFF;
	_ =	strace $0x9000004F  }
0xb1: {  	s29 =	simm.s32 $0x9;
	_ =	strace $0x80000051  }
0xb2: {  	_ =	swait.ge [sflag:s29], $0x1  }
0xb3: {  	[sflag:s29] =	ssyncadd.s32 $0xFFFFFFFF  }
0xb4: {  	_ =	strace $0x90000051  }
0xb5: {  	_ =	sfence  }
0xb6: {  	s30 =	sld [smem:$0x0];
	_ =	sdelay $0x2  }
0xb7: {  	s31 =	sshll.u32 s1, $0xD;
	s1 =	sshrl.u32 s1, $0x2  }
0xb8: {  	s3 =	sand.u32 $0x4000, s31;
	s1 =	sadd.s32 s1, s30  }
0xb9: {  	s0 =	sor.u32 s3, s0;
	s1 =	sshll.u32 s1, $0x11  }
0xba: {  	s0 =	sor.u32 s1, s0  }
0xbb: {  	s0 =	sadd.s32 $0x8F2B, s0  }
0xbc: {  	[sflag:s0] =	ssyncadd.remote.s32 $0x1  }
0xbd: {  	_ =	sfence.sel $0xFFFF  }
0xbe: {  	[dreg:$0x0] =	wrdreg $0xFFFFFFFF;
	(pc) =	sbr.abs _section_cstart, $3  }
0xbf: {  	[dreg:$0x1] =	wrdreg $0xFFFFFFFF  }
0xc0: {  	_ =	task.clear_ibuf [dreg:s6], $0x2FFFF;
	_ =	strace $0x9FFFFFFF  }
0xc1: {  	(tm) =	ssettm $0x7FFFFFFF  }
tec
execute0_lowered:
.L_overlay_start_1:
0x0: {  	(tag) =	ssettag $0x1  }
0x1: {  	s0 =	srdreg.scid;
	s2 =	stileid.u32  }
0x2: {  	s1 =	rddreg [dreg:$0x0];
	s21 =	simm.s32 $0x900;
	s22 =	simm.s32 $0x1100  }
0x3: {  	s28 =	simm.s32 $0x3100;
	s29 =	simm.s32 $0x3900;
	s30 =	simm.s32 $0x4100  }
0x4: {  	s31 =	simm.s32 $0x4900;
	s13 =	simm.s32 $0x5100;
	s14 =	simm.s32 $0x6100  }
0x5: {  	s19 =	simm.s32 $0x8100;
	s0 =	sand.u32 $0x1, s0;
	s3 =	sshll.u32 s2, $0x1  }
0x6: {  	s16 =	simm.s32 $0xB100;
	s17 =	simm.s32 $0xB900;
	s4 =	sor.u32 s0, s3  }
0x7: {  	s18 =	simm.s32 $0xC100;
	s2 =	simm.s32 $0x0;
	s5 =	smul.u32 $0x18, s4  }
0x8: {  	s7 =	sadd.s32 $0x80800, s1;
	s0 =	ssub.s32 $0x2, s0;
	s6 =	smul.u32 $0x6000, s4  }
0x9: {  	[smem:$0x7FF] =	sst s2;
	s4 =	smul.u32 $0x30000, s4;
	s8 =	sshrl.u32 s0, $0x1  }
0xa: {  	s3 =	sadd.s32 $0x800, s1;
	_ =	strace $0x80000050;
	s0 =	ssub.s32 s0, s8  }
0xb: {  	s5 =	sadd.s32 s5, s1;
	s6 =	sadd.s32 s7, s6;
	s4 =	sshrl.u32 s4, $0x3  }
0xc: {  	s15 =	smax.u32 s0, $0x1;
	s5 =	sadd.s32 $0x200A00, s5;
	[dreg:$0x8] =	wrdreg s6  }
0xd: {  	s23 =	sadd.s32 $0x1000, s6;
	s4 =	sadd.s32 s7, s4;
	[dreg:$0x2] =	wrdreg s5  }
0xe: {  	s6 =	sadd.s32 $0xA00, s1;
	[dreg:$0x3] =	wrdreg s23;
	s24 =	sadd.s32 $0x2000, s4  }
0xf: {  	s5 =	sadd.s32 $0x900, s1;
	s7 =	sadd.s32 $0x3000, s4;
	[dreg:$0x4] =	wrdreg s24  }
0x10: {  	s25 =	sadd.s32 $0x4000, s4;
	s26 =	sadd.s32 $0x5000, s4;
	[dreg:$0x5] =	wrdreg s7  }
0x11: {  	v2 =	vlaneseq.u32;
	s23 =	simm.s32 $0x1900;
	s4 =	simm.s32 $0x10100;
	[dreg:$0x6] =	wrdreg s25  }
0x12: {  	vm0 =	vmmov $0xffff;
	v1 =	vshrl.u32 v2, $0x3;
	s7 =	sadd.s32 $0xB00, s1;
	[dreg:$0x7] =	wrdreg s26;
	s24 =	simm.s32 $0x2100  }
0x13: {  	v0 =	vand.u32 $0x7, v2;
	v2 =	vor.u32 $0x8, v2;
	v1 =	vmul.u32 $0x8, v1;
	s25 =	simm.s32 $0x2900;
	s26 =	simm.s32 $0x9900;
	s1 =	simm.s32 $0x4  }
.LBB2_1:
0x14: {  	s20 =	rddreg [dreg:$0x2];
	s0 =	simm.s32 $0x7  }
0x15: {  	[tilespmem:s2], [sflag:$0x7] =	stream.linear.gather [hbm4b:s20+s2], $0xC0, $0x38;
	[tilespmem:$0x18100] =	vst v63  }
0x16: {  	_ =	swait.ge [sflag:s0], $0xC0  }
0x17: {  	[sflag:s0] =	ssyncset.done $0x0  }
0x18: {  	[sflag:s0] =	ssyncadd.s32 $0xFFFFFF40  }
0x19: {  	v3 =	vld [tilespmem:$0x0];
	_ =	sdelay $0x4  }
0x1a: {  	v4 =	vshll.u32 v3, $0x3  }
0x1b: {  	v3 =	vand.u32 $0x7, v3;
	v4 =	vand.u32 $0xFFFFFFC0, v4  }
0x1c: {  	v3 =	vor.u32 v3, v4  }
0x1d: {  	v4 =	vperm.xlane v3, v0;
	_ =	sdelay $0x1  }
0x1e: {  	v4 =	vadd.s32 v1, v4;
	_ =	sdelay $0x3  }
0x1f: {  	s12 =	simm.s32 $0x100  }
0x20: {  	[tilespmem:s12], [sflag:$0x1] =	stream.indirect_vreg.gather [hbm4b:s3+s2], $0x80, v4, vm0, $0xb8;
	[tilespmem:$0x18100] =	vst v63  }
0x21: {  	v3 =	vperm.xlane v3, v2  }
0x22: {  	[tilespmem:s21], [sflag:$0x1] =	stream.indirect_vreg.gather [hbm4b:s5+s2], $0x80, v4, vm0, $0xb8;
	[tilespmem:$0x18100] =	vst v63  }
0x23: {  	v3 =	vadd.s32 v1, v3  }
0x24: {  	[tilespmem:s22], [sflag:$0x1] =	stream.indirect_vreg.gather [hbm4b:s6+s2], $0x80, v4, vm0, $0xb8;
	[tilespmem:$0x18100] =	vst v63  }
0x25: {  	_ = 	snop  }
0x26: {  	[tilespmem:s23], [sflag:$0x1] =	stream.indirect_vreg.gather [hbm4b:s7+s2], $0x80, v4, vm0, $0xb8;
	[tilespmem:$0x18100] =	vst v63  }
0x27: {  	_ = 	snop  }
0x28: {  	[tilespmem:s24], [sflag:$0x1] =	stream.indirect_vreg.gather [hbm4b:s3+s2], $0x80, v3, vm0, $0xb8;
	[tilespmem:$0x18100] =	vst v63  }
0x29: {  	_ = 	snop  }
0x2a: {  	[tilespmem:s25], [sflag:$0x1] =	stream.indirect_vreg.gather [hbm4b:s5+s2], $0x80, v3, vm0, $0xb8;
	[tilespmem:$0x18100] =	vst v63  }
0x2b: {  	_ = 	snop  }
0x2c: {  	[tilespmem:s28], [sflag:$0x1] =	stream.indirect_vreg.gather [hbm4b:s6+s2], $0x80, v3, vm0, $0xb8;
	[tilespmem:$0x18100] =	vst v63  }
0x2d: {  	_ = 	snop  }
0x2e: {  	[tilespmem:s29], [sflag:$0x1] =	stream.indirect_vreg.gather [hbm4b:s7+s2], $0x80, v3, vm0, $0xb8;
	[tilespmem:$0x18100] =	vst v63  }
0x2f: {  	v3 =	vld [tilespmem:$0x10];
	_ =	sdelay $0x4  }
0x30: {  	v53 =	vshll.u32 v3, $0x3  }
0x31: {  	v3 =	vand.u32 $0x7, v3;
	v4 =	vand.u32 $0xFFFFFFC0, v53  }
0x32: {  	v3 =	vor.u32 v3, v4  }
0x33: {  	v4 =	vperm.xlane v3, v0;
	_ =	sdelay $0x1  }
0x34: {  	v4 =	vadd.s32 v1, v4;
	_ =	sdelay $0x4  }
0x35: {  	[tilespmem:s30], [sflag:$0x1] =	stream.indirect_vreg.gather [hbm4b:s3+s2], $0x80, v4, vm0, $0xb8;
	[tilespmem:$0x18100] =	vst v63  }
0x36: {  	v3 =	vperm.xlane v3, v2  }
0x37: {  	[tilespmem:s31], [sflag:$0x1] =	stream.indirect_vreg.gather [hbm4b:s5+s2], $0x80, v4, vm0, $0xb8;
	[tilespmem:$0x18100] =	vst v63  }
0x38: {  	v3 =	vadd.s32 v1, v3  }
0x39: {  	[tilespmem:s13], [sflag:$0x1] =	stream.indirect_vreg.gather [hbm4b:s6+s2], $0x80, v4, vm0, $0xb8;
	[tilespmem:$0x18100] =	vst v63  }
0x3a: {  	s10 =	simm.s32 $0x5900  }
0x3b: {  	[tilespmem:s10], [sflag:$0x1] =	stream.indirect_vreg.gather [hbm4b:s7+s2], $0x80, v4, vm0, $0xb8;
	[tilespmem:$0x18100] =	vst v63  }
0x3c: {  	_ = 	snop  }
0x3d: {  	[tilespmem:s14], [sflag:$0x1] =	stream.indirect_vreg.gather [hbm4b:s3+s2], $0x80, v3, vm0, $0xb8;
	[tilespmem:$0x18100] =	vst v63  }
0x3e: {  	s11 =	simm.s32 $0x6900  }
0x3f: {  	[tilespmem:s11], [sflag:$0x1] =	stream.indirect_vreg.gather [hbm4b:s5+s2], $0x80, v3, vm0, $0xb8;
	[tilespmem:$0x18100] =	vst v63  }
0x40: {  	s12 =	simm.s32 $0x7100  }
0x41: {  	[tilespmem:s12], [sflag:$0x1] =	stream.indirect_vreg.gather [hbm4b:s6+s2], $0x80, v3, vm0, $0xb8;
	[tilespmem:$0x18100] =	vst v63  }
0x42: {  	s9 =	simm.s32 $0x7900  }
0x43: {  	[tilespmem:s9], [sflag:$0x1] =	stream.indirect_vreg.gather [hbm4b:s7+s2], $0x80, v3, vm0, $0xb8;
	[tilespmem:$0x18100] =	vst v63  }
0x44: {  	v3 =	vld [tilespmem:$0x20];
	_ =	sdelay $0x4  }
0x45: {  	v54 =	vshll.u32 v3, $0x3  }
0x46: {  	v3 =	vand.u32 $0x7, v3;
	v4 =	vand.u32 $0xFFFFFFC0, v54  }
0x47: {  	v3 =	vor.u32 v3, v4  }
0x48: {  	v4 =	vperm.xlane v3, v0;
	_ =	sdelay $0x1  }
0x49: {  	v4 =	vadd.s32 v1, v4;
	_ =	sdelay $0x4  }
0x4a: {  	[tilespmem:s19], [sflag:$0x2] =	stream.indirect_vreg.gather [hbm4b:s3+s2], $0x80, v4, vm0, $0xb8;
	[tilespmem:$0x18100] =	vst v63  }
0x4b: {  	s20 =	simm.s32 $0x8900;
	v3 =	vperm.xlane v3, v2  }
0x4c: {  	[tilespmem:s20], [sflag:$0x2] =	stream.indirect_vreg.gather [hbm4b:s5+s2], $0x80, v4, vm0, $0xb8;
	[tilespmem:$0x18100] =	vst v63  }
0x4d: {  	s8 =	simm.s32 $0x9100;
	v3 =	vadd.s32 v1, v3  }
0x4e: {  	[tilespmem:s8], [sflag:$0x2] =	stream.indirect_vreg.gather [hbm4b:s6+s2], $0x80, v4, vm0, $0xb8;
	[tilespmem:$0x18100] =	vst v63  }
0x4f: {  	_ = 	snop  }
0x50: {  	[tilespmem:s26], [sflag:$0x2] =	stream.indirect_vreg.gather [hbm4b:s7+s2], $0x80, v4, vm0, $0xb8;
	[tilespmem:$0x18100] =	vst v63  }
0x51: {  	s20 =	simm.s32 $0xA100  }
0x52: {  	[tilespmem:s20], [sflag:$0x2] =	stream.indirect_vreg.gather [hbm4b:s3+s2], $0x80, v3, vm0, $0xb8;
	[tilespmem:$0x18100] =	vst v63  }
0x53: {  	s8 =	simm.s32 $0xA900  }
0x54: {  	[tilespmem:s8], [sflag:$0x2] =	stream.indirect_vreg.gather [hbm4b:s5+s2], $0x80, v3, vm0, $0xb8;
	[tilespmem:$0x18100] =	vst v63  }
0x55: {  	_ = 	snop  }
0x56: {  	[tilespmem:s16], [sflag:$0x2] =	stream.indirect_vreg.gather [hbm4b:s6+s2], $0x80, v3, vm0, $0xb8;
	[tilespmem:$0x18100] =	vst v63  }
0x57: {  	_ = 	snop  }
0x58: {  	[tilespmem:s17], [sflag:$0x2] =	stream.indirect_vreg.gather [hbm4b:s7+s2], $0x80, v3, vm0, $0xb8;
	[tilespmem:$0x18100] =	vst v63  }
0x59: {  	v3 =	vld [tilespmem:$0x30];
	_ =	sdelay $0x4  }
0x5a: {  	v55 =	vshll.u32 v3, $0x3  }
0x5b: {  	v3 =	vand.u32 $0x7, v3;
	v4 =	vand.u32 $0xFFFFFFC0, v55  }
0x5c: {  	v3 =	vor.u32 v3, v4  }
0x5d: {  	v4 =	vperm.xlane v3, v0;
	_ =	sdelay $0x1  }
0x5e: {  	v4 =	vadd.s32 v1, v4;
	_ =	sdelay $0x4  }
0x5f: {  	[tilespmem:s18], [sflag:$0x2] =	stream.indirect_vreg.gather [hbm4b:s3+s2], $0x80, v4, vm0, $0xb8;
	[tilespmem:$0x18100] =	vst v63  }
0x60: {  	s20 =	simm.s32 $0xC900;
	v3 =	vperm.xlane v3, v2  }
0x61: {  	[tilespmem:s20], [sflag:$0x2] =	stream.indirect_vreg.gather [hbm4b:s5+s2], $0x80, v4, vm0, $0xb8;
	[tilespmem:$0x18100] =	vst v63  }
0x62: {  	s8 =	simm.s32 $0xD100;
	v3 =	vadd.s32 v1, v3  }
0x63: {  	[tilespmem:s8], [sflag:$0x2] =	stream.indirect_vreg.gather [hbm4b:s6+s2], $0x80, v4, vm0, $0xb8;
	[tilespmem:$0x18100] =	vst v63  }
0x64: {  	s20 =	simm.s32 $0xD900  }
0x65: {  	[tilespmem:s20], [sflag:$0x2] =	stream.indirect_vreg.gather [hbm4b:s7+s2], $0x80, v4, vm0, $0xb8;
	[tilespmem:$0x18100] =	vst v63  }
0x66: {  	s8 =	simm.s32 $0xE100  }
0x67: {  	[tilespmem:s8], [sflag:$0x2] =	stream.indirect_vreg.gather [hbm4b:s3+s2], $0x80, v3, vm0, $0xb8;
	[tilespmem:$0x18100] =	vst v63  }
0x68: {  	s20 =	simm.s32 $0xE900  }
0x69: {  	[tilespmem:s20], [sflag:$0x2] =	stream.indirect_vreg.gather [hbm4b:s5+s2], $0x80, v3, vm0, $0xb8;
	[tilespmem:$0x18100] =	vst v63  }
0x6a: {  	s8 =	simm.s32 $0xF100  }
0x6b: {  	[tilespmem:s8], [sflag:$0x2] =	stream.indirect_vreg.gather [hbm4b:s6+s2], $0x80, v3, vm0, $0xb8;
	[tilespmem:$0x18100] =	vst v63  }
0x6c: {  	s20 =	simm.s32 $0xF900  }
0x6d: {  	[tilespmem:s20], [sflag:$0x2] =	stream.indirect_vreg.gather [hbm4b:s7+s2], $0x80, v3, vm0, $0xb8;
	[tilespmem:$0x18100] =	vst v63  }
0x6e: {  	v3 =	vld [tilespmem:$0x40];
	_ =	sdelay $0x4  }
0x6f: {  	v56 =	vshll.u32 v3, $0x3  }
0x70: {  	v3 =	vand.u32 $0x7, v3;
	v4 =	vand.u32 $0xFFFFFFC0, v56  }
0x71: {  	v3 =	vor.u32 v3, v4  }
0x72: {  	v4 =	vperm.xlane v3, v0;
	_ =	sdelay $0x1  }
0x73: {  	v4 =	vadd.s32 v1, v4;
	_ =	sdelay $0x4  }
0x74: {  	[tilespmem:s4], [sflag:$0x3] =	stream.indirect_vreg.gather [hbm4b:s3+s2], $0x80, v4, vm0, $0xb8;
	[tilespmem:$0x18100] =	vst v63  }
0x75: {  	s8 =	simm.s32 $0x10900;
	v3 =	vperm.xlane v3, v2  }
0x76: {  	[tilespmem:s8], [sflag:$0x3] =	stream.indirect_vreg.gather [hbm4b:s5+s2], $0x80, v4, vm0, $0xb8;
	[tilespmem:$0x18100] =	vst v63  }
0x77: {  	s20 =	simm.s32 $0x11100;
	v3 =	vadd.s32 v1, v3  }
0x78: {  	[tilespmem:s20], [sflag:$0x3] =	stream.indirect_vreg.gather [hbm4b:s6+s2], $0x80, v4, vm0, $0xb8;
	[tilespmem:$0x18100] =	vst v63  }
0x79: {  	s8 =	simm.s32 $0x11900  }
0x7a: {  	[tilespmem:s8], [sflag:$0x3] =	stream.indirect_vreg.gather [hbm4b:s7+s2], $0x80, v4, vm0, $0xb8;
	[tilespmem:$0x18100] =	vst v63  }
0x7b: {  	s20 =	simm.s32 $0x12100  }
0x7c: {  	[tilespmem:s20], [sflag:$0x3] =	stream.indirect_vreg.gather [hbm4b:s3+s2], $0x80, v3, vm0, $0xb8;
	[tilespmem:$0x18100] =	vst v63  }
0x7d: {  	s8 =	simm.s32 $0x12900  }
0x7e: {  	[tilespmem:s8], [sflag:$0x3] =	stream.indirect_vreg.gather [hbm4b:s5+s2], $0x80, v3, vm0, $0xb8;
	[tilespmem:$0x18100] =	vst v63  }
0x7f: {  	s20 =	simm.s32 $0x13100  }
0x80: {  	[tilespmem:s20], [sflag:$0x3] =	stream.indirect_vreg.gather [hbm4b:s6+s2], $0x80, v3, vm0, $0xb8;
	[tilespmem:$0x18100] =	vst v63  }
0x81: {  	s8 =	simm.s32 $0x13900  }
0x82: {  	[tilespmem:s8], [sflag:$0x3] =	stream.indirect_vreg.gather [hbm4b:s7+s2], $0x80, v3, vm0, $0xb8;
	[tilespmem:$0x18100] =	vst v63  }
0x83: {  	v3 =	vld [tilespmem:$0x50];
	_ =	sdelay $0x4  }
0x84: {  	v57 =	vshll.u32 v3, $0x3  }
0x85: {  	v3 =	vand.u32 $0x7, v3;
	v4 =	vand.u32 $0xFFFFFFC0, v57  }
0x86: {  	v3 =	vor.u32 v3, v4  }
0x87: {  	v4 =	vperm.xlane v3, v0;
	_ =	sdelay $0x1  }
0x88: {  	v4 =	vadd.s32 v1, v4;
	_ =	sdelay $0x3  }
0x89: {  	s20 =	simm.s32 $0x14100  }
0x8a: {  	[tilespmem:s20], [sflag:$0x3] =	stream.indirect_vreg.gather [hbm4b:s3+s2], $0x80, v4, vm0, $0xb8;
	[tilespmem:$0x18100] =	vst v63  }
0x8b: {  	s8 =	simm.s32 $0x14900;
	v3 =	vperm.xlane v3, v2  }
0x8c: {  	[tilespmem:s8], [sflag:$0x3] =	stream.indirect_vreg.gather [hbm4b:s5+s2], $0x80, v4, vm0, $0xb8;
	[tilespmem:$0x18100] =	vst v63  }
0x8d: {  	v3 =	vadd.s32 v1, v3;
	s20 =	simm.s32 $0x15100  }
0x8e: {  	[tilespmem:s20], [sflag:$0x3] =	stream.indirect_vreg.gather [hbm4b:s6+s2], $0x80, v4, vm0, $0xb8;
	[tilespmem:$0x18100] =	vst v63  }
0x8f: {  	s8 =	simm.s32 $0x15900  }
0x90: {  	[tilespmem:s8], [sflag:$0x3] =	stream.indirect_vreg.gather [hbm4b:s7+s2], $0x80, v4, vm0, $0xb8;
	[tilespmem:$0x18100] =	vst v63  }
0x91: {  	s20 =	simm.s32 $0x16100  }
0x92: {  	[tilespmem:s20], [sflag:$0x3] =	stream.indirect_vreg.gather [hbm4b:s3+s2], $0x80, v3, vm0, $0xb8;
	[tilespmem:$0x18100] =	vst v63  }
0x93: {  	s8 =	simm.s32 $0x16900  }
0x94: {  	[tilespmem:s8], [sflag:$0x3] =	stream.indirect_vreg.gather [hbm4b:s5+s2], $0x80, v3, vm0, $0xb8;
	[tilespmem:$0x18100] =	vst v63  }
0x95: {  	s20 =	simm.s32 $0x17100  }
0x96: {  	[tilespmem:s20], [sflag:$0x3] =	stream.indirect_vreg.gather [hbm4b:s6+s2], $0x80, v3, vm0, $0xb8;
	[tilespmem:$0x18100] =	vst v63  }
0x97: {  	s0 =	simm.s32 $0x1;
	s8 =	simm.s32 $0x17900  }
0x98: {  	[tilespmem:s8], [sflag:$0x3] =	stream.indirect_vreg.gather [hbm4b:s7+s2], $0x80, v3, vm0, $0xb8;
	[tilespmem:$0x18100] =	vst v63  }
0x99: {  	_ =	swait.ge [sflag:s0], $0x8000  }
0x9a: {  	[sflag:s0] =	ssyncset.done $0x0  }
0x9b: {  	s8 =	simm.s32 $0x100;
	s20 =	rddreg [dreg:$0x8];
	[sflag:s0] =	ssyncadd.s32 $0xFFFF8000  }
0x9c: {  	[hbm4b:s20+s2] =	stream.linear.scatter [tilespmem:s8], [sflag:$0x4], $0x8000, $0x38;
	[tilespmem:$0x18100] =	vst v63  }
0x9d: {  	_ =	swait.ge [sflag:s1], $0x8000  }
0x9e: {  	[sflag:s1] =	ssyncset.done $0x0  }
0x9f: {  	[sflag:s1] =	ssyncadd.s32 $0xFFFF8000  }
0xa0: {  	v3 =	vld [tilespmem:$0x60];
	_ =	sdelay $0x4  }
0xa1: {  	v58 =	vshll.u32 v3, $0x3  }
0xa2: {  	v3 =	vand.u32 $0x7, v3;
	v4 =	vand.u32 $0xFFFFFFC0, v58  }
0xa3: {  	v3 =	vor.u32 v3, v4  }
0xa4: {  	v4 =	vperm.xlane v3, v0;
	_ =	sdelay $0x1  }
0xa5: {  	v4 =	vadd.s32 v1, v4;
	_ =	sdelay $0x4  }
0xa6: {  	[tilespmem:s8], [sflag:$0x1] =	stream.indirect_vreg.gather [hbm4b:s3+s2], $0x80, v4, vm0, $0xb8;
	[tilespmem:$0x18100] =	vst v63  }
0xa7: {  	v3 =	vperm.xlane v3, v2  }
0xa8: {  	[tilespmem:s21], [sflag:$0x1] =	stream.indirect_vreg.gather [hbm4b:s5+s2], $0x80, v4, vm0, $0xb8;
	[tilespmem:$0x18100] =	vst v63  }
0xa9: {  	v3 =	vadd.s32 v1, v3  }
0xaa: {  	[tilespmem:s22], [sflag:$0x1] =	stream.indirect_vreg.gather [hbm4b:s6+s2], $0x80, v4, vm0, $0xb8;
	[tilespmem:$0x18100] =	vst v63  }
0xab: {  	_ = 	snop  }
0xac: {  	[tilespmem:s23], [sflag:$0x1] =	stream.indirect_vreg.gather [hbm4b:s7+s2], $0x80, v4, vm0, $0xb8;
	[tilespmem:$0x18100] =	vst v63  }
0xad: {  	_ = 	snop  }
0xae: {  	[tilespmem:s24], [sflag:$0x1] =	stream.indirect_vreg.gather [hbm4b:s3+s2], $0x80, v3, vm0, $0xb8;
	[tilespmem:$0x18100] =	vst v63  }
0xaf: {  	_ = 	snop  }
0xb0: {  	[tilespmem:s25], [sflag:$0x1] =	stream.indirect_vreg.gather [hbm4b:s5+s2], $0x80, v3, vm0, $0xb8;
	[tilespmem:$0x18100] =	vst v63  }
0xb1: {  	_ = 	snop  }
0xb2: {  	[tilespmem:s28], [sflag:$0x1] =	stream.indirect_vreg.gather [hbm4b:s6+s2], $0x80, v3, vm0, $0xb8;
	[tilespmem:$0x18100] =	vst v63  }
0xb3: {  	_ = 	snop  }
0xb4: {  	[tilespmem:s29], [sflag:$0x1] =	stream.indirect_vreg.gather [hbm4b:s7+s2], $0x80, v3, vm0, $0xb8;
	[tilespmem:$0x18100] =	vst v63  }
0xb5: {  	v3 =	vld [tilespmem:$0x70];
	_ =	sdelay $0x4  }
0xb6: {  	v59 =	vshll.u32 v3, $0x3  }
0xb7: {  	v3 =	vand.u32 $0x7, v3;
	v4 =	vand.u32 $0xFFFFFFC0, v59  }
0xb8: {  	v3 =	vor.u32 v3, v4  }
0xb9: {  	v4 =	vperm.xlane v3, v0;
	_ =	sdelay $0x1  }
0xba: {  	v4 =	vadd.s32 v1, v4;
	_ =	sdelay $0x4  }
0xbb: {  	[tilespmem:s30], [sflag:$0x1] =	stream.indirect_vreg.gather [hbm4b:s3+s2], $0x80, v4, vm0, $0xb8;
	[tilespmem:$0x18100] =	vst v63  }
0xbc: {  	v3 =	vperm.xlane v3, v2  }
0xbd: {  	[tilespmem:s31], [sflag:$0x1] =	stream.indirect_vreg.gather [hbm4b:s5+s2], $0x80, v4, vm0, $0xb8;
	[tilespmem:$0x18100] =	vst v63  }
0xbe: {  	v3 =	vadd.s32 v1, v3  }
0xbf: {  	[tilespmem:s13], [sflag:$0x1] =	stream.indirect_vreg.gather [hbm4b:s6+s2], $0x80, v4, vm0, $0xb8;
	[tilespmem:$0x18100] =	vst v63  }
0xc0: {  	_ = 	snop  }
0xc1: {  	[tilespmem:s10], [sflag:$0x1] =	stream.indirect_vreg.gather [hbm4b:s7+s2], $0x80, v4, vm0, $0xb8;
	[tilespmem:$0x18100] =	vst v63  }
0xc2: {  	_ = 	snop  }
0xc3: {  	[tilespmem:s14], [sflag:$0x1] =	stream.indirect_vreg.gather [hbm4b:s3+s2], $0x80, v3, vm0, $0xb8;
	[tilespmem:$0x18100] =	vst v63  }
0xc4: {  	_ = 	snop  }
0xc5: {  	[tilespmem:s11], [sflag:$0x1] =	stream.indirect_vreg.gather [hbm4b:s5+s2], $0x80, v3, vm0, $0xb8;
	[tilespmem:$0x18100] =	vst v63  }
0xc6: {  	_ = 	snop  }
0xc7: {  	[tilespmem:s12], [sflag:$0x1] =	stream.indirect_vreg.gather [hbm4b:s6+s2], $0x80, v3, vm0, $0xb8;
	[tilespmem:$0x18100] =	vst v63  }
0xc8: {  	_ = 	snop  }
0xc9: {  	[tilespmem:s9], [sflag:$0x1] =	stream.indirect_vreg.gather [hbm4b:s7+s2], $0x80, v3, vm0, $0xb8;
	[tilespmem:$0x18100] =	vst v63  }
0xca: {  	s9 =	simm.s32 $0x2  }
0xcb: {  	_ =	swait.ge [sflag:s9], $0x8000  }
0xcc: {  	[sflag:s9] =	ssyncset.done $0x0  }
0xcd: {  	s10 =	simm.s32 $0x5;
	s12 =	rddreg [dreg:$0x3];
	[sflag:s9] =	ssyncadd.s32 $0xFFFF8000  }
0xce: {  	[hbm4b:s12+s2] =	stream.linear.scatter [tilespmem:s19], [sflag:$0x5], $0x8000, $0x38;
	[tilespmem:$0x18100] =	vst v63  }
0xcf: {  	_ =	swait.ge [sflag:s10], $0x8000  }
0xd0: {  	[sflag:s10] =	ssyncset.done $0x0  }
0xd1: {  	[sflag:s10] =	ssyncadd.s32 $0xFFFF8000  }
0xd2: {  	v3 =	vld [tilespmem:$0x80];
	_ =	sdelay $0x4  }
0xd3: {  	v60 =	vshll.u32 v3, $0x3  }
0xd4: {  	v3 =	vand.u32 $0x7, v3;
	v4 =	vand.u32 $0xFFFFFFC0, v60  }
0xd5: {  	v3 =	vor.u32 v3, v4  }
0xd6: {  	v4 =	vperm.xlane v3, v0;
	_ =	sdelay $0x1  }
0xd7: {  	v4 =	vadd.s32 v1, v4;
	_ =	sdelay $0x4  }
0xd8: {  	[tilespmem:s19], [sflag:$0x2] =	stream.indirect_vreg.gather [hbm4b:s3+s2], $0x80, v4, vm0, $0xb8;
	[tilespmem:$0x18100] =	vst v63  }
0xd9: {  	s20 =	simm.s32 $0x8900;
	v3 =	vperm.xlane v3, v2  }
0xda: {  	[tilespmem:s20], [sflag:$0x2] =	stream.indirect_vreg.gather [hbm4b:s5+s2], $0x80, v4, vm0, $0xb8;
	[tilespmem:$0x18100] =	vst v63  }
0xdb: {  	s11 =	simm.s32 $0x9100;
	v3 =	vadd.s32 v1, v3  }
0xdc: {  	[tilespmem:s11], [sflag:$0x2] =	stream.indirect_vreg.gather [hbm4b:s6+s2], $0x80, v4, vm0, $0xb8;
	[tilespmem:$0x18100] =	vst v63  }
0xdd: {  	_ = 	snop  }
0xde: {  	[tilespmem:s26], [sflag:$0x2] =	stream.indirect_vreg.gather [hbm4b:s7+s2], $0x80, v4, vm0, $0xb8;
	[tilespmem:$0x18100] =	vst v63  }
0xdf: {  	s12 =	simm.s32 $0xA100  }
0xe0: {  	[tilespmem:s12], [sflag:$0x2] =	stream.indirect_vreg.gather [hbm4b:s3+s2], $0x80, v3, vm0, $0xb8;
	[tilespmem:$0x18100] =	vst v63  }
0xe1: {  	s20 =	simm.s32 $0xA900  }
0xe2: {  	[tilespmem:s20], [sflag:$0x2] =	stream.indirect_vreg.gather [hbm4b:s5+s2], $0x80, v3, vm0, $0xb8;
	[tilespmem:$0x18100] =	vst v63  }
0xe3: {  	_ = 	snop  }
0xe4: {  	[tilespmem:s16], [sflag:$0x2] =	stream.indirect_vreg.gather [hbm4b:s6+s2], $0x80, v3, vm0, $0xb8;
	[tilespmem:$0x18100] =	vst v63  }
0xe5: {  	_ = 	snop  }
0xe6: {  	[tilespmem:s17], [sflag:$0x2] =	stream.indirect_vreg.gather [hbm4b:s7+s2], $0x80, v3, vm0, $0xb8;
	[tilespmem:$0x18100] =	vst v63  }
0xe7: {  	v3 =	vld [tilespmem:$0x90];
	_ =	sdelay $0x4  }
0xe8: {  	v61 =	vshll.u32 v3, $0x3  }
0xe9: {  	v3 =	vand.u32 $0x7, v3;
	v4 =	vand.u32 $0xFFFFFFC0, v61  }
0xea: {  	v3 =	vor.u32 v3, v4  }
0xeb: {  	v4 =	vperm.xlane v3, v0;
	_ =	sdelay $0x1  }
0xec: {  	v4 =	vadd.s32 v1, v4;
	_ =	sdelay $0x4  }
0xed: {  	[tilespmem:s18], [sflag:$0x2] =	stream.indirect_vreg.gather [hbm4b:s3+s2], $0x80, v4, vm0, $0xb8;
	[tilespmem:$0x18100] =	vst v63  }
0xee: {  	s11 =	simm.s32 $0xC900;
	v3 =	vperm.xlane v3, v2  }
0xef: {  	[tilespmem:s11], [sflag:$0x2] =	stream.indirect_vreg.gather [hbm4b:s5+s2], $0x80, v4, vm0, $0xb8;
	[tilespmem:$0x18100] =	vst v63  }
0xf0: {  	s12 =	simm.s32 $0xD100;
	v3 =	vadd.s32 v1, v3  }
0xf1: {  	[tilespmem:s12], [sflag:$0x2] =	stream.indirect_vreg.gather [hbm4b:s6+s2], $0x80, v4, vm0, $0xb8;
	[tilespmem:$0x18100] =	vst v63  }
0xf2: {  	s20 =	simm.s32 $0xD900  }
0xf3: {  	[tilespmem:s20], [sflag:$0x2] =	stream.indirect_vreg.gather [hbm4b:s7+s2], $0x80, v4, vm0, $0xb8;
	[tilespmem:$0x18100] =	vst v63  }
0xf4: {  	s11 =	simm.s32 $0xE100  }
0xf5: {  	[tilespmem:s11], [sflag:$0x2] =	stream.indirect_vreg.gather [hbm4b:s3+s2], $0x80, v3, vm0, $0xb8;
	[tilespmem:$0x18100] =	vst v63  }
0xf6: {  	s12 =	simm.s32 $0xE900  }
0xf7: {  	[tilespmem:s12], [sflag:$0x2] =	stream.indirect_vreg.gather [hbm4b:s5+s2], $0x80, v3, vm0, $0xb8;
	[tilespmem:$0x18100] =	vst v63  }
0xf8: {  	s20 =	simm.s32 $0xF100  }
0xf9: {  	[tilespmem:s20], [sflag:$0x2] =	stream.indirect_vreg.gather [hbm4b:s6+s2], $0x80, v3, vm0, $0xb8;
	[tilespmem:$0x18100] =	vst v63  }
0xfa: {  	s11 =	simm.s32 $0xF900  }
0xfb: {  	[tilespmem:s11], [sflag:$0x2] =	stream.indirect_vreg.gather [hbm4b:s7+s2], $0x80, v3, vm0, $0xb8;
	[tilespmem:$0x18100] =	vst v63  }
0xfc: {  	s11 =	simm.s32 $0x3  }
0xfd: {  	_ =	swait.ge [sflag:s11], $0x8000  }
0xfe: {  	[sflag:s11] =	ssyncset.done $0x0  }
0xff: {  	s12 =	rddreg [dreg:$0x4];
	[sflag:s11] =	ssyncadd.s32 $0xFFFF8000  }
0x100: {  	[hbm4b:s12+s2] =	stream.linear.scatter [tilespmem:s4], [sflag:$0x6], $0x8000, $0x38;
	[tilespmem:$0x18100] =	vst v63  }
0x101: {  	s12 =	simm.s32 $0x6  }
0x102: {  	_ =	swait.ge [sflag:s12], $0x8000  }
0x103: {  	[sflag:s12] =	ssyncset.done $0x0  }
0x104: {  	[sflag:s12] =	ssyncadd.s32 $0xFFFF8000  }
0x105: {  	v3 =	vld [tilespmem:$0xA0];
	_ =	sdelay $0x4  }
0x106: {  	v62 =	vshll.u32 v3, $0x3  }
0x107: {  	v3 =	vand.u32 $0x7, v3;
	v4 =	vand.u32 $0xFFFFFFC0, v62  }
0x108: {  	v3 =	vor.u32 v3, v4  }
0x109: {  	v4 =	vperm.xlane v3, v0;
	_ =	sdelay $0x1  }
0x10a: {  	v4 =	vadd.s32 v1, v4;
	_ =	sdelay $0x4  }
0x10b: {  	[tilespmem:s4], [sflag:$0x3] =	stream.indirect_vreg.gather [hbm4b:s3+s2], $0x80, v4, vm0, $0xb8;
	[tilespmem:$0x18100] =	vst v63  }
0x10c: {  	s20 =	simm.s32 $0x10900;
	v3 =	vperm.xlane v3, v2  }
0x10d: {  	[tilespmem:s20], [sflag:$0x3] =	stream.indirect_vreg.gather [hbm4b:s5+s2], $0x80, v4, vm0, $0xb8;
	[tilespmem:$0x18100] =	vst v63  }
0x10e: {  	v3 =	vadd.s32 v1, v3;
	s20 =	simm.s32 $0x11100  }
0x10f: {  	[tilespmem:s20], [sflag:$0x3] =	stream.indirect_vreg.gather [hbm4b:s6+s2], $0x80, v4, vm0, $0xb8;
	[tilespmem:$0x18100] =	vst v63  }
0x110: {  	s20 =	simm.s32 $0x11900  }
0x111: {  	[tilespmem:s20], [sflag:$0x3] =	stream.indirect_vreg.gather [hbm4b:s7+s2], $0x80, v4, vm0, $0xb8;
	[tilespmem:$0x18100] =	vst v63  }
0x112: {  	s20 =	simm.s32 $0x12100  }
0x113: {  	[tilespmem:s20], [sflag:$0x3] =	stream.indirect_vreg.gather [hbm4b:s3+s2], $0x80, v3, vm0, $0xb8;
	[tilespmem:$0x18100] =	vst v63  }
0x114: {  	s20 =	simm.s32 $0x12900  }
0x115: {  	[tilespmem:s20], [sflag:$0x3] =	stream.indirect_vreg.gather [hbm4b:s5+s2], $0x80, v3, vm0, $0xb8;
	[tilespmem:$0x18100] =	vst v63  }
0x116: {  	s20 =	simm.s32 $0x13100  }
0x117: {  	[tilespmem:s20], [sflag:$0x3] =	stream.indirect_vreg.gather [hbm4b:s6+s2], $0x80, v3, vm0, $0xb8;
	[tilespmem:$0x18100] =	vst v63  }
0x118: {  	s20 =	simm.s32 $0x13900  }
0x119: {  	[tilespmem:s20], [sflag:$0x3] =	stream.indirect_vreg.gather [hbm4b:s7+s2], $0x80, v3, vm0, $0xb8;
	[tilespmem:$0x18100] =	vst v63  }
0x11a: {  	v3 =	vld [tilespmem:$0xB0];
	_ =	sdelay $0x4  }
0x11b: {  	v63 =	vshll.u32 v3, $0x3  }
0x11c: {  	v3 =	vand.u32 $0x7, v3;
	v4 =	vand.u32 $0xFFFFFFC0, v63  }
0x11d: {  	v3 =	vor.u32 v3, v4  }
0x11e: {  	v4 =	vperm.xlane v3, v0;
	_ =	sdelay $0x1  }
0x11f: {  	v4 =	vadd.s32 v1, v4;
	_ =	sdelay $0x3  }
0x120: {  	s20 =	simm.s32 $0x14100  }
0x121: {  	[tilespmem:s20], [sflag:$0x3] =	stream.indirect_vreg.gather [hbm4b:s3+s2], $0x80, v4, vm0, $0xb8;
	[tilespmem:$0x18100] =	vst v63  }
0x122: {  	v3 =	vperm.xlane v3, v2;
	s20 =	simm.s32 $0x14900  }
0x123: {  	[tilespmem:s20], [sflag:$0x3] =	stream.indirect_vreg.gather [hbm4b:s5+s2], $0x80, v4, vm0, $0xb8;
	[tilespmem:$0x18100] =	vst v63  }
0x124: {  	v3 =	vadd.s32 v1, v3;
	s20 =	simm.s32 $0x15100  }
0x125: {  	[tilespmem:s20], [sflag:$0x3] =	stream.indirect_vreg.gather [hbm4b:s6+s2], $0x80, v4, vm0, $0xb8;
	[tilespmem:$0x18100] =	vst v63  }
0x126: {  	s20 =	simm.s32 $0x15900  }
0x127: {  	[tilespmem:s20], [sflag:$0x3] =	stream.indirect_vreg.gather [hbm4b:s7+s2], $0x80, v4, vm0, $0xb8;
	[tilespmem:$0x18100] =	vst v63  }
0x128: {  	s20 =	simm.s32 $0x16100  }
0x129: {  	[tilespmem:s20], [sflag:$0x3] =	stream.indirect_vreg.gather [hbm4b:s3+s2], $0x80, v3, vm0, $0xb8;
	[tilespmem:$0x18100] =	vst v63  }
0x12a: {  	s20 =	simm.s32 $0x16900  }
0x12b: {  	[tilespmem:s20], [sflag:$0x3] =	stream.indirect_vreg.gather [hbm4b:s5+s2], $0x80, v3, vm0, $0xb8;
	[tilespmem:$0x18100] =	vst v63  }
0x12c: {  	s20 =	simm.s32 $0x17100  }
0x12d: {  	[tilespmem:s20], [sflag:$0x3] =	stream.indirect_vreg.gather [hbm4b:s6+s2], $0x80, v3, vm0, $0xb8;
	[tilespmem:$0x18100] =	vst v63  }
0x12e: {  	s20 =	simm.s32 $0x17900  }
0x12f: {  	[tilespmem:s20], [sflag:$0x3] =	stream.indirect_vreg.gather [hbm4b:s7+s2], $0x80, v3, vm0, $0xb8;
	[tilespmem:$0x18100] =	vst v63  }
0x130: {  	_ =	swait.ge [sflag:s0], $0x8000  }
0x131: {  	[sflag:s0] =	ssyncset.done $0x0  }
0x132: {  	s8 =	simm.s32 $0x100;
	s20 =	rddreg [dreg:$0x5];
	[sflag:s0] =	ssyncadd.s32 $0xFFFF8000  }
0x133: {  	[hbm4b:s20+s2] =	stream.linear.scatter [tilespmem:s8], [sflag:$0x4], $0x8000, $0x38;
	[tilespmem:$0x18100] =	vst v63  }
0x134: {  	_ =	swait.ge [sflag:s9], $0x8000  }
0x135: {  	[sflag:s9] =	ssyncset.done $0x0  }
0x136: {  	s8 =	rddreg [dreg:$0x6];
	[sflag:s9] =	ssyncadd.s32 $0xFFFF8000  }
0x137: {  	[hbm4b:s8+s2] =	stream.linear.scatter [tilespmem:s19], [sflag:$0x5], $0x8000, $0x38;
	[tilespmem:$0x18100] =	vst v63  }
0x138: {  	_ =	swait.ge [sflag:s11], $0x8000  }
0x139: {  	[sflag:s11] =	ssyncset.done $0x0  }
0x13a: {  	s9 =	rddreg [dreg:$0x7];
	[sflag:s11] =	ssyncadd.s32 $0xFFFF8000  }
0x13b: {  	[hbm4b:s9+s2] =	stream.linear.scatter [tilespmem:s4], [sflag:$0x6], $0x8000, $0x38;
	[tilespmem:$0x18100] =	vst v63  }
0x13c: {  	_ =	swait.ge [sflag:s1], $0x8000  }
0x13d: {  	[sflag:s1] =	ssyncset.done $0x0  }
0x13e: {  	[sflag:s1] =	ssyncadd.s32 $0xFFFF8000  }
0x13f: {  	p0 =	sne.s32 s15, $0x1;
	_ =	swait.ge [sflag:s10], $0x8000  }
.Ltmp0:
0x140: {  	[sflag:s10] =	ssyncset.done $0x0;
	(pc) =	sbr.rel @p0 .LBB2_1-.Ltmp0, $4  }
0x141: {  	[sflag:s10] =	ssyncadd.s32 $0xFFFF8000  }
0x142: {  	_ =	swait.ge [sflag:s12], $0x8000  }
0x143: {  	[sflag:s12] =	ssyncset.done $0x0  }
0x144: {  	s15 =	sadd.s32 $0xFFFFFFFF, s15;
	[sflag:s12] =	ssyncadd.s32 $0xFFFF8000  }
0x145: {  	_ =	sfence.sel $0x180000  }
0x146: {  	[bflag:$0x0] =	sbarrier.arrive $0xFFFF  }
0x147: {  	_ =	strace $0x90000050  }
0x148: {  	s0 =	stileid.u32;
	[bflag:$0x2] =	sbarrier.arrive $0xFFFF  }
0x149: {  	p0 =	sne.s32 s0, $0x0;
	s0 =	rddreg [dreg:$0x1]  }
0x14a: {  	s0 =	sadd.s32 @!p0 $0x100000, s0  }
0x14b: {  	[sflag:s0] =	ssyncadd.tile.s32 @!p0 $0x1;
	_ =	shalt  }
.Lfunc_end2:
_tile_overlayer_lowered:
.L_overlay_start_2:
0x14c: {  	(tag) =	ssettag $0x2  }
0x14d: {  	s0 =	rddreg [dreg:$0x0];
	s2 =	stileid.u32  }
0x14e: {  	s1 =	rddreg [dreg:$0x1];
	p0 =	sne.s32 s2, $0x0  }
0x14f: {  	s3 =	rddreg [dreg:$0x2];
	[bflag:$0x3] =	sbarrier.arrive $0xFFFF;
	s2 =	simm.s32 @!p0 $0x1C07  }
0x150: {  	[timem:s3], [sflag:s2] =	dma.local @!p0 [hbm:s0], s1  }
0x151: {  	s0 =	simm.s32 @!p0 $0x7  }
0x152: {  	_ =	swait.ge @!p0 [sflag:s0], s1  }
0x153: {  	s1 =	ssub.s32 @!p0 $0x0, s1;
	[sflag:s0] =	ssyncset.done @!p0 $0x0  }
0x154: {  	[sflag:s0] =	ssyncadd.s32 @!p0 s1  }
0x155: {  	[bflag:$0x3] =	sbarrier.arrive $0xFFFF  }
0x156: {  	_ =	shalt  }

// kernel: kernel.8.cloned.1.call-start
scs
__scs_entry_jumppad:
0x0: {  	(pc) =	sbr.rel $0x88, $3  }
0x1: {  	(tag) =	ssettag $0x0;
	lr =	simm.s32 $0x1  }
0x2: {  	[smem:$0x3F9B] =	sst lr;
	_ =	strace $0xD0000000  }
0x3: {  	_ = 	snop  }
0x4: {  	_ = 	snop  }
0x5: {  	_ = 	snop  }
0x6: {  	_ = 	snop  }
0x7: {  	_ = 	snop  }
__scs_overlays_trampoline_lowered:
0x8: {  	[smem:$0x3FAA] =	sst s0  }
0x9: {  	[smem:$0x3FAB] =	sst s1  }
0xa: {  	[smem:$0x3FAC] =	sst s2  }
0xb: {  	[smem:$0x3FAD] =	sst s3  }
0xc: {  	[smem:$0x3FAE] =	sst s4  }
0xd: {  	[smem:$0x3FAF] =	sst s5  }
0xe: {  	[smem:$0x3FB0] =	sst s6  }
0xf: {  	[smem:$0x3FB1] =	sst s7  }
0x10: {  	[smem:$0x3FB2] =	sst s8  }
0x11: {  	[smem:$0x3FB3] =	sst s9;
	s0 =	simm.s32 @!p0 $0x0  }
0x12: {  	s1 =	sld [smem:$0x3F99];
	s0 =	simm.s32 @p0 $0x1  }
0x13: {  	[smem:$0x3FB4] =	sst s0;
	s0 =	simm.s32 @!p1 $0x0  }
0x14: {  	s2 =	sld [smem:$0x3F98];
	s0 =	simm.s32 @p1 $0x1  }
0x15: {  	[smem:$0x3FB5] =	sst s0;
	s0 =	simm.s32 @!p2 $0x0  }
0x16: {  	s3 =	sld [smem:$0x3FDB];
	s0 =	simm.s32 @p2 $0x1  }
0x17: {  	s4 =	simm.s32 $0x1BF5;
	[smem:$0x3FB7] =	sst s0  }
0x18: {  	s0 =	sld [smem:$0x3F9A];
	_ =	swait.ge [sflag:s4], $0x0  }
0x19: {  	s7 =	sld [smem:$0x3F9B]  }
0x1a: {  	s8 =	sadd.s32 $0xFFFFE003, lr  }
0x1b: {  	s9 =	sadd.s32 $0xFFFFFEF7, lr;
	s5 =	simm.s32 $0xFFFFFFFF;
	p2 =	slt.u32 s8, $0xFFFFF086  }
0x1c: {  	p1 =	slt.u32 s9, $0xF7A;
	s5 =	simm.s32 @!p2 $0x0  }
0x1d: {  	s5 =	simm.s32 @p1 $0x1;
	p0 =	seq.s32 s7, s2  }
0x1e: {  	s7 =	smul.u32 @!p0 $0xF7A, s2;
	p2 =	seq.s32 @!p0 s5, $0x0  }
0x1f: {  	s9 =	smul.u32 $0xF7A, s1;
	s8 =	simm.s32 @!p0 $0x1BF5;
	p2 =	por !p2, p0  }
0x20: {  	[sflag:s8] =	ssyncset.s32 @!p0 $0xFFFFF086;
	s6 =	sadd.s32 @!p0 s3, s7;
	s7 =	simm.s32 @!p0 $0x108  }
0x21: {  	s3 =	sadd.s32 s3, s9;
	s6 =	sadd.s32 @!p0 $0x88, s6;
	s7 =	simm.s32 @p2 $0x1082  }
0x22: {  	[simem:s7], [sflag:s8] =	dma.local @!p0 [hbm:s6], $0xF7A  }
0x23: {  	s9 =	sor.u32 $0xD0000000, s2;
	s6 =	simm.s32 $0x108;
	_ =	swait.ge @!p0 [sflag:s8], $0x0  }
0x24: {  	s3 =	sadd.s32 $0x88, s3;
	s6 =	simm.s32 @!p1 $0x1082;
	[sflag:s4] =	ssyncset.s32 $0xFFFFF086  }
0x25: {  	[simem:s6], [sflag:s4] =	dma.local [hbm:s3], $0xF7A  }
0x26: {  	[smem:$0x3F9B] =	sst s1;
	(tag) =	ssettag s2;
	_ =	strace s9  }
0x27: {  	s1 =	sld [smem:$0x3FAB]  }
0x28: {  	s2 =	sld [smem:$0x3FAC]  }
0x29: {  	s4 =	sld [smem:$0x3FAE]  }
0x2a: {  	p0 =	seq.s32 s5, $0x0;
	s5 =	sld [smem:$0x3FAF]  }
0x2b: {  	s6 =	sld [smem:$0x3FB0]  }
0x2c: {  	s7 =	sld [smem:$0x3FB1]  }
0x2d: {  	s3 =	simm.s32 $0x108;
	s8 =	sld [smem:$0x3FB2]  }
0x2e: {  	s3 =	simm.s32 @!p0 $0x1082;
	s9 =	sld [smem:$0x3FB3]  }
0x2f: {  	lr =	sadd.s32 s0, s3;
	s0 =	sld [smem:$0x3FAA]  }
0x30: {  	s3 =	sld [smem:$0x3FAD]  }
0x31: {  	[smem:$0x3FB6] =	sst s10  }
0x32: {  	s10 =	sld [smem:$0x3FB4];
	_ =	sdelay $0x3  }
0x33: {  	p0 =	seq.s32 s10, $0x1;
	s10 =	sld [smem:$0x3FB6];
	_ =	sdelay $0x3  }
0x34: {  	[smem:$0x3FB6] =	sst s10  }
0x35: {  	s10 =	sld [smem:$0x3FB5];
	_ =	sdelay $0x3  }
0x36: {  	p1 =	seq.s32 s10, $0x1;
	s10 =	sld [smem:$0x3FB6];
	_ =	sdelay $0x3  }
0x37: {  	[smem:$0x3FB6] =	sst s10  }
0x38: {  	s10 =	sld [smem:$0x3FB7]  }
0x39: {  	_ = 	snop;
	(pc) =	sbr.ind lr, $3  }
0x3a: {  	_ = 	snop  }
0x3b: {  	_ = 	snop  }
0x3c: {  	p2 =	seq.s32 s10, $0x1;
	s10 =	sld [smem:$0x3FB6]  }
0x3d: {  	_ =	shalt  }
0x3e: {  	_ =	shalt  }
0x3f: {  	_ =	shalt  }
0x40: {  	_ =	shalt  }
0x41: {  	_ =	shalt  }
0x42: {  	_ =	shalt  }
0x43: {  	_ =	shalt  }
0x44: {  	_ =	shalt  }
0x45: {  	_ =	shalt  }
0x46: {  	_ =	shalt  }
0x47: {  	_ =	shalt  }
0x48: {  	_ =	shalt  }
0x49: {  	_ =	shalt  }
0x4a: {  	_ =	shalt  }
0x4b: {  	_ =	shalt  }
0x4c: {  	_ =	shalt  }
0x4d: {  	_ =	shalt  }
0x4e: {  	_ =	shalt  }
0x4f: {  	_ =	shalt  }
0x50: {  	_ =	shalt  }
0x51: {  	_ =	shalt  }
0x52: {  	_ =	shalt  }
0x53: {  	_ =	shalt  }
0x54: {  	_ =	shalt  }
0x55: {  	_ =	shalt  }
0x56: {  	_ =	shalt  }
0x57: {  	_ =	shalt  }
0x58: {  	_ =	shalt  }
0x59: {  	_ =	shalt  }
0x5a: {  	_ =	shalt  }
0x5b: {  	_ =	shalt  }
0x5c: {  	_ =	shalt  }
0x5d: {  	_ =	shalt  }
0x5e: {  	_ =	shalt  }
0x5f: {  	_ =	shalt  }
0x60: {  	_ =	shalt  }
0x61: {  	_ =	shalt  }
0x62: {  	_ =	shalt  }
0x63: {  	_ =	shalt  }
0x64: {  	_ =	shalt  }
0x65: {  	_ =	shalt  }
0x66: {  	_ =	shalt  }
0x67: {  	_ =	shalt  }
0x68: {  	_ =	shalt  }
0x69: {  	_ =	shalt  }
0x6a: {  	_ =	shalt  }
0x6b: {  	_ =	shalt  }
0x6c: {  	_ =	shalt  }
0x6d: {  	_ =	shalt  }
0x6e: {  	_ =	shalt  }
0x6f: {  	_ =	shalt  }
0x70: {  	_ =	shalt  }
0x71: {  	_ =	shalt  }
0x72: {  	_ =	shalt  }
0x73: {  	_ =	shalt  }
0x74: {  	_ =	shalt  }
0x75: {  	_ =	shalt  }
0x76: {  	_ =	shalt  }
0x77: {  	_ =	shalt  }
0x78: {  	_ =	shalt  }
0x79: {  	_ =	shalt  }
0x7a: {  	_ =	shalt  }
0x7b: {  	_ =	shalt  }
0x7c: {  	_ =	shalt  }
0x7d: {  	_ =	shalt  }
0x7e: {  	_ =	shalt  }
0x7f: {  	_ =	shalt  }
0x80: {  	_ =	shalt  }
0x81: {  	_ =	shalt  }
0x82: {  	_ =	shalt  }
0x83: {  	_ =	shalt  }
0x84: {  	_ =	shalt  }
0x85: {  	_ =	shalt  }
0x86: {  	_ =	shalt  }
0x87: {  	_ =	shalt  }
.Lfunc_end0:
.L_simem_size_0:
called_computation.5_lowered:
.L_overlay_start_0:
0x88: {  	s2 =	sld [smem:$0x3FD9]  }
0x89: {  	s3 =	sld [smem:$0x3FFE];
	_ =	sdelay $0x1  }
0x8a: {  	s1 =	srdreg.scid  }
0x8b: {  	s0 =	sand.u32 $0x1, s1  }
0x8c: {  	s17 =	sshll.u32 s0, $0xA;
	s2 =	sadd.s32 s3, s2  }
0x8d: {  	s2 =	sadd.s32 s2, s17  }
0x8e: {  	[smem:$0x3FC2] =	sst s2  }
0x8f: {  	_ = 	snop  }
0x90: {  	s2 =	sld [smem:$0x3FD0];
	(tm) =	ssettm $0x1  }
0x91: {  	s18 =	sld [smem:$0x3FFB];
	_ =	sdelay $0x3  }
0x92: {  	_ =	strace s18  }
0x93: {  	s3 =	sld [smem:$0x3FFC];
	_ =	sdelay $0x3  }
0x94: {  	_ =	strace s3  }
0x95: {  	s3 =	sld [smem:$0x3FFD];
	_ =	sdelay $0x3  }
0x96: {  	_ =	strace s3  }
0x97: {  	_ =	strace $0x8FFFFFFF  }
0x98: {  	s19 =	sld [smem:$0x3FDB];
	_ =	sdelay $0x1  }
0x99: {  	s4 =	simm.s32 $_scs_section_size  }
0x9a: {  	s5 =	simm.s32 $_size__tile_overlayer_lowered;
	s6 =	simm.s32 $_tile_overlayer_lowered  }
0x9b: {  	s22 =	simm.s32 $0x1BFF;
	s21 =	sshll.u32 s6, $0x1;
	s3 =	sadd.s32 s4, s19  }
0x9c: {  	s7 =	simm.s32 $0x0;
	s20 =	sshll.u32 s5, $0x1;
	s5 =	sadd.s32 s21, s3  }
0x9d: {  	[timem:s7], [sflag:s22] =	dma.local [hbm:s5], s20  }
0x9e: {  	_ =	swait.ge [sflag:s22], s20  }
0x9f: {  	s4 =	ssub.s32 $0x0, s20;
	[sflag:s22] =	ssyncset.done $0x0  }
0xa0: {  	[sflag:s22] =	ssyncadd.s32 s4;
	_ =	sdelay $0x1  }
0xa1: {  	s23 =	simm.s32 $0x1B8B  }
0xa2: {  	_ =	swait.ge [sflag:s23], $0x1  }
0xa3: {  	[sflag:s23] =	ssyncset.done $0x0  }
0xa4: {  	s25 =	simm.s32 $0x1B8E;
	s24 =	sld [smem:$0x3FFE];
	[sflag:s23] =	ssyncadd.s32 $0xFFFFFFFF  }
0xa5: {  	s26 =	simm.s32 $execute0_lowered;
	[smem:$0x3FD2] =	sst s25  }
0xa6: {  	s5 =	sshll.u32 s26, $0x1;
	_ =	strace $0x80000055;
	[dreg:$0x1] =	wrdreg $0xFFFFFFFF  }
0xa7: {  	s28 =	simm.s32 $_size_execute0_lowered;
	s3 =	sadd.s32 s3, s5;
	[dreg:$0x0] =	wrdreg $0x0  }
0xa8: {  	s5 =	sshll.u32 s28, $0x1;
	[dreg:$0x2] =	wrdreg s3  }
0xa9: {  	[dreg:$0x3] =	wrdreg s5  }
0xaa: {  	[dreg:$0x4] =	wrdreg $0xC0  }
0xab: {  	_ =	task [dreg:s7], $0x5FFFF  }
0xac: {  	[dreg:$0x1] =	wrdreg $0xFFFFFFFF  }
0xad: {  	[dreg:$0x0] =	wrdreg $0x60  }
0xae: {  	[dreg:$0x2] =	wrdreg s24  }
0xaf: {  	[dreg:$0x3] =	wrdreg s2  }
0xb0: {  	[dreg:$0x4] =	wrdreg $0x9  }
0xb1: {  	_ =	task.clear_ibuf [dreg:s7], $0x5FFFF;
	_ =	strace $0x90000055  }
0xb2: {  	s29 =	simm.s32 $0x9;
	_ =	strace $0x80000057  }
0xb3: {  	_ =	swait.ge [sflag:s29], $0x1  }
0xb4: {  	[sflag:s29] =	ssyncadd.s32 $0xFFFFFFFF  }
0xb5: {  	_ =	strace $0x90000057  }
0xb6: {  	_ =	sfence  }
0xb7: {  	s30 =	sld [smem:$0x0];
	_ =	sdelay $0x2  }
0xb8: {  	s31 =	sshll.u32 s1, $0xD;
	s1 =	sshrl.u32 s1, $0x2  }
0xb9: {  	s3 =	sand.u32 $0x4000, s31;
	s1 =	sadd.s32 s1, s30  }
0xba: {  	s0 =	sor.u32 s3, s0;
	s1 =	sshll.u32 s1, $0x11  }
0xbb: {  	s0 =	sor.u32 s1, s0  }
0xbc: {  	s0 =	sadd.s32 $0x8F2B, s0  }
0xbd: {  	[sflag:s0] =	ssyncadd.remote.s32 $0x1  }
0xbe: {  	_ =	sfence.sel $0xFFFF  }
0xbf: {  	[dreg:$0x0] =	wrdreg $0xFFFFFFFF;
	(pc) =	sbr.abs _section_cstart, $3  }
0xc0: {  	[dreg:$0x1] =	wrdreg $0xFFFFFFFF  }
0xc1: {  	_ =	task.clear_ibuf [dreg:s7], $0x2FFFF;
	_ =	strace $0x9FFFFFFF  }
0xc2: {  	(tm) =	ssettm $0x7FFFFFFF  }
0xc3: {  	_ =	shalt  }
tec
execute0_lowered:
.L_overlay_start_1:
0x0: {  	(tag) =	ssettag $0x1  }
0x1: {  	s0 =	srdreg.scid  }
0x2: {  	s2 =	stileid.u32;
	s0 =	sand.u32 $0x1, s0  }
0x3: {  	s1 =	rddreg [dreg:$0x0];
	s2 =	sshll.u32 s2, $0x8;
	s3 =	sshll.u32 s0, $0x7  }
0x4: {  	s4 =	rddreg [dreg:$0x1];
	s3 =	sor.u32 s3, s2;
	s2 =	simm.s32 $0x0  }
0x5: {  	s18 =	simm.s32 $0x8880;
	[smem:$0x7FF] =	sst s2  }
0x6: {  	s19 =	simm.s32 $0x9080;
	_ =	strace $0x80000056;
	[dreg:$0x7] =	wrdreg s18  }
0x7: {  	s20 =	simm.s32 $0x9880;
	[dreg:$0x8] =	wrdreg s19  }
0x8: {  	s21 =	simm.s32 $0xA080;
	[dreg:$0x9] =	wrdreg s20  }
0x9: {  	s22 =	simm.s32 $0xA880;
	[dreg:$0xa] =	wrdreg s21  }
0xa: {  	s23 =	simm.s32 $0xB080;
	[dreg:$0xb] =	wrdreg s22  }
0xb: {  	s24 =	simm.s32 $0xB880;
	[dreg:$0xc] =	wrdreg s23  }
0xc: {  	s25 =	simm.s32 $0xC080;
	s26 =	simm.s32 $0xC880;
	[dreg:$0xd] =	wrdreg s24  }
0xd: {  	s7 =	simm.s32 $0xD880;
	s8 =	simm.s32 $0xE080;
	[dreg:$0xe] =	wrdreg s25  }
0xe: {  	s9 =	simm.s32 $0xE880;
	s10 =	simm.s32 $0xF080;
	[dreg:$0xf] =	wrdreg s26  }
0xf: {  	s11 =	simm.s32 $0xF880;
	s12 =	simm.s32 $0x10880;
	[dreg:$0x11] =	wrdreg s7  }
0x10: {  	s13 =	simm.s32 $0x11080;
	s14 =	simm.s32 $0x11880;
	[dreg:$0x12] =	wrdreg s8  }
0x11: {  	s15 =	simm.s32 $0x12080;
	s29 =	simm.s32 $0x1;
	[dreg:$0x13] =	wrdreg s9  }
0x12: {  	s30 =	simm.s32 $0x4;
	s28 =	simm.s32 $0x7880;
	[dreg:$0x14] =	wrdreg s10  }
0x13: {  	s31 =	simm.s32 $0x10080;
	s0 =	ssub.s32 $0x2, s0;
	[dreg:$0x15] =	wrdreg s11  }
0x14: {  	s6 =	sshrl.u32 s0, $0x1;
	s5 =	sshrl.u32 s3, $0x3;
	[dreg:$0x16] =	wrdreg s12  }
0x15: {  	s3 =	sshll.u32 s3, $0x7;
	s0 =	ssub.s32 s0, s6;
	[dreg:$0x17] =	wrdreg s13  }
0x16: {  	s6 =	sadd.s32 $0x400, s1;
	s5 =	sadd.s32 s5, s1;
	[dreg:$0x18] =	wrdreg s14  }
0x17: {  	s4 =	sadd.s32 s4, s3;
	s7 =	sadd.s32 $0x500, s1;
	[dreg:$0x19] =	wrdreg s15  }
0x18: {  	s8 =	smax.u32 s0, $0x1;
	s18 =	simm.s32 $0x13880;
	[smem:$0x7F8] =	sst s4  }
0x19: {  	s10 =	simm.s32 $0x80;
	s19 =	simm.s32 $0x14080;
	[dreg:$0x1c] =	wrdreg s18  }
0x1a: {  	s20 =	simm.s32 $0x14880;
	s21 =	simm.s32 $0x15080;
	[dreg:$0x1d] =	wrdreg s19  }
0x1b: {  	s22 =	simm.s32 $0x15880;
	s23 =	simm.s32 $0x16080;
	[dreg:$0x1e] =	wrdreg s20  }
0x1c: {  	s24 =	simm.s32 $0x16880;
	s25 =	simm.s32 $0x17080;
	[dreg:$0x1f] =	wrdreg s21  }
0x1d: {  	s26 =	simm.s32 $0x17880;
	s0 =	simm.s32 $0x5;
	[smem:$0x7F9] =	sst s22  }
0x1e: {  	s13 =	simm.s32 $0x880;
	s14 =	simm.s32 $0x1080;
	[smem:$0x7FA] =	sst s23  }
0x1f: {  	s15 =	simm.s32 $0x1880;
	s5 =	sadd.s32 $0x180C00, s5;
	[smem:$0x7FB] =	sst s24  }
0x20: {  	s3 =	sadd.s32 $0x1000, s4;
	s16 =	sadd.s32 $0x2000, s4;
	[smem:$0x7FC] =	sst s25  }
0x21: {  	s17 =	sadd.s32 $0x3000, s4;
	s4 =	sadd.s32 $0x200, s1;
	[smem:$0x7FD] =	sst s26  }
0x22: {  	s18 =	simm.s32 $0x3080;
	s19 =	simm.s32 $0x3880;
	[dreg:$0x3] =	wrdreg s5  }
0x23: {  	s20 =	simm.s32 $0x4080;
	s21 =	simm.s32 $0x4880;
	[dreg:$0x4] =	wrdreg s3  }
0x24: {  	s22 =	simm.s32 $0x5080;
	s23 =	simm.s32 $0x5880;
	[dreg:$0x5] =	wrdreg s16  }
0x25: {  	s24 =	simm.s32 $0x6080;
	[dreg:$0x6] =	wrdreg s17;
	s5 =	simm.s32 $0xD080  }
0x26: {  	s25 =	simm.s32 $0x6880;
	s16 =	simm.s32 $0x12880;
	[dreg:$0x10] =	wrdreg s5  }
0x27: {  	v2 =	vlaneseq.u32;
	s26 =	simm.s32 $0x7080;
	s17 =	simm.s32 $0x13080;
	[dreg:$0x1a] =	wrdreg s16  }
0x28: {  	vm0 =	vmmov $0xffff;
	v1 =	vshrl.u32 v2, $0x3;
	s3 =	simm.s32 $0x6;
	s5 =	sadd.s32 $0x300, s1;
	[dreg:$0x1b] =	wrdreg s17  }
0x29: {  	v0 =	vand.u32 $0x7, v2;
	v2 =	vor.u32 $0x8, v2;
	v1 =	vmul.u32 $0x8, v1;
	s1 =	simm.s32 $0x3;
	s16 =	simm.s32 $0x2080;
	s17 =	simm.s32 $0x2880  }
.LBB2_1:
0x2a: {  	s11 =	rddreg [dreg:$0x3];
	s9 =	simm.s32 $0x7  }
0x2b: {  	[tilespmem:s2], [sflag:$0x7] =	stream.linear.gather [hbm4b:s11+s2], $0x80, $0x38;
	[tilespmem:$0x18080] =	vst v63  }
0x2c: {  	_ =	swait.ge [sflag:s9], $0x80  }
0x2d: {  	[sflag:s9] =	ssyncset.done $0x0  }
0x2e: {  	[sflag:s9] =	ssyncadd.s32 $0xFFFFFF80  }
0x2f: {  	v3 =	vld [tilespmem:$0x0];
	_ =	sdelay $0x4  }
0x30: {  	v4 =	vshll.u32 v3, $0x3  }
0x31: {  	v3 =	vand.u32 $0x7, v3;
	v4 =	vand.u32 $0xFFFFFFC0, v4  }
0x32: {  	v3 =	vor.u32 v3, v4  }
0x33: {  	v4 =	vperm.xlane v3, v0;
	_ =	sdelay $0x1  }
0x34: {  	v4 =	vadd.s32 v1, v4;
	_ =	sdelay $0x4  }
0x35: {  	[tilespmem:s10], [sflag:$0x1] =	stream.indirect_vreg.gather [hbm4b:s4+s2], $0x80, v4, vm0, $0xb8;
	[tilespmem:$0x18080] =	vst v63  }
0x36: {  	v3 =	vperm.xlane v3, v2  }
0x37: {  	[tilespmem:s13], [sflag:$0x1] =	stream.indirect_vreg.gather [hbm4b:s5+s2], $0x80, v4, vm0, $0xb8;
	[tilespmem:$0x18080] =	vst v63  }
0x38: {  	v3 =	vadd.s32 v1, v3  }
0x39: {  	[tilespmem:s14], [sflag:$0x1] =	stream.indirect_vreg.gather [hbm4b:s6+s2], $0x80, v4, vm0, $0xb8;
	[tilespmem:$0x18080] =	vst v63  }
0x3a: {  	_ = 	snop  }
0x3b: {  	[tilespmem:s15], [sflag:$0x1] =	stream.indirect_vreg.gather [hbm4b:s7+s2], $0x80, v4, vm0, $0xb8;
	[tilespmem:$0x18080] =	vst v63  }
0x3c: {  	_ = 	snop  }
0x3d: {  	[tilespmem:s16], [sflag:$0x1] =	stream.indirect_vreg.gather [hbm4b:s4+s2], $0x80, v3, vm0, $0xb8;
	[tilespmem:$0x18080] =	vst v63  }
0x3e: {  	_ = 	snop  }
0x3f: {  	[tilespmem:s17], [sflag:$0x1] =	stream.indirect_vreg.gather [hbm4b:s5+s2], $0x80, v3, vm0, $0xb8;
	[tilespmem:$0x18080] =	vst v63  }
0x40: {  	_ = 	snop  }
0x41: {  	[tilespmem:s18], [sflag:$0x1] =	stream.indirect_vreg.gather [hbm4b:s6+s2], $0x80, v3, vm0, $0xb8;
	[tilespmem:$0x18080] =	vst v63  }
0x42: {  	_ = 	snop  }
0x43: {  	[tilespmem:s19], [sflag:$0x1] =	stream.indirect_vreg.gather [hbm4b:s7+s2], $0x80, v3, vm0, $0xb8;
	[tilespmem:$0x18080] =	vst v63  }
0x44: {  	v3 =	vld [tilespmem:$0x10];
	_ =	sdelay $0x4  }
0x45: {  	v57 =	vshll.u32 v3, $0x3  }
0x46: {  	v3 =	vand.u32 $0x7, v3;
	v4 =	vand.u32 $0xFFFFFFC0, v57  }
0x47: {  	v3 =	vor.u32 v3, v4  }
0x48: {  	v4 =	vperm.xlane v3, v0;
	_ =	sdelay $0x1  }
0x49: {  	v4 =	vadd.s32 v1, v4;
	_ =	sdelay $0x4  }
0x4a: {  	[tilespmem:s20], [sflag:$0x1] =	stream.indirect_vreg.gather [hbm4b:s4+s2], $0x80, v4, vm0, $0xb8;
	[tilespmem:$0x18080] =	vst v63  }
0x4b: {  	v3 =	vperm.xlane v3, v2  }
0x4c: {  	[tilespmem:s21], [sflag:$0x1] =	stream.indirect_vreg.gather [hbm4b:s5+s2], $0x80, v4, vm0, $0xb8;
	[tilespmem:$0x18080] =	vst v63  }
0x4d: {  	v3 =	vadd.s32 v1, v3  }
0x4e: {  	[tilespmem:s22], [sflag:$0x1] =	stream.indirect_vreg.gather [hbm4b:s6+s2], $0x80, v4, vm0, $0xb8;
	[tilespmem:$0x18080] =	vst v63  }
0x4f: {  	_ = 	snop  }
0x50: {  	[tilespmem:s23], [sflag:$0x1] =	stream.indirect_vreg.gather [hbm4b:s7+s2], $0x80, v4, vm0, $0xb8;
	[tilespmem:$0x18080] =	vst v63  }
0x51: {  	_ = 	snop  }
0x52: {  	[tilespmem:s24], [sflag:$0x1] =	stream.indirect_vreg.gather [hbm4b:s4+s2], $0x80, v3, vm0, $0xb8;
	[tilespmem:$0x18080] =	vst v63  }
0x53: {  	_ = 	snop  }
0x54: {  	[tilespmem:s25], [sflag:$0x1] =	stream.indirect_vreg.gather [hbm4b:s5+s2], $0x80, v3, vm0, $0xb8;
	[tilespmem:$0x18080] =	vst v63  }
0x55: {  	_ = 	snop  }
0x56: {  	[tilespmem:s26], [sflag:$0x1] =	stream.indirect_vreg.gather [hbm4b:s6+s2], $0x80, v3, vm0, $0xb8;
	[tilespmem:$0x18080] =	vst v63  }
0x57: {  	_ = 	snop  }
0x58: {  	[tilespmem:s28], [sflag:$0x1] =	stream.indirect_vreg.gather [hbm4b:s7+s2], $0x80, v3, vm0, $0xb8;
	[tilespmem:$0x18080] =	vst v63  }
0x59: {  	v3 =	vld [tilespmem:$0x20];
	_ =	sdelay $0x4  }
0x5a: {  	v58 =	vshll.u32 v3, $0x3  }
0x5b: {  	v3 =	vand.u32 $0x7, v3;
	v4 =	vand.u32 $0xFFFFFFC0, v58  }
0x5c: {  	v3 =	vor.u32 v3, v4  }
0x5d: {  	v4 =	vperm.xlane v3, v0;
	_ =	sdelay $0x1  }
0x5e: {  	v4 =	vadd.s32 v1, v4;
	_ =	sdelay $0x3  }
0x5f: {  	s9 =	simm.s32 $0x8080  }
0x60: {  	[tilespmem:s9], [sflag:$0x2] =	stream.indirect_vreg.gather [hbm4b:s4+s2], $0x80, v4, vm0, $0xb8;
	[tilespmem:$0x18080] =	vst v63  }
0x61: {  	s11 =	rddreg [dreg:$0x7];
	v3 =	vperm.xlane v3, v2  }
0x62: {  	[tilespmem:s11], [sflag:$0x2] =	stream.indirect_vreg.gather [hbm4b:s5+s2], $0x80, v4, vm0, $0xb8;
	[tilespmem:$0x18080] =	vst v63  }
0x63: {  	s12 =	rddreg [dreg:$0x8];
	v3 =	vadd.s32 v1, v3  }
0x64: {  	[tilespmem:s12], [sflag:$0x2] =	stream.indirect_vreg.gather [hbm4b:s6+s2], $0x80, v4, vm0, $0xb8;
	[tilespmem:$0x18080] =	vst v63  }
0x65: {  	s11 =	rddreg [dreg:$0x9]  }
0x66: {  	[tilespmem:s11], [sflag:$0x2] =	stream.indirect_vreg.gather [hbm4b:s7+s2], $0x80, v4, vm0, $0xb8;
	[tilespmem:$0x18080] =	vst v63  }
0x67: {  	s12 =	rddreg [dreg:$0xa]  }
0x68: {  	[tilespmem:s12], [sflag:$0x2] =	stream.indirect_vreg.gather [hbm4b:s4+s2], $0x80, v3, vm0, $0xb8;
	[tilespmem:$0x18080] =	vst v63  }
0x69: {  	s11 =	rddreg [dreg:$0xb]  }
0x6a: {  	[tilespmem:s11], [sflag:$0x2] =	stream.indirect_vreg.gather [hbm4b:s5+s2], $0x80, v3, vm0, $0xb8;
	[tilespmem:$0x18080] =	vst v63  }
0x6b: {  	s12 =	rddreg [dreg:$0xc]  }
0x6c: {  	[tilespmem:s12], [sflag:$0x2] =	stream.indirect_vreg.gather [hbm4b:s6+s2], $0x80, v3, vm0, $0xb8;
	[tilespmem:$0x18080] =	vst v63  }
0x6d: {  	s11 =	rddreg [dreg:$0xd]  }
0x6e: {  	[tilespmem:s11], [sflag:$0x2] =	stream.indirect_vreg.gather [hbm4b:s7+s2], $0x80, v3, vm0, $0xb8;
	[tilespmem:$0x18080] =	vst v63  }
0x6f: {  	v3 =	vld [tilespmem:$0x30];
	_ =	sdelay $0x4  }
0x70: {  	v59 =	vshll.u32 v3, $0x3  }
0x71: {  	v3 =	vand.u32 $0x7, v3;
	v4 =	vand.u32 $0xFFFFFFC0, v59  }
0x72: {  	v3 =	vor.u32 v3, v4  }
0x73: {  	v4 =	vperm.xlane v3, v0;
	_ =	sdelay $0x1  }
0x74: {  	v4 =	vadd.s32 v1, v4;
	_ =	sdelay $0x3  }
0x75: {  	s11 =	rddreg [dreg:$0xe]  }
0x76: {  	[tilespmem:s11], [sflag:$0x2] =	stream.indirect_vreg.gather [hbm4b:s4+s2], $0x80, v4, vm0, $0xb8;
	[tilespmem:$0x18080] =	vst v63  }
0x77: {  	s12 =	rddreg [dreg:$0xf];
	v3 =	vperm.xlane v3, v2  }
0x78: {  	[tilespmem:s12], [sflag:$0x2] =	stream.indirect_vreg.gather [hbm4b:s5+s2], $0x80, v4, vm0, $0xb8;
	[tilespmem:$0x18080] =	vst v63  }
0x79: {  	v3 =	vadd.s32 v1, v3;
	s11 =	rddreg [dreg:$0x10]  }
0x7a: {  	[tilespmem:s11], [sflag:$0x2] =	stream.indirect_vreg.gather [hbm4b:s6+s2], $0x80, v4, vm0, $0xb8;
	[tilespmem:$0x18080] =	vst v63  }
0x7b: {  	s12 =	rddreg [dreg:$0x11]  }
0x7c: {  	[tilespmem:s12], [sflag:$0x2] =	stream.indirect_vreg.gather [hbm4b:s7+s2], $0x80, v4, vm0, $0xb8;
	[tilespmem:$0x18080] =	vst v63  }
0x7d: {  	s11 =	rddreg [dreg:$0x12]  }
0x7e: {  	[tilespmem:s11], [sflag:$0x2] =	stream.indirect_vreg.gather [hbm4b:s4+s2], $0x80, v3, vm0, $0xb8;
	[tilespmem:$0x18080] =	vst v63  }
0x7f: {  	s12 =	rddreg [dreg:$0x13]  }
0x80: {  	[tilespmem:s12], [sflag:$0x2] =	stream.indirect_vreg.gather [hbm4b:s5+s2], $0x80, v3, vm0, $0xb8;
	[tilespmem:$0x18080] =	vst v63  }
0x81: {  	s11 =	rddreg [dreg:$0x14]  }
0x82: {  	[tilespmem:s11], [sflag:$0x2] =	stream.indirect_vreg.gather [hbm4b:s6+s2], $0x80, v3, vm0, $0xb8;
	[tilespmem:$0x18080] =	vst v63  }
0x83: {  	s12 =	rddreg [dreg:$0x15]  }
0x84: {  	[tilespmem:s12], [sflag:$0x2] =	stream.indirect_vreg.gather [hbm4b:s7+s2], $0x80, v3, vm0, $0xb8;
	[tilespmem:$0x18080] =	vst v63  }
0x85: {  	v3 =	vld [tilespmem:$0x40];
	_ =	sdelay $0x4  }
0x86: {  	v60 =	vshll.u32 v3, $0x3  }
0x87: {  	v3 =	vand.u32 $0x7, v3;
	v4 =	vand.u32 $0xFFFFFFC0, v60  }
0x88: {  	v3 =	vor.u32 v3, v4  }
0x89: {  	v4 =	vperm.xlane v3, v0;
	_ =	sdelay $0x1  }
0x8a: {  	v4 =	vadd.s32 v1, v4;
	_ =	sdelay $0x4  }
0x8b: {  	[tilespmem:s31], [sflag:$0x3] =	stream.indirect_vreg.gather [hbm4b:s4+s2], $0x80, v4, vm0, $0xb8;
	[tilespmem:$0x18080] =	vst v63  }
0x8c: {  	s11 =	rddreg [dreg:$0x16];
	v3 =	vperm.xlane v3, v2  }
0x8d: {  	[tilespmem:s11], [sflag:$0x3] =	stream.indirect_vreg.gather [hbm4b:s5+s2], $0x80, v4, vm0, $0xb8;
	[tilespmem:$0x18080] =	vst v63  }
0x8e: {  	s12 =	rddreg [dreg:$0x17];
	v3 =	vadd.s32 v1, v3  }
0x8f: {  	[tilespmem:s12], [sflag:$0x3] =	stream.indirect_vreg.gather [hbm4b:s6+s2], $0x80, v4, vm0, $0xb8;
	[tilespmem:$0x18080] =	vst v63  }
0x90: {  	s11 =	rddreg [dreg:$0x18]  }
0x91: {  	[tilespmem:s11], [sflag:$0x3] =	stream.indirect_vreg.gather [hbm4b:s7+s2], $0x80, v4, vm0, $0xb8;
	[tilespmem:$0x18080] =	vst v63  }
0x92: {  	s12 =	rddreg [dreg:$0x19]  }
0x93: {  	[tilespmem:s12], [sflag:$0x3] =	stream.indirect_vreg.gather [hbm4b:s4+s2], $0x80, v3, vm0, $0xb8;
	[tilespmem:$0x18080] =	vst v63  }
0x94: {  	s11 =	rddreg [dreg:$0x1a]  }
0x95: {  	[tilespmem:s11], [sflag:$0x3] =	stream.indirect_vreg.gather [hbm4b:s5+s2], $0x80, v3, vm0, $0xb8;
	[tilespmem:$0x18080] =	vst v63  }
0x96: {  	s12 =	rddreg [dreg:$0x1b]  }
0x97: {  	[tilespmem:s12], [sflag:$0x3] =	stream.indirect_vreg.gather [hbm4b:s6+s2], $0x80, v3, vm0, $0xb8;
	[tilespmem:$0x18080] =	vst v63  }
0x98: {  	s11 =	rddreg [dreg:$0x1c]  }
0x99: {  	[tilespmem:s11], [sflag:$0x3] =	stream.indirect_vreg.gather [hbm4b:s7+s2], $0x80, v3, vm0, $0xb8;
	[tilespmem:$0x18080] =	vst v63  }
0x9a: {  	v3 =	vld [tilespmem:$0x50];
	_ =	sdelay $0x4  }
0x9b: {  	v61 =	vshll.u32 v3, $0x3  }
0x9c: {  	v3 =	vand.u32 $0x7, v3;
	v4 =	vand.u32 $0xFFFFFFC0, v61  }
0x9d: {  	v3 =	vor.u32 v3, v4  }
0x9e: {  	v4 =	vperm.xlane v3, v0;
	_ =	sdelay $0x1  }
0x9f: {  	v4 =	vadd.s32 v1, v4;
	_ =	sdelay $0x2  }
0xa0: {  	s12 =	rddreg [dreg:$0x1e]  }
0xa1: {  	s11 =	rddreg [dreg:$0x1d]  }
0xa2: {  	[tilespmem:s11], [sflag:$0x3] =	stream.indirect_vreg.gather [hbm4b:s4+s2], $0x80, v4, vm0, $0xb8;
	[tilespmem:$0x18080] =	vst v63  }
0xa3: {  	v3 =	vperm.xlane v3, v2;
	s11 =	rddreg [dreg:$0x1f]  }
0xa4: {  	[tilespmem:s12], [sflag:$0x3] =	stream.indirect_vreg.gather [hbm4b:s5+s2], $0x80, v4, vm0, $0xb8;
	[tilespmem:$0x18080] =	vst v63  }
0xa5: {  	v3 =	vadd.s32 v1, v3;
	s12 =	sld [smem:$0x7F9]  }
0xa6: {  	[tilespmem:s11], [sflag:$0x3] =	stream.indirect_vreg.gather [hbm4b:s6+s2], $0x80, v4, vm0, $0xb8;
	[tilespmem:$0x18080] =	vst v63  }
0xa7: {  	s11 =	sld [smem:$0x7FA]  }
0xa8: {  	[tilespmem:s12], [sflag:$0x3] =	stream.indirect_vreg.gather [hbm4b:s7+s2], $0x80, v4, vm0, $0xb8;
	[tilespmem:$0x18080] =	vst v63  }
0xa9: {  	s12 =	sld [smem:$0x7FB]  }
0xaa: {  	[tilespmem:s11], [sflag:$0x3] =	stream.indirect_vreg.gather [hbm4b:s4+s2], $0x80, v3, vm0, $0xb8;
	[tilespmem:$0x18080] =	vst v63  }
0xab: {  	s11 =	sld [smem:$0x7FC]  }
0xac: {  	[tilespmem:s12], [sflag:$0x3] =	stream.indirect_vreg.gather [hbm4b:s5+s2], $0x80, v3, vm0, $0xb8;
	[tilespmem:$0x18080] =	vst v63  }
0xad: {  	s12 =	sld [smem:$0x7FD]  }
0xae: {  	[tilespmem:s11], [sflag:$0x3] =	stream.indirect_vreg.gather [hbm4b:s6+s2], $0x80, v3, vm0, $0xb8;
	[tilespmem:$0x18080] =	vst v63  }
0xaf: {  	_ = 	snop  }
0xb0: {  	[tilespmem:s12], [sflag:$0x3] =	stream.indirect_vreg.gather [hbm4b:s7+s2], $0x80, v3, vm0, $0xb8;
	[tilespmem:$0x18080] =	vst v63  }
0xb1: {  	_ =	swait.ge [sflag:s29], $0x8000  }
0xb2: {  	s12 =	sld [smem:$0x7F8]  }
0xb3: {  	[sflag:s29] =	ssyncset.done $0x0  }
0xb4: {  	[sflag:s29] =	ssyncadd.s32 $0xFFFF8000  }
0xb5: {  	[hbm4b:s12+s2] =	stream.linear.scatter [tilespmem:s10], [sflag:$0x4], $0x8000, $0x38;
	[tilespmem:$0x18080] =	vst v63  }
0xb6: {  	_ =	swait.ge [sflag:s30], $0x8000  }
0xb7: {  	[sflag:s30] =	ssyncset.done $0x0  }
0xb8: {  	[sflag:s30] =	ssyncadd.s32 $0xFFFF8000  }
0xb9: {  	v3 =	vld [tilespmem:$0x60];
	_ =	sdelay $0x4  }
0xba: {  	v62 =	vshll.u32 v3, $0x3  }
0xbb: {  	v3 =	vand.u32 $0x7, v3;
	v4 =	vand.u32 $0xFFFFFFC0, v62  }
0xbc: {  	v3 =	vor.u32 v3, v4  }
0xbd: {  	v4 =	vperm.xlane v3, v0;
	_ =	sdelay $0x1  }
0xbe: {  	v4 =	vadd.s32 v1, v4;
	_ =	sdelay $0x4  }
0xbf: {  	[tilespmem:s10], [sflag:$0x1] =	stream.indirect_vreg.gather [hbm4b:s4+s2], $0x80, v4, vm0, $0xb8;
	[tilespmem:$0x18080] =	vst v63  }
0xc0: {  	v3 =	vperm.xlane v3, v2  }
0xc1: {  	[tilespmem:s13], [sflag:$0x1] =	stream.indirect_vreg.gather [hbm4b:s5+s2], $0x80, v4, vm0, $0xb8;
	[tilespmem:$0x18080] =	vst v63  }
0xc2: {  	v3 =	vadd.s32 v1, v3  }
0xc3: {  	[tilespmem:s14], [sflag:$0x1] =	stream.indirect_vreg.gather [hbm4b:s6+s2], $0x80, v4, vm0, $0xb8;
	[tilespmem:$0x18080] =	vst v63  }
0xc4: {  	_ = 	snop  }
0xc5: {  	[tilespmem:s15], [sflag:$0x1] =	stream.indirect_vreg.gather [hbm4b:s7+s2], $0x80, v4, vm0, $0xb8;
	[tilespmem:$0x18080] =	vst v63  }
0xc6: {  	_ = 	snop  }
0xc7: {  	[tilespmem:s16], [sflag:$0x1] =	stream.indirect_vreg.gather [hbm4b:s4+s2], $0x80, v3, vm0, $0xb8;
	[tilespmem:$0x18080] =	vst v63  }
0xc8: {  	_ = 	snop  }
0xc9: {  	[tilespmem:s17], [sflag:$0x1] =	stream.indirect_vreg.gather [hbm4b:s5+s2], $0x80, v3, vm0, $0xb8;
	[tilespmem:$0x18080] =	vst v63  }
0xca: {  	_ = 	snop  }
0xcb: {  	[tilespmem:s18], [sflag:$0x1] =	stream.indirect_vreg.gather [hbm4b:s6+s2], $0x80, v3, vm0, $0xb8;
	[tilespmem:$0x18080] =	vst v63  }
0xcc: {  	_ = 	snop  }
0xcd: {  	[tilespmem:s19], [sflag:$0x1] =	stream.indirect_vreg.gather [hbm4b:s7+s2], $0x80, v3, vm0, $0xb8;
	[tilespmem:$0x18080] =	vst v63  }
0xce: {  	v3 =	vld [tilespmem:$0x70];
	_ =	sdelay $0x4  }
0xcf: {  	v63 =	vshll.u32 v3, $0x3  }
0xd0: {  	v3 =	vand.u32 $0x7, v3;
	v4 =	vand.u32 $0xFFFFFFC0, v63  }
0xd1: {  	v3 =	vor.u32 v3, v4  }
0xd2: {  	v4 =	vperm.xlane v3, v0;
	_ =	sdelay $0x1  }
0xd3: {  	v4 =	vadd.s32 v1, v4;
	_ =	sdelay $0x4  }
0xd4: {  	[tilespmem:s20], [sflag:$0x1] =	stream.indirect_vreg.gather [hbm4b:s4+s2], $0x80, v4, vm0, $0xb8;
	[tilespmem:$0x18080] =	vst v63  }
0xd5: {  	v3 =	vperm.xlane v3, v2  }
0xd6: {  	[tilespmem:s21], [sflag:$0x1] =	stream.indirect_vreg.gather [hbm4b:s5+s2], $0x80, v4, vm0, $0xb8;
	[tilespmem:$0x18080] =	vst v63  }
0xd7: {  	v3 =	vadd.s32 v1, v3  }
0xd8: {  	[tilespmem:s22], [sflag:$0x1] =	stream.indirect_vreg.gather [hbm4b:s6+s2], $0x80, v4, vm0, $0xb8;
	[tilespmem:$0x18080] =	vst v63  }
0xd9: {  	_ = 	snop  }
0xda: {  	[tilespmem:s23], [sflag:$0x1] =	stream.indirect_vreg.gather [hbm4b:s7+s2], $0x80, v4, vm0, $0xb8;
	[tilespmem:$0x18080] =	vst v63  }
0xdb: {  	_ = 	snop  }
0xdc: {  	[tilespmem:s24], [sflag:$0x1] =	stream.indirect_vreg.gather [hbm4b:s4+s2], $0x80, v3, vm0, $0xb8;
	[tilespmem:$0x18080] =	vst v63  }
0xdd: {  	_ = 	snop  }
0xde: {  	[tilespmem:s25], [sflag:$0x1] =	stream.indirect_vreg.gather [hbm4b:s5+s2], $0x80, v3, vm0, $0xb8;
	[tilespmem:$0x18080] =	vst v63  }
0xdf: {  	_ = 	snop  }
0xe0: {  	[tilespmem:s26], [sflag:$0x1] =	stream.indirect_vreg.gather [hbm4b:s6+s2], $0x80, v3, vm0, $0xb8;
	[tilespmem:$0x18080] =	vst v63  }
0xe1: {  	s12 =	simm.s32 $0x2  }
0xe2: {  	[tilespmem:s28], [sflag:$0x1] =	stream.indirect_vreg.gather [hbm4b:s7+s2], $0x80, v3, vm0, $0xb8;
	[tilespmem:$0x18080] =	vst v63  }
0xe3: {  	_ =	swait.ge [sflag:s12], $0x8000  }
0xe4: {  	[sflag:s12] =	ssyncset.done $0x0  }
0xe5: {  	s11 =	rddreg [dreg:$0x4];
	[sflag:s12] =	ssyncadd.s32 $0xFFFF8000  }
0xe6: {  	[hbm4b:s11+s2] =	stream.linear.scatter [tilespmem:s9], [sflag:$0x5], $0x8000, $0x38;
	[tilespmem:$0x18080] =	vst v63  }
0xe7: {  	_ =	swait.ge [sflag:s1], $0x8000  }
0xe8: {  	[sflag:s1] =	ssyncset.done $0x0  }
0xe9: {  	s9 =	rddreg [dreg:$0x5];
	[sflag:s1] =	ssyncadd.s32 $0xFFFF8000  }
0xea: {  	[hbm4b:s9+s2] =	stream.linear.scatter [tilespmem:s31], [sflag:$0x6], $0x8000, $0x38;
	[tilespmem:$0x18080] =	vst v63  }
0xeb: {  	_ =	swait.ge [sflag:s29], $0x8000  }
0xec: {  	[sflag:s29] =	ssyncset.done $0x0  }
0xed: {  	s12 =	rddreg [dreg:$0x6];
	[sflag:s29] =	ssyncadd.s32 $0xFFFF8000  }
0xee: {  	[hbm4b:s12+s2] =	stream.linear.scatter [tilespmem:s10], [sflag:$0x4], $0x8000, $0x38;
	[tilespmem:$0x18080] =	vst v63  }
0xef: {  	_ =	swait.ge [sflag:s0], $0x8000  }
0xf0: {  	[sflag:s0] =	ssyncset.done $0x0  }
0xf1: {  	[sflag:s0] =	ssyncadd.s32 $0xFFFF8000  }
0xf2: {  	p0 =	sne.s32 s8, $0x1;
	_ =	swait.ge [sflag:s3], $0x8000  }
.Ltmp0:
0xf3: {  	[sflag:s3] =	ssyncset.done $0x0;
	(pc) =	sbr.rel @p0 .LBB2_1-.Ltmp0, $4  }
0xf4: {  	[sflag:s3] =	ssyncadd.s32 $0xFFFF8000  }
0xf5: {  	_ =	swait.ge [sflag:s30], $0x8000  }
0xf6: {  	[sflag:s30] =	ssyncset.done $0x0  }
0xf7: {  	s8 =	sadd.s32 $0xFFFFFFFF, s8;
	[sflag:s30] =	ssyncadd.s32 $0xFFFF8000  }
0xf8: {  	_ =	sfence.sel $0x180000  }
0xf9: {  	[bflag:$0x0] =	sbarrier.arrive $0xFFFF  }
0xfa: {  	_ =	strace $0x90000056  }
0xfb: {  	s0 =	stileid.u32;
	[bflag:$0x2] =	sbarrier.arrive $0xFFFF  }
0xfc: {  	p0 =	sne.s32 s0, $0x0;
	s0 =	rddreg [dreg:$0x2]  }
0xfd: {  	s0 =	sadd.s32 @!p0 $0x100000, s0  }
0xfe: {  	[sflag:s0] =	ssyncadd.tile.s32 @!p0 $0x1;
	_ =	shalt  }
.Lfunc_end2:
_tile_overlayer_lowered:
.L_overlay_start_2:
0xff: {  	(tag) =	ssettag $0x2  }
0x100: {  	s0 =	rddreg [dreg:$0x0];
	s2 =	stileid.u32  }
0x101: {  	s1 =	rddreg [dreg:$0x1];
	p0 =	sne.s32 s2, $0x0  }
0x102: {  	s3 =	rddreg [dreg:$0x2];
	[bflag:$0x3] =	sbarrier.arrive $0xFFFF;
	s2 =	simm.s32 @!p0 $0x1C07  }
0x103: {  	[timem:s3], [sflag:s2] =	dma.local @!p0 [hbm:s0], s1  }
0x104: {  	s0 =	simm.s32 @!p0 $0x7  }
0x105: {  	_ =	swait.ge @!p0 [sflag:s0], s1  }
0x106: {  	s1 =	ssub.s32 @!p0 $0x0, s1;
	[sflag:s0] =	ssyncset.done @!p0 $0x0  }
0x107: {  	[sflag:s0] =	ssyncadd.s32 @!p0 s1  }
0x108: {  	[bflag:$0x3] =	sbarrier.arrive $0xFFFF  }
0x109: {  	_ =	shalt  }

// kernel: scatter_offload_async_start
scs
__scs_entry_jumppad:
0x0: {  	(pc) =	sbr.rel $0x88, $3  }
0x1: {  	(tag) =	ssettag $0x0;
	lr =	simm.s32 $0x1  }
0x2: {  	[smem:$0x3F9B] =	sst lr;
	_ =	strace $0xD0000000  }
0x3: {  	_ = 	snop  }
0x4: {  	_ = 	snop  }
0x5: {  	_ = 	snop  }
0x6: {  	_ = 	snop  }
0x7: {  	_ = 	snop  }
__scs_overlays_trampoline_lowered:
0x8: {  	[smem:$0x3FAA] =	sst s0  }
0x9: {  	[smem:$0x3FAB] =	sst s1  }
0xa: {  	[smem:$0x3FAC] =	sst s2  }
0xb: {  	[smem:$0x3FAD] =	sst s3  }
0xc: {  	[smem:$0x3FAE] =	sst s4  }
0xd: {  	[smem:$0x3FAF] =	sst s5  }
0xe: {  	[smem:$0x3FB0] =	sst s6  }
0xf: {  	[smem:$0x3FB1] =	sst s7  }
0x10: {  	[smem:$0x3FB2] =	sst s8  }
0x11: {  	[smem:$0x3FB3] =	sst s9;
	s0 =	simm.s32 @!p0 $0x0  }
0x12: {  	s1 =	sld [smem:$0x3F99];
	s0 =	simm.s32 @p0 $0x1  }
0x13: {  	[smem:$0x3FB4] =	sst s0;
	s0 =	simm.s32 @!p1 $0x0  }
0x14: {  	s2 =	sld [smem:$0x3F98];
	s0 =	simm.s32 @p1 $0x1  }
0x15: {  	[smem:$0x3FB5] =	sst s0;
	s0 =	simm.s32 @!p2 $0x0  }
0x16: {  	s3 =	sld [smem:$0x3FDB];
	s0 =	simm.s32 @p2 $0x1  }
0x17: {  	s4 =	simm.s32 $0x1BF5;
	[smem:$0x3FB7] =	sst s0  }
0x18: {  	s0 =	sld [smem:$0x3F9A];
	_ =	swait.ge [sflag:s4], $0x0  }
0x19: {  	s7 =	sld [smem:$0x3F9B]  }
0x1a: {  	s8 =	sadd.s32 $0xFFFFE003, lr  }
0x1b: {  	s9 =	sadd.s32 $0xFFFFFEF7, lr;
	s5 =	simm.s32 $0xFFFFFFFF;
	p2 =	slt.u32 s8, $0xFFFFF086  }
0x1c: {  	p1 =	slt.u32 s9, $0xF7A;
	s5 =	simm.s32 @!p2 $0x0  }
0x1d: {  	s5 =	simm.s32 @p1 $0x1;
	p0 =	seq.s32 s7, s2  }
0x1e: {  	s7 =	smul.u32 @!p0 $0xF7A, s2;
	p2 =	seq.s32 @!p0 s5, $0x0  }
0x1f: {  	s9 =	smul.u32 $0xF7A, s1;
	s8 =	simm.s32 @!p0 $0x1BF5;
	p2 =	por !p2, p0  }
0x20: {  	[sflag:s8] =	ssyncset.s32 @!p0 $0xFFFFF086;
	s6 =	sadd.s32 @!p0 s3, s7;
	s7 =	simm.s32 @!p0 $0x108  }
0x21: {  	s3 =	sadd.s32 s3, s9;
	s6 =	sadd.s32 @!p0 $0x88, s6;
	s7 =	simm.s32 @p2 $0x1082  }
0x22: {  	[simem:s7], [sflag:s8] =	dma.local @!p0 [hbm:s6], $0xF7A  }
0x23: {  	s9 =	sor.u32 $0xD0000000, s2;
	s6 =	simm.s32 $0x108;
	_ =	swait.ge @!p0 [sflag:s8], $0x0  }
0x24: {  	s3 =	sadd.s32 $0x88, s3;
	s6 =	simm.s32 @!p1 $0x1082;
	[sflag:s4] =	ssyncset.s32 $0xFFFFF086  }
0x25: {  	[simem:s6], [sflag:s4] =	dma.local [hbm:s3], $0xF7A  }
0x26: {  	[smem:$0x3F9B] =	sst s1;
	(tag) =	ssettag s2;
	_ =	strace s9  }
0x27: {  	s1 =	sld [smem:$0x3FAB]  }
0x28: {  	s2 =	sld [smem:$0x3FAC]  }
0x29: {  	s4 =	sld [smem:$0x3FAE]  }
0x2a: {  	p0 =	seq.s32 s5, $0x0;
	s5 =	sld [smem:$0x3FAF]  }
0x2b: {  	s6 =	sld [smem:$0x3FB0]  }
0x2c: {  	s7 =	sld [smem:$0x3FB1]  }
0x2d: {  	s3 =	simm.s32 $0x108;
	s8 =	sld [smem:$0x3FB2]  }
0x2e: {  	s3 =	simm.s32 @!p0 $0x1082;
	s9 =	sld [smem:$0x3FB3]  }
0x2f: {  	lr =	sadd.s32 s0, s3;
	s0 =	sld [smem:$0x3FAA]  }
0x30: {  	s3 =	sld [smem:$0x3FAD]  }
0x31: {  	[smem:$0x3FB6] =	sst s10  }
0x32: {  	s10 =	sld [smem:$0x3FB4];
	_ =	sdelay $0x3  }
0x33: {  	p0 =	seq.s32 s10, $0x1;
	s10 =	sld [smem:$0x3FB6];
	_ =	sdelay $0x3  }
0x34: {  	[smem:$0x3FB6] =	sst s10  }
0x35: {  	s10 =	sld [smem:$0x3FB5];
	_ =	sdelay $0x3  }
0x36: {  	p1 =	seq.s32 s10, $0x1;
	s10 =	sld [smem:$0x3FB6];
	_ =	sdelay $0x3  }
0x37: {  	[smem:$0x3FB6] =	sst s10  }
0x38: {  	s10 =	sld [smem:$0x3FB7]  }
0x39: {  	_ = 	snop;
	(pc) =	sbr.ind lr, $3  }
0x3a: {  	_ = 	snop  }
0x3b: {  	_ = 	snop  }
0x3c: {  	p2 =	seq.s32 s10, $0x1;
	s10 =	sld [smem:$0x3FB6]  }
0x3d: {  	_ =	shalt  }
0x3e: {  	_ =	shalt  }
0x3f: {  	_ =	shalt  }
0x40: {  	_ =	shalt  }
0x41: {  	_ =	shalt  }
0x42: {  	_ =	shalt  }
0x43: {  	_ =	shalt  }
0x44: {  	_ =	shalt  }
0x45: {  	_ =	shalt  }
0x46: {  	_ =	shalt  }
0x47: {  	_ =	shalt  }
0x48: {  	_ =	shalt  }
0x49: {  	_ =	shalt  }
0x4a: {  	_ =	shalt  }
0x4b: {  	_ =	shalt  }
0x4c: {  	_ =	shalt  }
0x4d: {  	_ =	shalt  }
0x4e: {  	_ =	shalt  }
0x4f: {  	_ =	shalt  }
0x50: {  	_ =	shalt  }
0x51: {  	_ =	shalt  }
0x52: {  	_ =	shalt  }
0x53: {  	_ =	shalt  }
0x54: {  	_ =	shalt  }
0x55: {  	_ =	shalt  }
0x56: {  	_ =	shalt  }
0x57: {  	_ =	shalt  }
0x58: {  	_ =	shalt  }
0x59: {  	_ =	shalt  }
0x5a: {  	_ =	shalt  }
0x5b: {  	_ =	shalt  }
0x5c: {  	_ =	shalt  }
0x5d: {  	_ =	shalt  }
0x5e: {  	_ =	shalt  }
0x5f: {  	_ =	shalt  }
0x60: {  	_ =	shalt  }
0x61: {  	_ =	shalt  }
0x62: {  	_ =	shalt  }
0x63: {  	_ =	shalt  }
0x64: {  	_ =	shalt  }
0x65: {  	_ =	shalt  }
0x66: {  	_ =	shalt  }
0x67: {  	_ =	shalt  }
0x68: {  	_ =	shalt  }
0x69: {  	_ =	shalt  }
0x6a: {  	_ =	shalt  }
0x6b: {  	_ =	shalt  }
0x6c: {  	_ =	shalt  }
0x6d: {  	_ =	shalt  }
0x6e: {  	_ =	shalt  }
0x6f: {  	_ =	shalt  }
0x70: {  	_ =	shalt  }
0x71: {  	_ =	shalt  }
0x72: {  	_ =	shalt  }
0x73: {  	_ =	shalt  }
0x74: {  	_ =	shalt  }
0x75: {  	_ =	shalt  }
0x76: {  	_ =	shalt  }
0x77: {  	_ =	shalt  }
0x78: {  	_ =	shalt  }
0x79: {  	_ =	shalt  }
0x7a: {  	_ =	shalt  }
0x7b: {  	_ =	shalt  }
0x7c: {  	_ =	shalt  }
0x7d: {  	_ =	shalt  }
0x7e: {  	_ =	shalt  }
0x7f: {  	_ =	shalt  }
0x80: {  	_ =	shalt  }
0x81: {  	_ =	shalt  }
0x82: {  	_ =	shalt  }
0x83: {  	_ =	shalt  }
0x84: {  	_ =	shalt  }
0x85: {  	_ =	shalt  }
0x86: {  	_ =	shalt  }
0x87: {  	_ =	shalt  }
.Lfunc_end0:
.L_simem_size_0:
called_computation_lowered:
.L_overlay_start_0:
0x88: {  	s0 =	sld [smem:$0x3FD9]  }
0x89: {  	s1 =	sld [smem:$0x3FFE];
	_ =	sdelay $0x3  }
0x8a: {  	s0 =	sadd.s32 s1, s0  }
0x8b: {  	[smem:$0x3FC2] =	sst s0  }
0x8c: {  	_ = 	snop  }
0x8d: {  	s0 =	sld [smem:$0x3FD0];
	(tm) =	ssettm $0x1  }
0x8e: {  	s16 =	sld [smem:$0x3FFB];
	_ =	sdelay $0x3  }
0x8f: {  	_ =	strace s16  }
0x90: {  	s1 =	sld [smem:$0x3FFC];
	_ =	sdelay $0x3  }
0x91: {  	_ =	strace s1  }
0x92: {  	s1 =	sld [smem:$0x3FFD];
	_ =	sdelay $0x3  }
0x93: {  	_ =	strace s1  }
0x94: {  	_ =	strace $0x8FFFFFFF  }
0x95: {  	s17 =	sld [smem:$0x3FDB];
	_ =	sdelay $0x1  }
0x96: {  	s2 =	simm.s32 $_scs_section_size  }
0x97: {  	s3 =	simm.s32 $_size__tile_overlayer_lowered;
	s4 =	simm.s32 $_tile_overlayer_lowered  }
0x98: {  	s20 =	simm.s32 $0x1BFF;
	s19 =	sshll.u32 s4, $0x1;
	s1 =	sadd.s32 s2, s17  }
0x99: {  	s5 =	simm.s32 $0x0;
	s18 =	sshll.u32 s3, $0x1;
	s3 =	sadd.s32 s19, s1  }
0x9a: {  	[timem:s5], [sflag:s20] =	dma.local [hbm:s3], s18  }
0x9b: {  	_ =	swait.ge [sflag:s20], s18  }
0x9c: {  	s2 =	ssub.s32 $0x0, s18;
	[sflag:s20] =	ssyncset.done $0x0  }
0x9d: {  	[sflag:s20] =	ssyncadd.s32 s2;
	_ =	sdelay $0x1  }
0x9e: {  	s21 =	simm.s32 $0x1B8B  }
0x9f: {  	_ =	swait.ge [sflag:s21], $0x1  }
0xa0: {  	[sflag:s21] =	ssyncset.done $0x0  }
0xa1: {  	s23 =	simm.s32 $0x1B8E;
	s22 =	sld [smem:$0x3FFE];
	[sflag:s21] =	ssyncadd.s32 $0xFFFFFFFF  }
0xa2: {  	s24 =	simm.s32 $execute0_lowered;
	[smem:$0x3FD2] =	sst s23  }
0xa3: {  	s3 =	sshll.u32 s24, $0x1;
	_ =	strace $0x80000046;
	[dreg:$0x1] =	wrdreg $0xFFFFFFFF  }
0xa4: {  	s25 =	simm.s32 $_size_execute0_lowered;
	s1 =	sadd.s32 s1, s3;
	[dreg:$0x0] =	wrdreg $0x0  }
0xa5: {  	s3 =	sshll.u32 s25, $0x1;
	[dreg:$0x2] =	wrdreg s1  }
0xa6: {  	[dreg:$0x3] =	wrdreg s3  }
0xa7: {  	[dreg:$0x4] =	wrdreg $0xC0  }
0xa8: {  	_ =	task [dreg:s5], $0x5FFFF  }
0xa9: {  	[dreg:$0x1] =	wrdreg $0xFFFFFFFF  }
0xaa: {  	[dreg:$0x0] =	wrdreg $0x60  }
0xab: {  	[dreg:$0x2] =	wrdreg s22  }
0xac: {  	[dreg:$0x3] =	wrdreg s0  }
0xad: {  	[dreg:$0x4] =	wrdreg $0x9  }
0xae: {  	_ =	task.clear_ibuf [dreg:s5], $0x5FFFF;
	_ =	strace $0x90000046  }
0xaf: {  	s26 =	simm.s32 $0x9;
	_ =	strace $0x80000048  }
0xb0: {  	_ =	swait.ge [sflag:s26], $0x1  }
0xb1: {  	[sflag:s26] =	ssyncadd.s32 $0xFFFFFFFF  }
0xb2: {  	_ =	strace $0x90000048  }
0xb3: {  	_ =	sfence  }
0xb4: {  	s28 =	sld [smem:$0x0];
	_ =	sdelay $0x1  }
0xb5: {  	s29 =	srdreg.scid  }
0xb6: {  	s30 =	sshll.u32 s29, $0xD;
	s31 =	sshrl.u32 s29, $0x2  }
0xb7: {  	s2 =	sand.u32 $0x4000, s30;
	s1 =	sand.u32 $0x1, s29;
	s0 =	sadd.s32 s31, s28  }
0xb8: {  	s1 =	sor.u32 s2, s1;
	s0 =	sshll.u32 s0, $0x11  }
0xb9: {  	s0 =	sor.u32 s0, s1  }
0xba: {  	s0 =	sadd.s32 $0x8F2B, s0  }
0xbb: {  	[sflag:s0] =	ssyncadd.remote.s32 $0x1  }
0xbc: {  	_ =	sfence.sel $0xFFFF  }
0xbd: {  	[dreg:$0x0] =	wrdreg $0xFFFFFFFF;
	(pc) =	sbr.abs _section_cstart, $3  }
0xbe: {  	[dreg:$0x1] =	wrdreg $0xFFFFFFFF  }
0xbf: {  	_ =	task.clear_ibuf [dreg:s5], $0x2FFFF;
	_ =	strace $0x9FFFFFFF  }
0xc0: {  	(tm) =	ssettm $0x7FFFFFFF  }
0xc1: {  	_ =	shalt  }
tec
execute0_lowered:
.L_overlay_start_1:
0x0: {  	(tag) =	ssettag $0x1  }
0x1: {  	s5 =	rddreg [dreg:$0x0]  }
0x2: {  	s6 =	rddreg [dreg:$0x1]  }
0x3: {  	s0 =	rddreg [dreg:$0x2];
	_ =	strace $0x80000047;
	s7 =	stileid.u32  }
0x4: {  	s3 =	simm.s32 $0x3E;
	s1 =	sadd.s32 $0x600, s5;
	p0 =	sne.s32 s7, $0x0  }
0x5: {  	[sflag:s3] =	ssyncpa.u1 $0x0;
	s4 =	simm.s32 @!p0 $0x1C3E;
	s2 =	simm.s32 @!p0 $0x0  }
0x6: {  	[spmem:s2], [sflag:s4] =	dma.local @!p0 [hbm:s1], $0x10  }
0x7: {  	s4 =	simm.s32 @!p0 $0x3E  }
0x8: {  	_ =	swait.ge @!p0 [sflag:s4], $0x10  }
0x9: {  	[sflag:s4] =	ssyncset.done @!p0 $0x0  }
0xa: {  	[sflag:s4] =	ssyncadd.s32 @!p0 $0xFFFFFFF0  }
0xb: {  	s9 =	simm.s32 $0x108;
	s8 =	sadd.s32 $0x400, s5;
	[bflag:$0x0] =	sbarrier.arrive $0xFFFF  }
0xc: {  	s7 =	sshll.u32 s7, $0x5;
	[sflag:s3] =	ssyncpa.u1 $0x1;
	s3 =	simm.s32 $0x1  }
0xd: {  	s5 =	simm.s32 $0x0;
	s4 =	simm.s32 $0x2;
	[sflag:s3] =	ssyncpa.u1 $0x0  }
0xe: {  	s6 =	sadd.s32 s6, s7;
	(ifvalue) =	ssetifvalue $0x80;
	[sflag:s4] =	ssyncpa.u1 $0x0  }
0xf: {  	[tilespmem:s9], [sflag:$0x2] =	stream.linear.gather [hbm4b:s6+s5], $0x100, $0x38;
	[tilespmem:$0x408] =	vst v63  }
0x10: {  	s23 =	simm.s32 $0x308;
	s22 =	sadd.s32 s8, s7  }
0x11: {  	[tilespmem:s23], [sflag:$0x2] =	stream.linear.gather [hbm4b:s22+s5], $0x100, $0x38;
	[tilespmem:$0x408] =	vst v63  }
0x12: {  	_ =	swait.ge [sflag:s4], $0x200  }
0x13: {  	[sflag:s4] =	ssyncset.done $0x0  }
0x14: {  	[sflag:s4] =	ssyncadd.s32 $0xFFFFFE00  }
0x15: {  	v0 =	vld.msk [tilespmem:s9+$0x0 ss:$0x1], $0xffff;
	_ =	sdelay $0x4  }
0x16: {  	v0 =	vmin.u32 v0, $0x80;
	_ =	sdelay $0x3  }
0x17: {  	vm0 =	vmmov $0xffff;
	s24 =	simm.s32 $0x118  }
0x18: {  	[spmem:s5] =	stream.indirect_vreg.scatter.add.s32 [tilespmem:s23], [sflag:$0x1], $0x1, v0, vm0, $0x4038;
	[tilespmem:$0x408] =	vst v63  }
0x19: {  	v0 =	vld.msk [tilespmem:s24+$0x0 ss:$0x1], $0xffff;
	_ =	sdelay $0x4  }
0x1a: {  	v0 =	vmin.u32 v0, $0x80;
	_ =	sdelay $0x3  }
0x1b: {  	s25 =	simm.s32 $0x318;
	s26 =	simm.s32 $0x128  }
0x1c: {  	[spmem:s5] =	stream.indirect_vreg.scatter.add.s32 [tilespmem:s25], [sflag:$0x1], $0x1, v0, vm0, $0x4038;
	[tilespmem:$0x408] =	vst v63  }
0x1d: {  	v0 =	vld.msk [tilespmem:s26+$0x0 ss:$0x1], $0xffff;
	_ =	sdelay $0x4  }
0x1e: {  	v0 =	vmin.u32 v0, $0x80;
	_ =	sdelay $0x3  }
0x1f: {  	s28 =	simm.s32 $0x328;
	s29 =	simm.s32 $0x138  }
0x20: {  	[spmem:s5] =	stream.indirect_vreg.scatter.add.s32 [tilespmem:s28], [sflag:$0x1], $0x1, v0, vm0, $0x4038;
	[tilespmem:$0x408] =	vst v63  }
0x21: {  	v0 =	vld.msk [tilespmem:s29+$0x0 ss:$0x1], $0xffff;
	_ =	sdelay $0x4  }
0x22: {  	v0 =	vmin.u32 v0, $0x80;
	_ =	sdelay $0x3  }
0x23: {  	s30 =	simm.s32 $0x338;
	s31 =	simm.s32 $0x148  }
0x24: {  	[spmem:s5] =	stream.indirect_vreg.scatter.add.s32 [tilespmem:s30], [sflag:$0x1], $0x1, v0, vm0, $0x4038;
	[tilespmem:$0x408] =	vst v63  }
0x25: {  	v0 =	vld.msk [tilespmem:s31+$0x0 ss:$0x1], $0xffff;
	_ =	sdelay $0x4  }
0x26: {  	v0 =	vmin.u32 v0, $0x80;
	_ =	sdelay $0x3  }
0x27: {  	s7 =	simm.s32 $0x348;
	s8 =	simm.s32 $0x158  }
0x28: {  	[spmem:s5] =	stream.indirect_vreg.scatter.add.s32 [tilespmem:s7], [sflag:$0x1], $0x1, v0, vm0, $0x4038;
	[tilespmem:$0x408] =	vst v63  }
0x29: {  	v0 =	vld.msk [tilespmem:s8+$0x0 ss:$0x1], $0xffff;
	_ =	sdelay $0x4  }
0x2a: {  	v0 =	vmin.u32 v0, $0x80;
	_ =	sdelay $0x3  }
0x2b: {  	s10 =	simm.s32 $0x168;
	s9 =	simm.s32 $0x358  }
0x2c: {  	[spmem:s5] =	stream.indirect_vreg.scatter.add.s32 [tilespmem:s9], [sflag:$0x1], $0x1, v0, vm0, $0x4038;
	[tilespmem:$0x408] =	vst v63  }
0x2d: {  	v0 =	vld.msk [tilespmem:s10+$0x0 ss:$0x1], $0xffff;
	_ =	sdelay $0x4  }
0x2e: {  	v0 =	vmin.u32 v0, $0x80;
	_ =	sdelay $0x3  }
0x2f: {  	s11 =	simm.s32 $0x368;
	s12 =	simm.s32 $0x178  }
0x30: {  	[spmem:s5] =	stream.indirect_vreg.scatter.add.s32 [tilespmem:s11], [sflag:$0x1], $0x1, v0, vm0, $0x4038;
	[tilespmem:$0x408] =	vst v63  }
0x31: {  	v0 =	vld.msk [tilespmem:s12+$0x0 ss:$0x1], $0xffff;
	_ =	sdelay $0x4  }
0x32: {  	v0 =	vmin.u32 v0, $0x80;
	_ =	sdelay $0x3  }
0x33: {  	s13 =	simm.s32 $0x378;
	s14 =	simm.s32 $0x188  }
0x34: {  	[spmem:s5] =	stream.indirect_vreg.scatter.add.s32 [tilespmem:s13], [sflag:$0x1], $0x1, v0, vm0, $0x4038;
	[tilespmem:$0x408] =	vst v63  }
0x35: {  	v0 =	vld.msk [tilespmem:s14+$0x0 ss:$0x1], $0xffff;
	_ =	sdelay $0x4  }
0x36: {  	v0 =	vmin.u32 v0, $0x80;
	_ =	sdelay $0x3  }
0x37: {  	s15 =	simm.s32 $0x388;
	s16 =	simm.s32 $0x198  }
0x38: {  	[spmem:s5] =	stream.indirect_vreg.scatter.add.s32 [tilespmem:s15], [sflag:$0x1], $0x1, v0, vm0, $0x4038;
	[tilespmem:$0x408] =	vst v63  }
0x39: {  	v0 =	vld.msk [tilespmem:s16+$0x0 ss:$0x1], $0xffff;
	_ =	sdelay $0x4  }
0x3a: {  	v0 =	vmin.u32 v0, $0x80;
	_ =	sdelay $0x3  }
0x3b: {  	s17 =	simm.s32 $0x398;
	s18 =	simm.s32 $0x1A8  }
0x3c: {  	[spmem:s5] =	stream.indirect_vreg.scatter.add.s32 [tilespmem:s17], [sflag:$0x1], $0x1, v0, vm0, $0x4038;
	[tilespmem:$0x408] =	vst v63  }
0x3d: {  	v0 =	vld.msk [tilespmem:s18+$0x0 ss:$0x1], $0xffff;
	_ =	sdelay $0x4  }
0x3e: {  	v0 =	vmin.u32 v0, $0x80;
	_ =	sdelay $0x3  }
0x3f: {  	s19 =	simm.s32 $0x3A8;
	s20 =	simm.s32 $0x1B8  }
0x40: {  	[spmem:s5] =	stream.indirect_vreg.scatter.add.s32 [tilespmem:s19], [sflag:$0x1], $0x1, v0, vm0, $0x4038;
	[tilespmem:$0x408] =	vst v63  }
0x41: {  	v0 =	vld.msk [tilespmem:s20+$0x0 ss:$0x1], $0xffff;
	_ =	sdelay $0x4  }
0x42: {  	v0 =	vmin.u32 v0, $0x80;
	_ =	sdelay $0x3  }
0x43: {  	s21 =	simm.s32 $0x3B8;
	s22 =	simm.s32 $0x1C8  }
0x44: {  	[spmem:s5] =	stream.indirect_vreg.scatter.add.s32 [tilespmem:s21], [sflag:$0x1], $0x1, v0, vm0, $0x4038;
	[tilespmem:$0x408] =	vst v63  }
0x45: {  	v0 =	vld.msk [tilespmem:s22+$0x0 ss:$0x1], $0xffff;
	_ =	sdelay $0x4  }
0x46: {  	v0 =	vmin.u32 v0, $0x80;
	_ =	sdelay $0x3  }
0x47: {  	s23 =	simm.s32 $0x3C8;
	s24 =	simm.s32 $0x1D8  }
0x48: {  	[spmem:s5] =	stream.indirect_vreg.scatter.add.s32 [tilespmem:s23], [sflag:$0x1], $0x1, v0, vm0, $0x4038;
	[tilespmem:$0x408] =	vst v63  }
0x49: {  	v0 =	vld.msk [tilespmem:s24+$0x0 ss:$0x1], $0xffff;
	_ =	sdelay $0x4  }
0x4a: {  	v0 =	vmin.u32 v0, $0x80;
	_ =	sdelay $0x3  }
0x4b: {  	s25 =	simm.s32 $0x3D8;
	s26 =	simm.s32 $0x1E8  }
0x4c: {  	[spmem:s5] =	stream.indirect_vreg.scatter.add.s32 [tilespmem:s25], [sflag:$0x1], $0x1, v0, vm0, $0x4038;
	[tilespmem:$0x408] =	vst v63  }
0x4d: {  	v0 =	vld.msk [tilespmem:s26+$0x0 ss:$0x1], $0xffff;
	_ =	sdelay $0x4  }
0x4e: {  	v0 =	vmin.u32 v0, $0x80;
	_ =	sdelay $0x3  }
0x4f: {  	s28 =	simm.s32 $0x3E8;
	s29 =	simm.s32 $0x1F8  }
0x50: {  	[spmem:s5] =	stream.indirect_vreg.scatter.add.s32 [tilespmem:s28], [sflag:$0x1], $0x1, v0, vm0, $0x4038;
	[tilespmem:$0x408] =	vst v63  }
0x51: {  	v0 =	vld.msk [tilespmem:s29+$0x0 ss:$0x1], $0xffff;
	_ =	sdelay $0x4  }
0x52: {  	v0 =	vmin.u32 v0, $0x80;
	_ =	sdelay $0x3  }
0x53: {  	s30 =	simm.s32 $0x3F8  }
0x54: {  	[spmem:s5] =	stream.indirect_vreg.scatter.add.s32 [tilespmem:s30], [sflag:$0x1], $0x1, v0, vm0, $0x4038;
	[tilespmem:$0x408] =	vst v63  }
0x55: {  	_ =	swait.ge [sflag:s3], $0x100  }
0x56: {  	[sflag:s3] =	ssyncset.done $0x0  }
0x57: {  	[sflag:s3] =	ssyncadd.s32 $0xFFFFFF00  }
0x58: {  	_ =	sfence.sel $0x180000  }
0x59: {  	[bflag:$0x0] =	sbarrier.arrive $0xFFFF  }
0x5a: {  	[sflag:s4] =	ssyncpa.u1 $0x1  }
0x5b: {  	[sflag:s3] =	ssyncpa.u1 $0x1  }
0x5c: {  	_ =	sfence.stream.spmem  }
0x5d: {  	s31 =	simm.s32 $0x3D;
	[bflag:$0x0] =	sbarrier.arrive $0xFFFF  }
0x5e: {  	s3 =	simm.s32 @p0 $0x3D;
	[sflag:s31] =	ssyncpa.u1 $0x0  }
0x5f: {  	[sflag:s3] =	ssyncpa.u1 @p0 $0x1  }
0x60: {  	[bflag:$0x0] =	sbarrier.arrive @p0 $0xFFFF  }
0x61: {  	_ =	strace @p0 $0x90000047  }
0x62: {  	s3 =	simm.s32 @!p0 $0x1C3D;
	[bflag:$0x2] =	sbarrier.arrive @p0 $0xFFFF  }
0x63: {  	[hbm:s1], [sflag:s3] =	dma.local @!p0 [spmem:s2], $0x10  }
0x64: {  	s1 =	simm.s32 @!p0 $0x3D  }
0x65: {  	_ =	swait.ge @!p0 [sflag:s1], $0x10  }
0x66: {  	[sflag:s1] =	ssyncset.done @!p0 $0x0  }
0x67: {  	[sflag:s1] =	ssyncadd.s32 @!p0 $0xFFFFFFF0  }
0x68: {  	[sflag:s1] =	ssyncpa.u1 @!p0 $0x1  }
0x69: {  	[bflag:$0x0] =	sbarrier.arrive @!p0 $0xFFFF  }
0x6a: {  	_ =	strace @!p0 $0x90000047  }
0x6b: {  	s0 =	sadd.s32 @!p0 $0x100000, s0;
	[bflag:$0x2] =	sbarrier.arrive @!p0 $0xFFFF  }
0x6c: {  	[sflag:s0] =	ssyncadd.tile.s32 @!p0 $0x1;
	_ =	shalt  }
.Lfunc_end2:
_tile_overlayer_lowered:
.L_overlay_start_2:
0x6d: {  	(tag) =	ssettag $0x2  }
0x6e: {  	s0 =	rddreg [dreg:$0x0];
	s2 =	stileid.u32  }
0x6f: {  	s1 =	rddreg [dreg:$0x1];
	p0 =	sne.s32 s2, $0x0  }
0x70: {  	s3 =	rddreg [dreg:$0x2];
	[bflag:$0x3] =	sbarrier.arrive $0xFFFF;
	s2 =	simm.s32 @!p0 $0x1C01  }
0x71: {  	[timem:s3], [sflag:s2] =	dma.local @!p0 [hbm:s0], s1  }
0x72: {  	s0 =	simm.s32 @!p0 $0x1  }
0x73: {  	_ =	swait.ge @!p0 [sflag:s0], s1  }
0x74: {  	s1 =	ssub.s32 @!p0 $0x0, s1;
	[sflag:s0] =	ssyncset.done @!p0 $0x0  }
0x75: {  	[sflag:s0] =	ssyncadd.s32 @!p0 s1  }
0x76: {  	[bflag:$0x3] =	sbarrier.arrive $0xFFFF  }
0x77: {  	_ =	shalt  }

// kernel: sparse-core-data-format-call.1.cloned.1.call-start
scs
called_computation.2_lowered:
.L_overlay_start_0:
0x0: {  	s2 =	sld [smem:$0x3FD9]  }
0x1: {  	s3 =	sld [smem:$0x3FFE];
	_ =	sdelay $0x1  }
0x2: {  	s1 =	srdreg.scid  }
0x3: {  	s0 =	sand.u32 $0x1, s1  }
0x4: {  	s18 =	sshll.u32 s0, $0xA;
	s2 =	sadd.s32 s3, s2  }
0x5: {  	s2 =	sadd.s32 s2, s18  }
0x6: {  	[smem:$0x3FC2] =	sst s2  }
0x7: {  	_ = 	snop  }
0x8: {  	(tm) =	ssettm $0x1  }
0x9: {  	s19 =	sld [smem:$0x3FFB];
	_ =	sdelay $0x3  }
0xa: {  	_ =	strace s19  }
0xb: {  	s2 =	sld [smem:$0x3FFC];
	_ =	sdelay $0x3  }
0xc: {  	_ =	strace s2  }
0xd: {  	s2 =	sld [smem:$0x3FFD];
	_ =	sdelay $0x3  }
0xe: {  	_ =	strace s2  }
0xf: {  	_ =	strace $0x8FFFFFFF  }
0x10: {  	s20 =	sld [smem:$0x3FDB];
	_ =	sdelay $0x1  }
0x11: {  	s21 =	simm.s32 $_scs_section_size  }
0x12: {  	s4 =	simm.s32 $_size__tile_overlayer_lowered;
	s5 =	simm.s32 $_tile_overlayer_lowered  }
0x13: {  	s6 =	simm.s32 $0x1BFF;
	s22 =	sshll.u32 s5, $0x1;
	s3 =	sadd.s32 s21, s20  }
0x14: {  	s23 =	simm.s32 $0x0;
	s4 =	sshll.u32 s4, $0x1;
	s5 =	sadd.s32 s22, s3  }
0x15: {  	[timem:s23], [sflag:s6] =	dma.local [hbm:s5], s4  }
0x16: {  	_ =	swait.ge [sflag:s6], s4  }
0x17: {  	s4 =	ssub.s32 $0x0, s4;
	[sflag:s6] =	ssyncset.done $0x0  }
0x18: {  	[sflag:s6] =	ssyncadd.s32 s4;
	_ =	sdelay $0x1  }
0x19: {  	s24 =	simm.s32 $0x1B8B  }
0x1a: {  	_ =	swait.ge [sflag:s24], $0x1  }
0x1b: {  	[sflag:s24] =	ssyncset.done $0x0  }
0x1c: {  	[sflag:s24] =	ssyncadd.s32 $0xFFFFFFFF  }
0x1d: {  	s4 =	sld [smem:$0x0]  }
0x1e: {  	s5 =	sand.u32 $0xFFFFFFFE, s1  }
0x1f: {  	p0 =	sne.s32 s1, s5  }
0x20: {  	s5 =	sshll.u32 @p0 s5, $0xE  }
0x21: {  	s5 =	sadd.s32 @p0 $0x11B8D, s5;
	s6 =	sshll.u32 @p0 s4, $0x11  }
0x22: {  	s5 =	sor.u32 @p0 s6, s5  }
0x23: {  	[sflag:s5] =	ssyncadd.remote.s32 @p0 $0x1;
	_ =	sdelay $0x1  }
0x24: {  	s5 =	simm.s32 @p0 $0x1B8D  }
0x25: {  	_ =	swait.eq @p0 [sflag:s5], $0x1  }
0x26: {  	[sflag:s5] =	ssyncadd.s32 @p0 $0xFFFFFFFF  }
0x27: {  	s6 =	sshll.u32 @!p0 s1, $0xE  }
0x28: {  	s6 =	sor.u32 @!p0 $0x4000, s6;
	s5 =	simm.s32 @!p0 $0x1B8D  }
0x29: {  	s4 =	sshll.u32 @!p0 s4, $0x11;
	s6 =	sadd.s32 @!p0 $0x11B8D, s6;
	_ =	swait.eq @!p0 [sflag:s5], $0x1  }
0x2a: {  	s4 =	sor.u32 @!p0 s4, s6;
	[sflag:s5] =	ssyncadd.s32 @!p0 $0xFFFFFFFF  }
0x2b: {  	s26 =	simm.s32 $0x1B8E;
	s25 =	sld [smem:$0x3FFE];
	[sflag:s4] =	ssyncadd.remote.s32 @!p0 $0x1  }
0x2c: {  	s27 =	simm.s32 $execute0_lowered;
	[smem:$0x3FD2] =	sst s26  }
0x2d: {  	s5 =	sshll.u32 s27, $0x1;
	_ =	strace $0x8000004C;
	[dreg:$0x1] =	wrdreg $0xFFFFFFFF  }
0x2e: {  	s28 =	simm.s32 $_size_execute0_lowered;
	s3 =	sadd.s32 s3, s5;
	[dreg:$0x0] =	wrdreg $0x0  }
0x2f: {  	s5 =	sshll.u32 s28, $0x1;
	[dreg:$0x2] =	wrdreg s3  }
0x30: {  	[dreg:$0x3] =	wrdreg s5  }
0x31: {  	[dreg:$0x4] =	wrdreg $0xC0  }
0x32: {  	_ =	task [dreg:s23], $0x5FFFF  }
0x33: {  	[dreg:$0x1] =	wrdreg $0xFFFFFFFF  }
0x34: {  	[dreg:$0x0] =	wrdreg $0x60  }
0x35: {  	[dreg:$0x2] =	wrdreg s25  }
0x36: {  	[dreg:$0x3] =	wrdreg $0xA  }
0x37: {  	_ =	task.clear_ibuf [dreg:s23], $0x4FFFF;
	_ =	strace $0x9000004C  }
0x38: {  	s29 =	simm.s32 $0xA;
	_ =	strace $0x8000004E  }
0x39: {  	_ =	swait.ge [sflag:s29], $0x1  }
0x3a: {  	[sflag:s29] =	ssyncadd.s32 $0xFFFFFFFF  }
0x3b: {  	_ =	strace $0x9000004E  }
0x3c: {  	_ =	sfence  }
0x3d: {  	s30 =	sld [smem:$0x0];
	_ =	sdelay $0x2  }
0x3e: {  	s31 =	sshll.u32 s1, $0xD;
	s1 =	sshrl.u32 s1, $0x2  }
0x3f: {  	s4 =	sand.u32 $0x4000, s31;
	s1 =	sadd.s32 s1, s30  }
0x40: {  	s0 =	sor.u32 s4, s0;
	s1 =	sshll.u32 s1, $0x11  }
0x41: {  	s0 =	sor.u32 s1, s0  }
0x42: {  	s0 =	sadd.s32 $0x8F2B, s0  }
0x43: {  	[sflag:s0] =	ssyncadd.remote.s32 $0x1  }
0x44: {  	_ =	sfence.sel $0xFFFF  }
0x45: {  	[dreg:$0x0] =	wrdreg $0xFFFFFFFF;
	(pc) =	sbr.abs _section_cstart, $3  }
0x46: {  	[dreg:$0x1] =	wrdreg $0xFFFFFFFF  }
0x47: {  	_ =	task.clear_ibuf [dreg:s23], $0x2FFFF;
	_ =	strace $0x9FFFFFFF  }
0x48: {  	(tm) =	ssettm $0x7FFFFFFF  }
0x49: {  	_ =	shalt  }
tec
execute0_lowered:
.L_overlay_start_1:
0x0: {  	(tag) =	ssettag $0x1  }
0x1: {  	s0 =	srdreg.scid  }
0x2: {  	s1 =	sshll.u32 s0, $0x4  }
0x3: {  	s6 =	rddreg [dreg:$0x0];
	s0 =	stileid.u32;
	s1 =	sand.u32 $0x10, s1  }
0x4: {  	s5 =	simm.s32 $0x1;
	s31 =	simm.s32 $0x2;
	s1 =	sor.u32 s0, s1  }
0x5: {  	s13 =	simm.s32 $0x0;
	s8 =	simm.s32 $0x8000;
	s2 =	sshll.u32 s1, $0x7  }
0x6: {  	s12 =	simm.s32 $0x0;
	s9 =	simm.s32 $0x0;
	s3 =	ssub.s32 $0x1000, s2  }
0x7: {  	s11 =	simm.s32 $0x0;
	s1 =	rddreg [dreg:$0x1];
	s4 =	sand.u32 $0xF80, s3  }
.Ltmp0:
0x8: {  	_ =	strace $0x8000004D;
	p0 =	sne.s32 s4, $0x0;
	(pc) =	sbr.rel .LBB1_1-.Ltmp0, $4  }
0x9: {  	s10 =	smov.u32 s2;
	s7 =	sshrl.u32 s3, $0xC;
	s5 =	simm.s32 @!p0 $0x0  }
0xa: {  	s3 =	sadd.s32 $0xA00, s6;
	s4 =	simm.s32 $0x1;
	s5 =	sadd.s32 s5, s7  }
0xb: {  	s6 =	sadd.s32 $0x100A00, s6;
	[sflag:s4] =	ssyncpa.u1 $0x0;
	s5 =	sshll.u32 s5, $0x4  }
0xc: {  	p0 =	por $0x0, $0x0;
	[sflag:s31] =	ssyncpa.u1 $0x0;
	s7 =	sor.u32 $0x1, s5  }
.LBB1_4:
0xd: {  	v5 =	vld [tilespmem:s16+$0xFFFFFFD0]  }
0xe: {  	[tilespmem:s17+$0x2040 ss:$0x81] =	vst.msk $0xffff, v1;
	v58 =	vld [tilespmem:s16+$0xFFFFFFE0]  }
0xf: {  	[tilespmem:s17+$0x2850 ss:$0x81] =	vst.msk $0xffff, v2;
	v59 =	vld [tilespmem:s16+$0xFFFFFFF0]  }
0x10: {  	s18 =	sshra.s32 s18, $0x2;
	[tilespmem:s17+$0x3060 ss:$0x81] =	vst.msk $0xffff, v3;
	v60 =	vld [tilespmem:s16+$0x0]  }
0x11: {  	[tilespmem:s17+$0x0 ss:$0x81] =	vst.msk $0xffff, v0;
	v61 =	vld [tilespmem:s16+$0x10];
	s15 =	sadd.s32 s18, s15  }
0x12: {  	s26 =	sshll.u32 s13, $0xC;
	v62 =	vld [tilespmem:s16+$0x20];
	[tilespmem:s15+$0x3870 ss:$0x81] =	vst.msk $0xffff, v4  }
0x13: {  	s27 =	sand.u32 $0x78, s12;
	s19 =	sshll.u32 s12, $0x3;
	v63 =	vld [tilespmem:s16+$0xFFFFFFC0];
	s29 =	sshll.u32 s13, $0x7;
	[tilespmem:s15+$0x810 ss:$0x81] =	vst.msk $0xffff, v5  }
0x14: {  	s17 =	sand.u32 $0x7F8000, s26;
	s28 =	sand.u32 $0x7FFC00, s19;
	s19 =	sand.u32 $0xC00, s19;
	[tilespmem:s15+$0x1020 ss:$0x81] =	vst.msk $0xffff, v58  }
0x15: {  	s13 =	sand.u32 $0x380, s29;
	s16 =	sadd.s32 s28, s17;
	s30 =	sor.u32 s27, s19;
	[tilespmem:s15+$0x1830 ss:$0x81] =	vst.msk $0xffff, v59  }
0x16: {  	s16 =	sand.u32 $0x7FF000, s16;
	s13 =	sor.u32 s13, s30;
	[tilespmem:s15+$0x2040 ss:$0x81] =	vst.msk $0xffff, v60  }
0x17: {  	s31 =	sand.u32 $0x7, s12;
	s13 =	sor.u32 s16, s13;
	[tilespmem:s15+$0x2850 ss:$0x81] =	vst.msk $0xffff, v61  }
0x18: {  	s12 =	sshll.u32 s31, $0x12;
	[tilespmem:s15+$0x3060 ss:$0x81] =	vst.msk $0xffff, v62;
	s13 =	sshrl.u32 s13, $0x3  }
0x19: {  	s12 =	sor.u32 $0x400, s12;
	[tilespmem:s15+$0x0 ss:$0x81] =	vst.msk $0xffff, v63;
	s13 =	sadd.s32 s6, s13  }
0x1a: {  	[hbm4b:s13+s12] =	stream.strided.scatter [tilespmem:s14], [sflag:$0x2], $0x4000, s8, s12, $0x20;
	[tilespmem:$0x10100] =	vst v63  }
.LBB1_5:
0x1b: {  	s14 =	sadd.s32 $0x80, s9  }
0x1c: {  	s12 =	sadd.s32 $0x1000, s10;
	s16 =	smov.u32 s10;
	p2 =	sgt.s32 s14, $0x7FF  }
0x1d: {  	s16 =	smov.u32 @p2 s12  }
0x1e: {  	s14 =	simm.s32 @p2 $0x0;
	p2 =	sgt.s32 s16, $0xFFF  }
0x1f: {  	s16 =	smov.u32 @p2 s2;
	p2 =	sne.s32 s11, s7  }
.Ltmp1:
0x20: {  	p1 =	slt.u32 s11, $0x2;
	(pc) =	sbr.rel @!p2 .LBB1_6-.Ltmp1, $4  }
0x21: {  	s15 =	simm.s32 @!p1 $0x2  }
0x22: {  	s13 =	smov.u32 s9;
	p0 =	por !p0, !p0;
	_ =	swait.ge @!p1 [sflag:s15], $0x4000  }
0x23: {  	s12 =	smov.u32 s10;
	[sflag:s15] =	ssyncset.done @!p1 $0x0;
	s9 =	smov.u32 s14  }
0x24: {  	s11 =	sadd.s32 $0x1, s11;
	[sflag:s15] =	ssyncadd.s32 @!p1 $0xFFFFC000;
	s10 =	smov.u32 s16  }
.LBB1_1:
0x25: {  	p1 =	sge.u32 s11, s5;
	s31 =	sadd.s32 $0xFFFFFFFF, s11  }
0x26: {  	s14 =	sand.u32 @!p1 $0x78, s9;
	s15 =	sshll.u32 @!p1 s10, $0xB;
	s16 =	sshll.u32 @!p1 s10, $0x7  }
0x27: {  	s17 =	sshll.u32 @!p1 s9, $0x3;
	s15 =	sand.u32 @!p1 $0x7FC000, s15;
	s16 =	sand.u32 @!p1 $0x380, s16  }
0x28: {  	s15 =	sadd.s32 @!p1 s15, s17;
	s17 =	sand.u32 @!p1 $0x400, s17;
	s14 =	sor.u32 @!p1 s16, s14  }
0x29: {  	s16 =	sxor.u32 @!p1 $0xFFFFFFFF, s11;
	s15 =	sand.u32 @!p1 $0x7FF800, s15;
	s14 =	sor.u32 @!p1 s17, s14  }
0x2a: {  	s16 =	sshll.u32 @!p1 s16, $0xE;
	s14 =	sor.u32 @!p1 s15, s14;
	s15 =	sand.u32 @!p1 $0x7, s9  }
0x2b: {  	s17 =	simm.s32 @!p1 $0x4000;
	s14 =	sshrl.u32 @!p1 s14, $0x3;
	s15 =	sshll.u32 @!p1 s15, $0x12  }
0x2c: {  	s16 =	sand.u32 @!p1 $0x4000, s16;
	s14 =	sadd.s32 @!p1 s3, s14;
	s15 =	sor.u32 @!p1 $0x400, s15  }
0x2d: {  	[tilespmem:s16], [sflag:$0x1] =	stream.strided.gather @!p1 [hbm4b:s14+s15], $0x4000, s17, s15, $0x38;
	[tilespmem:$0x10100] =	vst v63  }
0x2e: {  	p1 =	sge.u32 s31, s5  }
.Ltmp2:
0x2f: {  	_ = 	snop;
	(pc) =	sbr.rel @p1 .LBB1_5-.Ltmp2, $1  }
0x30: {  	_ =	sdelay $0x3  }
0x31: {  	s14 =	simm.s32 $0x1  }
0x32: {  	_ =	swait.ge [sflag:s4], $0x4000;
	s14 =	simm.s32 @!p0 $0x0  }
0x33: {  	[sflag:s4] =	ssyncset.done $0x0;
	s15 =	sshll.u32 s14, $0xE  }
0x34: {  	[sflag:s4] =	ssyncadd.s32 $0xFFFFC000;
	s16 =	sor.u32 $0x40, s15  }
0x35: {  	s14 =	smul.u32 $0x10200, s14;
	v0 =	vld [tilespmem:s16+$0x30]  }
0x36: {  	v3 =	vld [tilespmem:s16+$0xFFFFFFD0]  }
0x37: {  	s14 =	sshrl.u32 s14, $0x2;
	v4 =	vld [tilespmem:s16+$0xFFFFFFE0]  }
0x38: {  	v5 =	vld [tilespmem:s16+$0xFFFFFFF0];
	s15 =	sor.u32 $0x8000, s14  }
0x39: {  	s31 =	sand.u32 $0x1, s11;
	v1 =	vld [tilespmem:s16+$0x0];
	s17 =	sadd.s32 $0x0, s15  }
0x3a: {  	v2 =	vld [tilespmem:s16+$0x10];
	s14 =	smul.u32 $0x10200, s31;
	[tilespmem:s17+$0x3870 ss:$0x81] =	vst.msk $0xffff, v0  }
0x3b: {  	[tilespmem:s17+$0x810 ss:$0x81] =	vst.msk $0xffff, v3;
	v3 =	vld [tilespmem:s16+$0x20]  }
0x3c: {  	s14 =	sshrl.u32 s14, $0x2;
	v0 =	vld [tilespmem:s16+$0xFFFFFFC0];
	[tilespmem:s17+$0x1020 ss:$0x81] =	vst.msk $0xffff, v4;
	s16 =	sadd.s32 $0x80, s16  }
0x3d: {  	s18 =	simm.s32 $0x4;
	s19 =	simm.s32 $0x8;
	s14 =	sor.u32 $0x8000, s14;
	[tilespmem:s17+$0x1830 ss:$0x81] =	vst.msk $0xffff, v5;
	v4 =	vld [tilespmem:s16+$0x30]  }
.LBB1_3:
0x3e: {  	p1 =	sne.s32 s19, $0x1FC;
	v5 =	vld [tilespmem:s16+$0xFFFFFFD0];
	[tilespmem:s17+$0x2040 ss:$0x81] =	vst.msk $0xffff, v1  }
0x3f: {  	v6 =	vld [tilespmem:s16+$0xFFFFFFE0];
	[tilespmem:s17+$0x2850 ss:$0x81] =	vst.msk $0xffff, v2  }
0x40: {  	s20 =	sshra.s32 s18, $0x2;
	s18 =	smov.u32 s19;
	v7 =	vld [tilespmem:s16+$0xFFFFFFF0];
	[tilespmem:s17+$0x3060 ss:$0x81] =	vst.msk $0xffff, v3  }
.Ltmp3:
0x41: {  	v1 =	vld [tilespmem:s16+$0x0];
	[tilespmem:s17+$0x0 ss:$0x81] =	vst.msk $0xffff, v0;
	s17 =	sadd.s32 s20, s15;
	(pc) =	sbr.rel @p1 .LBB1_3-.Ltmp3, $4  }
0x42: {  	v2 =	vld [tilespmem:s16+$0x10];
	[tilespmem:s17+$0x3870 ss:$0x81] =	vst.msk $0xffff, v4  }
0x43: {  	[tilespmem:s17+$0x810 ss:$0x81] =	vst.msk $0xffff, v5;
	v3 =	vld [tilespmem:s16+$0x20]  }
0x44: {  	v0 =	vld [tilespmem:s16+$0xFFFFFFC0];
	[tilespmem:s17+$0x1020 ss:$0x81] =	vst.msk $0xffff, v6;
	s16 =	sadd.s32 $0x80, s16  }
0x45: {  	s19 =	sadd.s32 $0x4, s19;
	v4 =	vld [tilespmem:s16+$0x30];
	[tilespmem:s17+$0x1830 ss:$0x81] =	vst.msk $0xffff, v7  }
.Ltmp4:
0x46: {  	_ = 	snop;
	(pc) =	sbr.rel .LBB1_4-.Ltmp4, $1  }
0x47: {  	_ =	sdelay $0x3  }
.LBB1_6:
0x48: {  	_ =	sfence.sel $0x180000  }
0x49: {  	s2 =	simm.s32 $0x1;
	[bflag:$0x0] =	sbarrier.arrive $0xFFFF  }
0x4a: {  	s31 =	simm.s32 $0x2;
	[sflag:s2] =	ssyncpa.u1 $0x1  }
0x4b: {  	[sflag:s31] =	ssyncpa.u1 $0x1  }
0x4c: {  	p0 =	sne.s32 s0, $0x0;
	_ =	strace $0x9000004D  }
0x4d: {  	s0 =	sadd.s32 @!p0 $0x100000, s1;
	[bflag:$0x2] =	sbarrier.arrive $0xFFFF  }
0x4e: {  	[sflag:s0] =	ssyncadd.tile.s32 @!p0 $0x1;
	_ =	shalt  }
.Lfunc_end1:
_tile_overlayer_lowered:
.L_overlay_start_2:
0x4f: {  	(tag) =	ssettag $0x2  }
0x50: {  	s0 =	rddreg [dreg:$0x0];
	s2 =	stileid.u32  }
0x51: {  	s1 =	rddreg [dreg:$0x1];
	p0 =	sne.s32 s2, $0x0  }
0x52: {  	s3 =	rddreg [dreg:$0x2];
	[bflag:$0x3] =	sbarrier.arrive $0xFFFF;
	s2 =	simm.s32 @!p0 $0x1C01  }
0x53: {  	[timem:s3], [sflag:s2] =	dma.local @!p0 [hbm:s0], s1  }
0x54: {  	s0 =	simm.s32 @!p0 $0x1  }
0x55: {  	_ =	swait.ge @!p0 [sflag:s0], s1  }
0x56: {  	s1 =	ssub.s32 @!p0 $0x0, s1;
	[sflag:s0] =	ssyncset.done @!p0 $0x0  }
0x57: {  	[sflag:s0] =	ssyncadd.s32 @!p0 s1  }
0x58: {  	[bflag:$0x3] =	sbarrier.arrive $0xFFFF  }
0x59: {  	_ =	shalt  }

// kernel: sparse-core-data-format-call.cloned.1.call-start
scs
called_computation.1_lowered:
.L_overlay_start_0:
0x0: {  	s1 =	sld [smem:$0x3FD9]  }
0x1: {  	s2 =	sld [smem:$0x3FFE];
	_ =	sdelay $0x1  }
0x2: {  	s3 =	srdreg.scid  }
0x3: {  	s0 =	sand.u32 $0x1, s3  }
0x4: {  	s17 =	sshll.u32 s0, $0xA;
	s1 =	sadd.s32 s2, s1  }
0x5: {  	s1 =	sadd.s32 s1, s17  }
0x6: {  	[smem:$0x3FC2] =	sst s1  }
0x7: {  	_ = 	snop  }
0x8: {  	(tm) =	ssettm $0x1  }
0x9: {  	s18 =	sld [smem:$0x3FFB];
	_ =	sdelay $0x3  }
0xa: {  	_ =	strace s18  }
0xb: {  	s1 =	sld [smem:$0x3FFC];
	_ =	sdelay $0x3  }
0xc: {  	_ =	strace s1  }
0xd: {  	s1 =	sld [smem:$0x3FFD];
	_ =	sdelay $0x3  }
0xe: {  	_ =	strace s1  }
0xf: {  	_ =	strace $0x8FFFFFFF  }
0x10: {  	s19 =	sld [smem:$0x3FDB];
	_ =	sdelay $0x1  }
0x11: {  	s20 =	simm.s32 $_scs_section_size  }
0x12: {  	s4 =	simm.s32 $_size__tile_overlayer_lowered;
	s5 =	simm.s32 $_tile_overlayer_lowered  }
0x13: {  	s23 =	simm.s32 $0x1BFF;
	s22 =	sshll.u32 s5, $0x1;
	s1 =	sadd.s32 s20, s19  }
0x14: {  	s6 =	simm.s32 $0x0;
	s21 =	sshll.u32 s4, $0x1;
	s4 =	sadd.s32 s22, s1  }
0x15: {  	[timem:s6], [sflag:s23] =	dma.local [hbm:s4], s21  }
0x16: {  	_ =	swait.ge [sflag:s23], s21  }
0x17: {  	s2 =	ssub.s32 $0x0, s21;
	[sflag:s23] =	ssyncset.done $0x0  }
0x18: {  	[sflag:s23] =	ssyncadd.s32 s2;
	_ =	sdelay $0x1  }
0x19: {  	s24 =	simm.s32 $0x1B8B  }
0x1a: {  	_ =	swait.ge [sflag:s24], $0x1  }
0x1b: {  	[sflag:s24] =	ssyncset.done $0x0  }
0x1c: {  	s26 =	simm.s32 $0x1B8E;
	s25 =	sld [smem:$0x3FFE];
	[sflag:s24] =	ssyncadd.s32 $0xFFFFFFFF  }
0x1d: {  	s27 =	simm.s32 $execute0_lowered;
	[smem:$0x3FD2] =	sst s26  }
0x1e: {  	s4 =	sshll.u32 s27, $0x1;
	_ =	strace $0x80000052;
	[dreg:$0x1] =	wrdreg $0xFFFFFFFF  }
0x1f: {  	s28 =	simm.s32 $_size_execute0_lowered;
	s1 =	sadd.s32 s1, s4;
	[dreg:$0x0] =	wrdreg $0x0  }
0x20: {  	s4 =	sshll.u32 s28, $0x1;
	[dreg:$0x2] =	wrdreg s1  }
0x21: {  	[dreg:$0x3] =	wrdreg s4  }
0x22: {  	[dreg:$0x4] =	wrdreg $0xC0  }
0x23: {  	_ =	task [dreg:s6], $0x5FFFF  }
0x24: {  	[dreg:$0x1] =	wrdreg $0xFFFFFFFF  }
0x25: {  	[dreg:$0x0] =	wrdreg $0x60  }
0x26: {  	[dreg:$0x2] =	wrdreg s25  }
0x27: {  	[dreg:$0x3] =	wrdreg $0x9  }
0x28: {  	_ =	task.clear_ibuf [dreg:s6], $0x4FFFF;
	_ =	strace $0x90000052  }
0x29: {  	s29 =	simm.s32 $0x9;
	_ =	strace $0x80000054  }
0x2a: {  	_ =	swait.ge [sflag:s29], $0x1  }
0x2b: {  	[sflag:s29] =	ssyncadd.s32 $0xFFFFFFFF  }
0x2c: {  	_ =	strace $0x90000054  }
0x2d: {  	_ =	sfence  }
0x2e: {  	s30 =	sld [smem:$0x0];
	_ =	sdelay $0x2  }
0x2f: {  	s31 =	sshll.u32 s3, $0xD;
	s3 =	sshrl.u32 s3, $0x2  }
0x30: {  	s2 =	sand.u32 $0x4000, s31;
	s1 =	sadd.s32 s3, s30  }
0x31: {  	s0 =	sor.u32 s2, s0;
	s1 =	sshll.u32 s1, $0x11  }
0x32: {  	s0 =	sor.u32 s1, s0  }
0x33: {  	s0 =	sadd.s32 $0x8F2B, s0  }
0x34: {  	[sflag:s0] =	ssyncadd.remote.s32 $0x1  }
0x35: {  	_ =	sfence.sel $0xFFFF  }
0x36: {  	[dreg:$0x0] =	wrdreg $0xFFFFFFFF;
	(pc) =	sbr.abs _section_cstart, $3  }
0x37: {  	[dreg:$0x1] =	wrdreg $0xFFFFFFFF  }
0x38: {  	_ =	task.clear_ibuf [dreg:s6], $0x2FFFF;
	_ =	strace $0x9FFFFFFF  }
0x39: {  	(tm) =	ssettm $0x7FFFFFFF  }
tec
execute0_lowered:
.L_overlay_start_1:
0x0: {  	(tag) =	ssettag $0x1  }
0x1: {  	s7 =	rddreg [dreg:$0x0]  }
0x2: {  	s1 =	stileid.u32;
	s3 =	srdreg.scid  }
0x3: {  	s0 =	rddreg [dreg:$0x1];
	_ =	strace $0x80000053;
	s8 =	simm.s32 $0x1  }
0x4: {  	s31 =	simm.s32 $0x2;
	s14 =	simm.s32 $0x0;
	s13 =	simm.s32 $0x0  }
0x5: {  	s12 =	simm.s32 $0x0;
	s2 =	sshll.u32 s1, $0x7;
	s3 =	sshll.u32 s3, $0x7  }
0x6: {  	s3 =	sand.u32 $0x80, s3;
	s4 =	ssub.s32 $0x800, s2;
	s11 =	smov.u32 s2  }
0x7: {  	s5 =	sshrl.u32 s4, $0xB;
	s4 =	sand.u32 $0x780, s4;
	s6 =	ssub.s32 $0x1800, s3  }
0x8: {  	p0 =	sne.s32 s4, $0x0;
	s30 =	sshrl.u32 s6, $0x7;
	s6 =	sshrl.u32 s6, $0x8  }
.Ltmp0:
0x9: {  	s8 =	simm.s32 @!p0 $0x0;
	s9 =	sand.u32 $0x1, s30;
	(pc) =	sbr.rel .LBB1_1-.Ltmp0, $4  }
0xa: {  	s4 =	simm.s32 $0x1;
	s5 =	sadd.s32 s8, s5;
	s6 =	sadd.s32 s6, s9  }
0xb: {  	s10 =	smov.u32 s3;
	[sflag:s4] =	ssyncpa.u1 $0x0;
	s5 =	smul.u32 s5, s6  }
0xc: {  	p0 =	por $0x0, $0x0;
	[sflag:s31] =	ssyncpa.u1 $0x0;
	s9 =	simm.s32 $0x4000  }
0xd: {  	s6 =	sadd.s32 $0x240800, s7;
	s7 =	sadd.s32 $0x800, s7;
	s8 =	sadd.s32 $0x1, s5  }
.LBB1_4:
0xe: {  	v5 =	vld [tilespmem:s17+$0xFFFFFFD0];
	[tilespmem:s18+$0x2040 ss:$0x81] =	vst.msk $0xffff, v3  }
0xf: {  	v58 =	vld [tilespmem:s17+$0xFFFFFFE0];
	[tilespmem:s18+$0x2850 ss:$0x81] =	vst.msk $0xffff, v4;
	s20 =	sshll.u32 s14, $0xB;
	s21 =	sshll.u32 s13, $0x3  }
0x10: {  	s19 =	sshra.s32 s19, $0x2;
	v59 =	vld [tilespmem:s17+$0xFFFFFFF0];
	[tilespmem:s18+$0x3060 ss:$0x81] =	vst.msk $0xffff, v2;
	s20 =	sand.u32 $0xFFFFC000, s20;
	s22 =	sand.u32 $0xFFFFFC00, s21  }
0x11: {  	[tilespmem:s18+$0x0 ss:$0x81] =	vst.msk $0xffff, v0;
	v60 =	vld [tilespmem:s17+$0x0];
	s16 =	sadd.s32 s19, s16;
	s25 =	sadd.s32 s22, s20  }
0x12: {  	v61 =	vld [tilespmem:s17+$0x10];
	[tilespmem:s16+$0x3870 ss:$0x81] =	vst.msk $0xffff, v1;
	s18 =	sshrl.u32 s25, $0xB  }
0x13: {  	v62 =	vld [tilespmem:s17+$0x20];
	s26 =	smulhi.u32 $0xAAAAB, s18;
	[tilespmem:s16+$0x810 ss:$0x81] =	vst.msk $0xffff, v5  }
0x14: {  	v63 =	vld [tilespmem:s17+$0xFFFFFFC0];
	s27 =	sand.u32 $0x78, s13;
	s28 =	sshll.u32 s14, $0x7;
	s29 =	sand.u32 $0x400, s21;
	[tilespmem:s16+$0x1020 ss:$0x81] =	vst.msk $0xffff, v58  }
0x15: {  	s14 =	sand.u32 $0x380, s28;
	s17 =	sor.u32 s27, s29;
	[tilespmem:s16+$0x1830 ss:$0x81] =	vst.msk $0xffff, v59;
	s19 =	smul.u32 $0x1800, s26  }
0x16: {  	s14 =	sor.u32 s14, s17;
	[tilespmem:s16+$0x2040 ss:$0x81] =	vst.msk $0xffff, v60  }
0x17: {  	s31 =	sand.u32 $0x7, s13;
	s14 =	sshrl.u32 s14, $0x3;
	[tilespmem:s16+$0x2850 ss:$0x81] =	vst.msk $0xffff, v61;
	s30 =	ssub.s32 s18, s19  }
0x18: {  	s13 =	sshll.u32 s31, $0x12;
	[tilespmem:s16+$0x3060 ss:$0x81] =	vst.msk $0xffff, v62;
	s14 =	sadd.s32 s7, s14;
	s17 =	sshll.u32 s30, $0x8  }
0x19: {  	s13 =	sor.u32 $0x400, s13;
	[tilespmem:s16+$0x0 ss:$0x81] =	vst.msk $0xffff, v63;
	s14 =	sadd.s32 s17, s14  }
0x1a: {  	[hbm4b:s14+s13] =	stream.strided.scatter [tilespmem:s15], [sflag:$0x2], $0x4000, s9, s13, $0x20;
	[tilespmem:$0x10100] =	vst v63  }
.LBB1_5:
0x1b: {  	s15 =	sadd.s32 $0x100, s10  }
0x1c: {  	s13 =	sadd.s32 $0x800, s11;
	s17 =	smov.u32 s11;
	p2 =	sgt.s32 s15, $0x17FF  }
0x1d: {  	s17 =	smov.u32 @p2 s13  }
0x1e: {  	s15 =	smov.u32 @p2 s3;
	p2 =	sgt.s32 s17, $0x7FF  }
0x1f: {  	s17 =	smov.u32 @p2 s2;
	p2 =	sne.s32 s12, s8  }
.Ltmp1:
0x20: {  	p1 =	slt.u32 s12, $0x2;
	(pc) =	sbr.rel @!p2 .LBB1_6-.Ltmp1, $4  }
0x21: {  	s16 =	simm.s32 @!p1 $0x2  }
0x22: {  	s14 =	smov.u32 s10;
	p0 =	por !p0, !p0;
	_ =	swait.ge @!p1 [sflag:s16], $0x4000  }
0x23: {  	s13 =	smov.u32 s11;
	[sflag:s16] =	ssyncset.done @!p1 $0x0;
	s10 =	smov.u32 s15  }
0x24: {  	s12 =	sadd.s32 $0x1, s12;
	[sflag:s16] =	ssyncadd.s32 @!p1 $0xFFFFC000;
	s11 =	smov.u32 s17  }
.LBB1_1:
0x25: {  	p1 =	sge.u32 s12, s5  }
0x26: {  	s15 =	sshrl.u32 @!p1 s11, $0x3  }
0x27: {  	s16 =	sshll.u32 @!p1 s10, $0x3;
	s17 =	sshll.u32 @!p1 s11, $0x7;
	s15 =	smul.u32 @!p1 $0xC000, s15  }
0x28: {  	s18 =	sand.u32 @!p1 $0x7F, s10;
	s16 =	sand.u32 @!p1 $0xFFFFFC00, s16;
	s17 =	sand.u32 @!p1 $0x380, s17  }
0x29: {  	s15 =	sadd.s32 @!p1 s15, s16;
	s16 =	sor.u32 @!p1 s18, s17  }
0x2a: {  	s16 =	sor.u32 @!p1 s15, s16  }
0x2b: {  	s17 =	smulhi.u32 @!p1 $0xAAAAAAAB, s16;
	_ =	sdelay $0x1  }
0x2c: {  	s15 =	smulhi.u32 @!p1 $0xAAAAAAAB, s15;
	s17 =	sshrl.u32 @!p1 s17, $0xC  }
0x2d: {  	s17 =	smul.u32 @!p1 $0x1800, s17  }
0x2e: {  	s31 =	sadd.s32 $0xFFFFFFFF, s12;
	s18 =	sxor.u32 @!p1 $0xFFFFFFFF, s12;
	s15 =	sshrl.u32 @!p1 s15, $0xC  }
0x2f: {  	s18 =	sshll.u32 @!p1 s18, $0xE;
	s15 =	sand.u32 @!p1 $0x7FF, s15;
	s16 =	ssub.s32 @!p1 s16, s17  }
0x30: {  	s15 =	smul.u32 @!p1 $0x300, s15;
	s17 =	sshrl.u32 @!p1 s16, $0x3;
	s16 =	sand.u32 @!p1 $0x7, s16  }
0x31: {  	s18 =	sand.u32 @!p1 $0x4000, s18;
	s17 =	sadd.s32 @!p1 s6, s17;
	s16 =	sshll.u32 @!p1 s16, $0x12  }
0x32: {  	s15 =	sadd.s32 @!p1 s15, s17;
	s16 =	sor.u32 @!p1 $0x400, s16;
	s17 =	simm.s32 @!p1 $0xC000  }
0x33: {  	[tilespmem:s18], [sflag:$0x1] =	stream.strided.gather @!p1 [hbm4b:s15+s16], $0x4000, s17, s16, $0x38;
	[tilespmem:$0x10100] =	vst v63  }
0x34: {  	p1 =	sge.u32 s31, s5  }
.Ltmp2:
0x35: {  	_ = 	snop;
	(pc) =	sbr.rel @p1 .LBB1_5-.Ltmp2, $1  }
0x36: {  	_ =	sdelay $0x3  }
0x37: {  	s15 =	simm.s32 $0x1  }
0x38: {  	_ =	swait.ge [sflag:s4], $0x4000;
	s15 =	simm.s32 @!p0 $0x0  }
0x39: {  	[sflag:s4] =	ssyncset.done $0x0;
	s16 =	sshll.u32 s15, $0xE  }
0x3a: {  	[sflag:s4] =	ssyncadd.s32 $0xFFFFC000;
	s17 =	sor.u32 $0x40, s16  }
0x3b: {  	s15 =	smul.u32 $0x10200, s15;
	v0 =	vld [tilespmem:s17+$0x30]  }
0x3c: {  	v1 =	vld [tilespmem:s17+$0xFFFFFFD0]  }
0x3d: {  	s15 =	sshrl.u32 s15, $0x2;
	v5 =	vld [tilespmem:s17+$0xFFFFFFE0]  }
0x3e: {  	v6 =	vld [tilespmem:s17+$0xFFFFFFF0];
	s16 =	sor.u32 $0x8000, s15  }
0x3f: {  	s31 =	sand.u32 $0x1, s12;
	v3 =	vld [tilespmem:s17+$0x0];
	s18 =	sadd.s32 $0x0, s16  }
0x40: {  	v4 =	vld [tilespmem:s17+$0x10];
	s15 =	smul.u32 $0x10200, s31;
	[tilespmem:s18+$0x3870 ss:$0x81] =	vst.msk $0xffff, v0  }
0x41: {  	v2 =	vld [tilespmem:s17+$0x20];
	[tilespmem:s18+$0x810 ss:$0x81] =	vst.msk $0xffff, v1  }
0x42: {  	s15 =	sshrl.u32 s15, $0x2;
	v0 =	vld [tilespmem:s17+$0xFFFFFFC0];
	[tilespmem:s18+$0x1020 ss:$0x81] =	vst.msk $0xffff, v5;
	s17 =	sadd.s32 $0x80, s17  }
0x43: {  	s19 =	simm.s32 $0x4;
	s20 =	simm.s32 $0x8;
	s15 =	sor.u32 $0x8000, s15;
	[tilespmem:s18+$0x1830 ss:$0x81] =	vst.msk $0xffff, v6;
	v1 =	vld [tilespmem:s17+$0x30]  }
.LBB1_3:
0x44: {  	p1 =	sne.s32 s20, $0x1FC;
	v5 =	vld [tilespmem:s17+$0xFFFFFFD0];
	[tilespmem:s18+$0x2040 ss:$0x81] =	vst.msk $0xffff, v3  }
0x45: {  	v6 =	vld [tilespmem:s17+$0xFFFFFFE0];
	[tilespmem:s18+$0x2850 ss:$0x81] =	vst.msk $0xffff, v4  }
0x46: {  	s21 =	sshra.s32 s19, $0x2;
	s19 =	smov.u32 s20;
	v7 =	vld [tilespmem:s17+$0xFFFFFFF0];
	[tilespmem:s18+$0x3060 ss:$0x81] =	vst.msk $0xffff, v2  }
.Ltmp3:
0x47: {  	v3 =	vld [tilespmem:s17+$0x0];
	[tilespmem:s18+$0x0 ss:$0x81] =	vst.msk $0xffff, v0;
	s18 =	sadd.s32 s21, s16;
	(pc) =	sbr.rel @p1 .LBB1_3-.Ltmp3, $4  }
0x48: {  	v4 =	vld [tilespmem:s17+$0x10];
	[tilespmem:s18+$0x3870 ss:$0x81] =	vst.msk $0xffff, v1  }
0x49: {  	[tilespmem:s18+$0x810 ss:$0x81] =	vst.msk $0xffff, v5;
	v2 =	vld [tilespmem:s17+$0x20]  }
0x4a: {  	v0 =	vld [tilespmem:s17+$0xFFFFFFC0];
	[tilespmem:s18+$0x1020 ss:$0x81] =	vst.msk $0xffff, v6;
	s17 =	sadd.s32 $0x80, s17  }
0x4b: {  	s20 =	sadd.s32 $0x4, s20;
	v1 =	vld [tilespmem:s17+$0x30];
	[tilespmem:s18+$0x1830 ss:$0x81] =	vst.msk $0xffff, v7  }
.Ltmp4:
0x4c: {  	_ = 	snop;
	(pc) =	sbr.rel .LBB1_4-.Ltmp4, $1  }
0x4d: {  	_ =	sdelay $0x3  }
.LBB1_6:
0x4e: {  	_ =	sfence.sel $0x180000  }
0x4f: {  	s2 =	simm.s32 $0x1;
	[bflag:$0x0] =	sbarrier.arrive $0xFFFF  }
0x50: {  	s31 =	simm.s32 $0x2;
	[sflag:s2] =	ssyncpa.u1 $0x1  }
0x51: {  	[sflag:s31] =	ssyncpa.u1 $0x1  }
0x52: {  	p0 =	sne.s32 s1, $0x0;
	_ =	strace $0x90000053  }
0x53: {  	s0 =	sadd.s32 @!p0 $0x100000, s0;
	[bflag:$0x2] =	sbarrier.arrive $0xFFFF  }
0x54: {  	[sflag:s0] =	ssyncadd.tile.s32 @!p0 $0x1;
	_ =	shalt  }
.Lfunc_end1:
_tile_overlayer_lowered:
.L_overlay_start_2:
0x55: {  	(tag) =	ssettag $0x2  }
0x56: {  	s0 =	rddreg [dreg:$0x0];
	s2 =	stileid.u32  }
0x57: {  	s1 =	rddreg [dreg:$0x1];
	p0 =	sne.s32 s2, $0x0  }
0x58: {  	s3 =	rddreg [dreg:$0x2];
	[bflag:$0x3] =	sbarrier.arrive $0xFFFF;
	s2 =	simm.s32 @!p0 $0x1C01  }
0x59: {  	[timem:s3], [sflag:s2] =	dma.local @!p0 [hbm:s0], s1  }
0x5a: {  	s0 =	simm.s32 @!p0 $0x1  }
0x5b: {  	_ =	swait.ge @!p0 [sflag:s0], s1  }
0x5c: {  	s1 =	ssub.s32 @!p0 $0x0, s1;
	[sflag:s0] =	ssyncset.done @!p0 $0x0  }
0x5d: {  	[sflag:s0] =	ssyncadd.s32 @!p0 s1  }
0x5e: {  	[bflag:$0x3] =	sbarrier.arrive $0xFFFF  }
0x5f: {  	_ =	shalt  }

</sc_bundles>
